<compile_context>
chip_gen: v7x
topology: tpu7x:2x2x1
jax: 0.10.2.dev20260603
libtpu: 0.0.44.dev20260713+nightly
codegen_flags: <defaults>
</compile_context>

<pallas_src>
import functools

import jax
import jax.numpy as jnp
from jax import lax
from jax.experimental import pallas as pl
from jax.experimental.pallas import tpu as pltpu
from jax.experimental.pallas import tpu_sc as plsc

N = 100000
E = 1600000
T = 7
C = 32
NSHARD = 8
SHARD = 12544
GARB = SHARD
ACC_ROWS = SHARD + 128
K = 1024
G = K // 128
EPT = E // 16
NCH = (EPT + K - 1) // K
E_PAD = 15 * EPT + NCH * K


def _sc_conv(y, srcp, dstp, typp):
    mesh = plsc.VectorSubcoreMesh(core_axis_name="c", subcore_axis_name="s")

    @functools.partial(
        pl.kernel,
        mesh=mesh,
        out_type=jax.ShapeDtypeStruct((NSHARD * SHARD, 128), jnp.float32),
        scratch_types=[
            pltpu.VMEM((K,), jnp.int32),
            pltpu.VMEM((K,), jnp.int32),
            pltpu.VMEM((K,), jnp.int32),
            pltpu.VMEM((G, 128), jnp.int32),
            pltpu.VMEM((G, 128), jnp.int32),
            pltpu.VMEM((128, 128), jnp.float32),
            pltpu.VMEM_SHARED((ACC_ROWS, 128), jnp.float32),
            pltpu.SemaphoreType.DMA,
        ],
    )
    def k(y_hbm, src_hbm, dst_hbm, typ_hbm, out_hbm,
          src_v, dst_v, typ_v, gidx_v, didx_v, rows_v, acc_sh, sem):
        c = lax.axis_index("c")
        s = lax.axis_index("s")

        base_e = s * EPT

        def one_pass(p, carry):
            lo = (2 * p + c) * SHARD

            def zrow(i, carry2):
                for half in range(8):
                    rows_v[i, pl.ds(half * 16, 16)] = jnp.zeros((16,),
                                                                jnp.float32)
                return carry2
            lax.fori_loop(0, 128, zrow, 0)

            def zacc(i, carry2):
                blk = s + i * 16

                @pl.when(blk < ACC_ROWS // 128)
                def _():
                    pltpu.sync_copy(rows_v, acc_sh.at[pl.ds(blk * 128, 128)])
                return carry2
            lax.fori_loop(0, (ACC_ROWS // 128 + 15) // 16, zacc, 0)
            plsc.subcore_barrier()

            def chunk(ci, carry2):
                off = base_e + ci * K
                pltpu.sync_copy(src_hbm.at[pl.ds(off, K)], src_v)
                pltpu.sync_copy(dst_hbm.at[pl.ds(off, K)], dst_v)
                pltpu.sync_copy(typ_hbm.at[pl.ds(off, K)], typ_v)
                loc0 = ci * K

                def grp(j, carry3):
                    sv = src_v[pl.ds(j * 16, 16)]
                    dv = dst_v[pl.ds(j * 16, 16)]
                    tv = typ_v[pl.ds(j * 16, 16)]
                    pos = loc0 + j * 16 + lax.iota(jnp.int32, 16)
                    u = dv - lo
                    m = (pos < EPT) & (u >= 0) & (u < SHARD)
                    gidx_v[j // 8, pl.ds((j % 8) * 16, 16)] = tv * N + sv
                    didx_v[j // 8, pl.ds((j % 8) * 16, 16)] = jnp.where(m, u, GARB)
                    return carry3
                lax.fori_loop(0, K // 16, grp, 0)

                for t in range(G):
                    pltpu.async_copy(y_hbm.at[gidx_v.at[t]], rows_v,
                                     sem).wait()
                    pltpu.sync_copy(rows_v, acc_sh.at[didx_v.at[t]],
                                    add=True)
                return carry2
            lax.fori_loop(0, NCH, chunk, 0)
            plsc.subcore_barrier()

            r = s * (SHARD // 16)
            pltpu.sync_copy(acc_sh.at[pl.ds(r, SHARD // 16)],
                            out_hbm.at[pl.ds(lo + r, SHARD // 16)])
            plsc.subcore_barrier()
            return carry
        lax.fori_loop(0, NSHARD // 2, one_pass, 0)

    return k(y, srcp, dstp, typp)


def _build_y(h, Wpad):
    NB = 1000
    cin = h.shape[1]

    def body(h_ref, w_ref, y_ref):
        y_ref[...] = jnp.dot(h_ref[...], w_ref[0],
                             preferred_element_type=jnp.float32)

    return pl.pallas_call(
        body,
        grid=(T, N // NB),
        in_specs=[
            pl.BlockSpec((NB, cin), lambda t, i: (i, 0)),
            pl.BlockSpec((1, cin, 128), lambda t, i: (t, 0, 0)),
        ],
        out_specs=pl.BlockSpec((NB, 128), lambda t, i: (t * (N // NB) + i, 0)),
        out_shape=jax.ShapeDtypeStruct((T * N, 128), jnp.float32),
    )(h, Wpad)


def _bias_gelu(a, b):
    NB = 2000

    def body(a_ref, b_ref, o_ref):
        o_ref[...] = jax.nn.gelu(a_ref[...] + b_ref[...])

    return pl.pallas_call(
        body,
        grid=(N // NB,),
        in_specs=[
            pl.BlockSpec((NB, C), lambda i: (i, 0)),
            pl.BlockSpec((1, C), lambda i: (0, 0)),
        ],
        out_specs=pl.BlockSpec((NB, C), lambda i: (i, 0)),
        out_shape=jax.ShapeDtypeStruct((N, C), jnp.float32),
    )(a, b)


def _resid_gelu(h1, c3, br2):
    NB = 2000

    def body(h_ref, c_ref, b_ref, o_ref):
        o_ref[...] = jax.nn.gelu(h_ref[...] + c_ref[...] + b_ref[...])

    return pl.pallas_call(
        body,
        grid=(N // NB,),
        in_specs=[
            pl.BlockSpec((NB, C), lambda i: (i, 0)),
            pl.BlockSpec((NB, C), lambda i: (i, 0)),
            pl.BlockSpec((1, C), lambda i: (0, 0)),
        ],
        out_specs=pl.BlockSpec((NB, C), lambda i: (i, 0)),
        out_shape=jax.ShapeDtypeStruct((N, C), jnp.float32),
    )(h1, c3, br2)


def _heads(h, Wp1, bp1, Wp2, bp2, Wq1, bq1, Wq2, bq2):
    NB = 2000

    def body(h_ref, wp1, bp1r, wp2, bp2r, wq1, bq1r, wq2, bq2r, o_ref):
        hb = h_ref[...]
        g1 = jax.nn.gelu(jnp.dot(hb, wp1[...],
                                 preferred_element_type=jnp.float32) + bp1r[...])
        o1 = jnp.dot(g1, wp2[...], preferred_element_type=jnp.float32) + bp2r[...]
        g2 = jax.nn.gelu(jnp.dot(hb, wq1[...],
                                 preferred_element_type=jnp.float32) + bq1r[...])
        o2 = jnp.dot(g2, wq2[...], preferred_element_type=jnp.float32) + bq2r[...]
        o_ref[...] = jnp.concatenate([o1, o2], axis=1)

    full = lambda shape: pl.BlockSpec(shape, lambda i: tuple(0 for _ in shape))
    return pl.pallas_call(
        body,
        grid=(N // NB,),
        in_specs=[
            pl.BlockSpec((NB, C), lambda i: (i, 0)),
            full((C, 32)), full((1, 32)), full((32, 2)), full((1, 2)),
            full((C, 32)), full((1, 32)), full((32, 4)), full((1, 4)),
        ],
        out_specs=pl.BlockSpec((NB, 6), lambda i: (i, 0)),
        out_shape=jax.ShapeDtypeStruct((N, 6), jnp.float32),
    )(h, Wp1, bp1, Wp2, bp2, Wq1, bq1, Wq2, bq2)


def kernel(x, edge_index, edge_type, W1, b1, Wr1, br1, Wr2, br2,
           Wp1, bp1, Wp2, bp2, Wq1, bq1, Wq2, bq2):
    src = edge_index[0]
    dst = edge_index[1]
    pad = E_PAD - E
    srcp = jnp.pad(src, (0, pad))
    dstp = jnp.pad(dst, (0, pad))
    typp = jnp.pad(edge_type, (0, pad))

    b1r = b1.reshape(1, C)
    br1r = br1.reshape(1, C)
    br2r = br2.reshape(1, C)
    wp = lambda W: jnp.pad(W, ((0, 0), (0, 0), (0, 128 - C)))
    W1p, Wr1p, Wr2p = wp(W1), wp(Wr1), wp(Wr2)

    cut = lambda a: a[:N, :C]
    c1 = cut(_sc_conv(_build_y(x, W1p), srcp, dstp, typp))
    h1 = _bias_gelu(c1, b1r)
    c2 = cut(_sc_conv(_build_y(h1, Wr1p), srcp, dstp, typp))
    r1 = _bias_gelu(c2, br1r)
    c3 = cut(_sc_conv(_build_y(r1, Wr2p), srcp, dstp, typp))
    h = _resid_gelu(h1, c3, br2r)
    return _heads(h, Wp1, bp1.reshape(1, 32), Wp2, bp2.reshape(1, 2),
                  Wq1, bq1.reshape(1, 32), Wq2, bq2.reshape(1, 4))

# --- scband reference (transcript-rebuilt; emitter-appended) ---
"""Pipeline reference for scband-graph-ounet-15487652069480 (READ-ONLY COPY).

The authoritative reference and input builder live on the scoring server;
editing this copy changes nothing except your own understanding.
"""

import jax, jax.numpy as jnp
import numpy as np

N = 100000
E = 1600000
C_IN = 4
C = 32
T = 7  # n_edge_type
HID = 32


def graph_conv(x, src, dst, edge_type, W, b, n):
    """Edge-type-conditioned graph convolution (core of modules_v1.GraphConv).

    out[v] = b + sum_t ( sum_{e: dst(e)=v, type(e)=t} x[src(e)] ) @ W[t]
    Implemented as gather -> per-type masked segment_sum -> per-type matmul.
    """
    xs = x[src]  # gather: [E, C_in]
    out = jnp.zeros((n, W.shape[2]), dtype=x.dtype)
    for t in range(W.shape[0]):
        mask = (edge_type == t).astype(x.dtype)[:, None]
        agg = jax.ops.segment_sum(xs * mask, dst, num_segments=n)  # scatter-add
        out = out + agg @ W[t]
    return out + b


def setup_inputs(seed: int = 0):
    key = jax.random.key(seed)
    ks = jax.random.split(key, 20)
    x = jax.random.normal(ks[0], (N, C_IN), dtype=jnp.float32)
    edge_index = jax.random.randint(ks[1], (2, E), 0, N, dtype=jnp.int32)
    edge_type = jax.random.randint(ks[2], (E,), 0, T, dtype=jnp.int32)
    s = 0.1
    W1 = jax.random.normal(ks[3], (T, C_IN, C), dtype=jnp.float32) * s
    b1 = jnp.zeros((C,), dtype=jnp.float32)
    Wr1 = jax.random.normal(ks[4], (T, C, C), dtype=jnp.float32) * s
    br1 = jnp.zeros((C,), dtype=jnp.float32)
    Wr2 = jax.random.normal(ks[5], (T, C, C), dtype=jnp.float32) * s
    br2 = jnp.zeros((C,), dtype=jnp.float32)
    Wp1 = jax.random.normal(ks[6], (C, HID), dtype=jnp.float32) * s
    bp1 = jnp.zeros((HID,), dtype=jnp.float32)
    Wp2 = jax.random.normal(ks[7], (HID, 2), dtype=jnp.float32) * s
    bp2 = jnp.zeros((2,), dtype=jnp.float32)
    Wq1 = jax.random.normal(ks[8], (C, HID), dtype=jnp.float32) * s
    bq1 = jnp.zeros((HID,), dtype=jnp.float32)
    Wq2 = jax.random.normal(ks[9], (HID, 4), dtype=jnp.float32) * s
    bq2 = jnp.zeros((4,), dtype=jnp.float32)
    return {
        "x": x, "edge_index": edge_index, "edge_type": edge_type,
        "W1": W1, "b1": b1, "Wr1": Wr1, "br1": br1, "Wr2": Wr2, "br2": br2,
        "Wp1": Wp1, "bp1": bp1, "Wp2": Wp2, "bp2": bp2,
        "Wq1": Wq1, "bq1": bq1, "Wq2": Wq2, "bq2": bq2,
    }


def reference(x, edge_index, edge_type, W1, b1, Wr1, br1, Wr2, br2,
              Wp1, bp1, Wp2, bp2, Wq1, bq1, Wq2, bq2):
    src = edge_index[0]
    dst = edge_index[1]
    # conv1: channel_in -> channels[depth]
    h = jax.nn.gelu(graph_conv(x, src, dst, edge_type, W1, b1, N))
    # GraphResBlock at finest depth: conv -> gelu -> conv, residual add, gelu
    h2 = graph_conv(h, src, dst, edge_type, Wr1, br1, N)
    h2 = jax.nn.gelu(h2)
    h2 = graph_conv(h2, src, dst, edge_type, Wr2, br2, N)
    h = jax.nn.gelu(h + h2)
    # predict head (Conv1x1 -> Conv1x1): split logits
    logits = jax.nn.gelu(h @ Wp1 + bp1) @ Wp2 + bp2  # [N, 2]
    # regress head: signed-distance regression
    reg = jax.nn.gelu(h @ Wq1 + bq1) @ Wq2 + bq2  # [N, 4]
    return jnp.concatenate([logits, reg], axis=1)  # [N, 6]

if __name__ == "__main__":
    import jax
    _d = setup_inputs()
    print(jax.jit(kernel)(*tuple(_d.values())))

</pallas_src>

<mosaic_0001>
#map = affine_map<(d0, d1) -> (0, 0)>
#map1 = affine_map<(d0, d1) -> (0)>
module attributes {stable_mosaic.version = 14 : i64} {
  func.func @k(%arg0: i32, %arg1: i32, %arg2: memref<700000x128xf32, #tpu.memory_space<hbm>>, %arg3: memref<1600352xi32, #tpu.memory_space<hbm>>, %arg4: memref<1600352xi32, #tpu.memory_space<hbm>>, %arg5: memref<1600352xi32, #tpu.memory_space<hbm>>, %arg6: memref<100352x128xf32, #tpu.memory_space<hbm>>, %arg7: memref<1024xi32, #tpu.memory_space<vmem>>, %arg8: memref<1024xi32, #tpu.memory_space<vmem>>, %arg9: memref<1024xi32, #tpu.memory_space<vmem>>, %arg10: memref<8x128xi32, #tpu.memory_space<vmem>>, %arg11: memref<8x128xi32, #tpu.memory_space<vmem>>, %arg12: memref<128x128xf32, #tpu.memory_space<vmem>>, %arg13: memref<12672x128xf32, #tpu.memory_space<vmem_shared>>, %arg14: memref<!tpu.dma_semaphore, #tpu.memory_space<semaphore_mem>>) attributes {dimension_semantics = [#tpu.dimension_semantics<core_parallel>, #tpu.dimension_semantics<subcore_parallel>], iteration_bounds = array<i64: 2, 16>, scalar_prefetch = 0 : i64, scratch_operands = 8 : i64, tpu.core_type = #tpu.core_type<sc_vector_subcore>, window_params = [{transform_indices = #map}, {transform_indices = #map1}, {transform_indices = #map1}, {transform_indices = #map1}, {transform_indices = #map}]} {
    %mul3A = arith.constant 100000 : i32
    %mul3A_0 = arith.muli %arg1, %mul3A : i32
    %scan3A = arith.constant 0 : i32
    %scan3A_1 = arith.constant 0 : i32
    %scan3A_2 = arith.constant 4 : i32
    %scan3A_3 = arith.addi %scan3A_1, %scan3A_2 : i32
    %scan3A_4 = arith.constant 1 : i32
    scf.for %scan3A_6 = %scan3A_1 to %scan3A_3 step %scan3A_4  : i32 {
      %mul3A_7 = arith.constant 2 : i32
      %mul3A_8 = arith.muli %mul3A_7, %scan3A_6 : i32
      %add3A = arith.addi %mul3A_8, %arg0 : i32
      %mul3A_9 = arith.constant 12544 : i32
      %mul3A_10 = arith.muli %add3A, %mul3A_9 : i32
      %scan3A_11 = arith.constant 0 : i32
      %scan3A_12 = arith.constant 0 : i32
      %scan3A_13 = arith.constant 128 : i32
      %scan3A_14 = arith.addi %scan3A_12, %scan3A_13 : i32
      %scan3A_15 = arith.constant 1 : i32
      scf.for %scan3A_34 = %scan3A_12 to %scan3A_14 step %scan3A_15  : i32 {
        %broadcast_in_dim3A = arith.constant 0.000000e+00 : f32
        %broadcast_in_dim3A_35 = vector.broadcast %broadcast_in_dim3A : f32 to vector<16xf32>
        %swap3A = arith.index_cast %scan3A_34 : i32 to index
        %swap3A_36 = arith.constant 0 : index
        %swap3A_37 = tpu.vector_load %arg12[%swap3A, %swap3A_36] {strides = array<i32>} : memref<128x128xf32, #tpu.memory_space<vmem>>, vector<1x16xf32>,
        %swap3A_38 = vector.shape_cast %swap3A_37 : vector<1x16xf32> to vector<16xf32>
        %swap3A_39 = vector.shape_cast %broadcast_in_dim3A_35 : vector<16xf32> to vector<1x16xf32>
        tpu.vector_store %arg12[%swap3A, %swap3A_36], %swap3A_39 {strides = array<i32>} : memref<128x128xf32, #tpu.memory_space<vmem>>, vector<1x16xf32>,
        %broadcast_in_dim3A_40 = arith.constant 0.000000e+00 : f32
        %broadcast_in_dim3A_41 = vector.broadcast %broadcast_in_dim3A_40 : f32 to vector<16xf32>
        %swap3A_42 = arith.index_cast %scan3A_34 : i32 to index
        %swap3A_43 = arith.constant 16 : index
        %swap3A_44 = tpu.vector_load %arg12[%swap3A_42, %swap3A_43] {strides = array<i32>} : memref<128x128xf32, #tpu.memory_space<vmem>>, vector<1x16xf32>,
        %swap3A_45 = vector.shape_cast %swap3A_44 : vector<1x16xf32> to vector<16xf32>
        %swap3A_46 = vector.shape_cast %broadcast_in_dim3A_41 : vector<16xf32> to vector<1x16xf32>
        tpu.vector_store %arg12[%swap3A_42, %swap3A_43], %swap3A_46 {strides = array<i32>} : memref<128x128xf32, #tpu.memory_space<vmem>>, vector<1x16xf32>,
        %broadcast_in_dim3A_47 = arith.constant 0.000000e+00 : f32
        %broadcast_in_dim3A_48 = vector.broadcast %broadcast_in_dim3A_47 : f32 to vector<16xf32>
        %swap3A_49 = arith.index_cast %scan3A_34 : i32 to index
        %swap3A_50 = arith.constant 32 : index
        %swap3A_51 = tpu.vector_load %arg12[%swap3A_49, %swap3A_50] {strides = array<i32>} : memref<128x128xf32, #tpu.memory_space<vmem>>, vector<1x16xf32>,
        %swap3A_52 = vector.shape_cast %swap3A_51 : vector<1x16xf32> to vector<16xf32>
        %swap3A_53 = vector.shape_cast %broadcast_in_dim3A_48 : vector<16xf32> to vector<1x16xf32>
        tpu.vector_store %arg12[%swap3A_49, %swap3A_50], %swap3A_53 {strides = array<i32>} : memref<128x128xf32, #tpu.memory_space<vmem>>, vector<1x16xf32>,
        %broadcast_in_dim3A_54 = arith.constant 0.000000e+00 : f32
        %broadcast_in_dim3A_55 = vector.broadcast %broadcast_in_dim3A_54 : f32 to vector<16xf32>
        %swap3A_56 = arith.index_cast %scan3A_34 : i32 to index
        %swap3A_57 = arith.constant 48 : index
        %swap3A_58 = tpu.vector_load %arg12[%swap3A_56, %swap3A_57] {strides = array<i32>} : memref<128x128xf32, #tpu.memory_space<vmem>>, vector<1x16xf32>,
        %swap3A_59 = vector.shape_cast %swap3A_58 : vector<1x16xf32> to vector<16xf32>
        %swap3A_60 = vector.shape_cast %broadcast_in_dim3A_55 : vector<16xf32> to vector<1x16xf32>
        tpu.vector_store %arg12[%swap3A_56, %swap3A_57], %swap3A_60 {strides = array<i32>} : memref<128x128xf32, #tpu.memory_space<vmem>>, vector<1x16xf32>,
        %broadcast_in_dim3A_61 = arith.constant 0.000000e+00 : f32
        %broadcast_in_dim3A_62 = vector.broadcast %broadcast_in_dim3A_61 : f32 to vector<16xf32>
        %swap3A_63 = arith.index_cast %scan3A_34 : i32 to index
        %swap3A_64 = arith.constant 64 : index
        %swap3A_65 = tpu.vector_load %arg12[%swap3A_63, %swap3A_64] {strides = array<i32>} : memref<128x128xf32, #tpu.memory_space<vmem>>, vector<1x16xf32>,
        %swap3A_66 = vector.shape_cast %swap3A_65 : vector<1x16xf32> to vector<16xf32>
        %swap3A_67 = vector.shape_cast %broadcast_in_dim3A_62 : vector<16xf32> to vector<1x16xf32>
        tpu.vector_store %arg12[%swap3A_63, %swap3A_64], %swap3A_67 {strides = array<i32>} : memref<128x128xf32, #tpu.memory_space<vmem>>, vector<1x16xf32>,
        %broadcast_in_dim3A_68 = arith.constant 0.000000e+00 : f32
        %broadcast_in_dim3A_69 = vector.broadcast %broadcast_in_dim3A_68 : f32 to vector<16xf32>
        %swap3A_70 = arith.index_cast %scan3A_34 : i32 to index
        %swap3A_71 = arith.constant 80 : index
        %swap3A_72 = tpu.vector_load %arg12[%swap3A_70, %swap3A_71] {strides = array<i32>} : memref<128x128xf32, #tpu.memory_space<vmem>>, vector<1x16xf32>,
        %swap3A_73 = vector.shape_cast %swap3A_72 : vector<1x16xf32> to vector<16xf32>
        %swap3A_74 = vector.shape_cast %broadcast_in_dim3A_69 : vector<16xf32> to vector<1x16xf32>
        tpu.vector_store %arg12[%swap3A_70, %swap3A_71], %swap3A_74 {strides = array<i32>} : memref<128x128xf32, #tpu.memory_space<vmem>>, vector<1x16xf32>,
        %broadcast_in_dim3A_75 = arith.constant 0.000000e+00 : f32
        %broadcast_in_dim3A_76 = vector.broadcast %broadcast_in_dim3A_75 : f32 to vector<16xf32>
        %swap3A_77 = arith.index_cast %scan3A_34 : i32 to index
        %swap3A_78 = arith.constant 96 : index
        %swap3A_79 = tpu.vector_load %arg12[%swap3A_77, %swap3A_78] {strides = array<i32>} : memref<128x128xf32, #tpu.memory_space<vmem>>, vector<1x16xf32>,
        %swap3A_80 = vector.shape_cast %swap3A_79 : vector<1x16xf32> to vector<16xf32>
        %swap3A_81 = vector.shape_cast %broadcast_in_dim3A_76 : vector<16xf32> to vector<1x16xf32>
        tpu.vector_store %arg12[%swap3A_77, %swap3A_78], %swap3A_81 {strides = array<i32>} : memref<128x128xf32, #tpu.memory_space<vmem>>, vector<1x16xf32>,
        %broadcast_in_dim3A_82 = arith.constant 0.000000e+00 : f32
        %broadcast_in_dim3A_83 = vector.broadcast %broadcast_in_dim3A_82 : f32 to vector<16xf32>
        %swap3A_84 = arith.index_cast %scan3A_34 : i32 to index
        %swap3A_85 = arith.constant 112 : index
        %swap3A_86 = tpu.vector_load %arg12[%swap3A_84, %swap3A_85] {strides = array<i32>} : memref<128x128xf32, #tpu.memory_space<vmem>>, vector<1x16xf32>,
        %swap3A_87 = vector.shape_cast %swap3A_86 : vector<1x16xf32> to vector<16xf32>
        %swap3A_88 = vector.shape_cast %broadcast_in_dim3A_83 : vector<16xf32> to vector<1x16xf32>
        tpu.vector_store %arg12[%swap3A_84, %swap3A_85], %swap3A_88 {strides = array<i32>} : memref<128x128xf32, #tpu.memory_space<vmem>>, vector<1x16xf32>,
      }
      %scan3A_16 = arith.constant 128 : i32
      %scan3A_17 = arith.constant 0 : i32
      %scan3A_18 = arith.constant 0 : i32
      %scan3A_19 = arith.constant 7 : i32
      %scan3A_20 = arith.addi %scan3A_18, %scan3A_19 : i32
      %scan3A_21 = arith.constant 1 : i32
      scf.for %scan3A_34 = %scan3A_18 to %scan3A_20 step %scan3A_21  : i32 {
        %mul3A_35 = arith.constant 16 : i32
        %mul3A_36 = arith.muli %scan3A_34, %mul3A_35 : i32
        %add3A_37 = arith.addi %arg1, %mul3A_36 : i32
        %lt3A = arith.constant 99 : i32
        %lt3A_38 = arith.cmpi slt, %add3A_37, %lt3A : i32
        %convert_element_type3A = arith.extui %lt3A_38 : i1 to i32
        %cond3A = arith.constant 0 : i32
        %cond3A_39 = arith.cmpi ne, %convert_element_type3A, %cond3A : i32
        scf.if %cond3A_39 {
          %mul3A_40 = arith.constant 128 : i32
          %mul3A_41 = arith.muli %add3A_37, %mul3A_40 : i32
          "tpu.region"() ({
            %run_scoped3A = tpu.sem_alloc : memref<!tpu.dma_semaphore, #tpu.memory_space<semaphore_mem>>
            %dma_start3A = arith.constant 0 : i32
            %dma_start3A_42 = tpu.memref_slice %arg13[%mul3A_41, %dma_start3A] : memref<12672x128xf32, #tpu.memory_space<vmem_shared>> -> memref<128x128xf32, #tpu.memory_space<vmem_shared>>
            %dma_start3A_43 = arith.constant 0 : i32
            %dma_start3A_44 = tpu.memref_slice %arg13[%mul3A_41, %dma_start3A_43] : memref<12672x128xf32, #tpu.memory_space<vmem_shared>> -> memref<128x128xf32, #tpu.memory_space<vmem_shared>>
            tpu.enqueue_dma source(%arg12 : memref<128x128xf32, #tpu.memory_space<vmem>>) target(%dma_start3A_44 : memref<128x128xf32, #tpu.memory_space<vmem_shared>>) target_semaphore(%run_scoped3A : memref<!tpu.dma_semaphore, #tpu.memory_space<semaphore_mem>>)
            %dma_wait3A = arith.constant 0 : i32
            %dma_wait3A_45 = tpu.memref_slice %arg13[%mul3A_41, %dma_wait3A] : memref<12672x128xf32, #tpu.memory_space<vmem_shared>> -> memref<128x128xf32, #tpu.memory_space<vmem_shared>>
            %dma_wait3A_46 = arith.constant 0 : i32
            %dma_wait3A_47 = tpu.memref_slice %arg13[%mul3A_41, %dma_wait3A_46] : memref<12672x128xf32, #tpu.memory_space<vmem_shared>> -> memref<128x128xf32, #tpu.memory_space<vmem_shared>>
            tpu.wait_dma2 semaphore(%run_scoped3A : memref<!tpu.dma_semaphore, #tpu.memory_space<semaphore_mem>>) src(%arg12 : memref<128x128xf32, #tpu.memory_space<vmem>>) dst(%dma_wait3A_47 : memref<128x128xf32, #tpu.memory_space<vmem_shared>>)
            tpu.yield
          }) : () -> ()
        } else {
        }
      }
      %scan3A_22 = arith.constant 7 : i32
      %barrier3A = arith.constant 0 : index
      tpu.barrier barrier_id(%barrier3A)
      %scan3A_23 = arith.constant 0 : i32
      %scan3A_24 = arith.constant 0 : i32
      %scan3A_25 = arith.constant 98 : i32
      %scan3A_26 = arith.addi %scan3A_24, %scan3A_25 : i32
      %scan3A_27 = arith.constant 1 : i32
      scf.for %scan3A_34 = %scan3A_24 to %scan3A_26 step %scan3A_27  : i32 {
        %mul3A_35 = arith.constant 1024 : i32
        %mul3A_36 = arith.muli %scan3A_34, %mul3A_35 : i32
        %add3A_37 = arith.addi %mul3A_0, %mul3A_36 : i32
        "tpu.region"() ({
          %run_scoped3A_163 = tpu.sem_alloc : memref<!tpu.dma_semaphore, #tpu.memory_space<semaphore_mem>>
          %dma_start3A_164 = tpu.memref_slice %arg3[%add3A_37] : memref<1600352xi32, #tpu.memory_space<hbm>> -> memref<1024xi32, #tpu.memory_space<hbm>>
          %dma_start3A_165 = tpu.memref_slice %arg3[%add3A_37] : memref<1600352xi32, #tpu.memory_space<hbm>> -> memref<1024xi32, #tpu.memory_space<hbm>>
          tpu.enqueue_dma source(%dma_start3A_165 : memref<1024xi32, #tpu.memory_space<hbm>>) target(%arg7 : memref<1024xi32, #tpu.memory_space<vmem>>) target_semaphore(%run_scoped3A_163 : memref<!tpu.dma_semaphore, #tpu.memory_space<semaphore_mem>>)
          %dma_wait3A_166 = tpu.memref_slice %arg3[%add3A_37] : memref<1600352xi32, #tpu.memory_space<hbm>> -> memref<1024xi32, #tpu.memory_space<hbm>>
          %dma_wait3A_167 = tpu.memref_slice %arg3[%add3A_37] : memref<1600352xi32, #tpu.memory_space<hbm>> -> memref<1024xi32, #tpu.memory_space<hbm>>
          tpu.wait_dma2 semaphore(%run_scoped3A_163 : memref<!tpu.dma_semaphore, #tpu.memory_space<semaphore_mem>>) src(%dma_wait3A_167 : memref<1024xi32, #tpu.memory_space<hbm>>) dst(%arg7 : memref<1024xi32, #tpu.memory_space<vmem>>)
          tpu.yield
        }) : () -> ()
        "tpu.region"() ({
          %run_scoped3A_163 = tpu.sem_alloc : memref<!tpu.dma_semaphore, #tpu.memory_space<semaphore_mem>>
          %dma_start3A_164 = tpu.memref_slice %arg4[%add3A_37] : memref<1600352xi32, #tpu.memory_space<hbm>> -> memref<1024xi32, #tpu.memory_space<hbm>>
          %dma_start3A_165 = tpu.memref_slice %arg4[%add3A_37] : memref<1600352xi32, #tpu.memory_space<hbm>> -> memref<1024xi32, #tpu.memory_space<hbm>>
          tpu.enqueue_dma source(%dma_start3A_165 : memref<1024xi32, #tpu.memory_space<hbm>>) target(%arg8 : memref<1024xi32, #tpu.memory_space<vmem>>) target_semaphore(%run_scoped3A_163 : memref<!tpu.dma_semaphore, #tpu.memory_space<semaphore_mem>>)
          %dma_wait3A_166 = tpu.memref_slice %arg4[%add3A_37] : memref<1600352xi32, #tpu.memory_space<hbm>> -> memref<1024xi32, #tpu.memory_space<hbm>>
          %dma_wait3A_167 = tpu.memref_slice %arg4[%add3A_37] : memref<1600352xi32, #tpu.memory_space<hbm>> -> memref<1024xi32, #tpu.memory_space<hbm>>
          tpu.wait_dma2 semaphore(%run_scoped3A_163 : memref<!tpu.dma_semaphore, #tpu.memory_space<semaphore_mem>>) src(%dma_wait3A_167 : memref<1024xi32, #tpu.memory_space<hbm>>) dst(%arg8 : memref<1024xi32, #tpu.memory_space<vmem>>)
          tpu.yield
        }) : () -> ()
        "tpu.region"() ({
          %run_scoped3A_163 = tpu.sem_alloc : memref<!tpu.dma_semaphore, #tpu.memory_space<semaphore_mem>>
          %dma_start3A_164 = tpu.memref_slice %arg5[%add3A_37] : memref<1600352xi32, #tpu.memory_space<hbm>> -> memref<1024xi32, #tpu.memory_space<hbm>>
          %dma_start3A_165 = tpu.memref_slice %arg5[%add3A_37] : memref<1600352xi32, #tpu.memory_space<hbm>> -> memref<1024xi32, #tpu.memory_space<hbm>>
          tpu.enqueue_dma source(%dma_start3A_165 : memref<1024xi32, #tpu.memory_space<hbm>>) target(%arg9 : memref<1024xi32, #tpu.memory_space<vmem>>) target_semaphore(%run_scoped3A_163 : memref<!tpu.dma_semaphore, #tpu.memory_space<semaphore_mem>>)
          %dma_wait3A_166 = tpu.memref_slice %arg5[%add3A_37] : memref<1600352xi32, #tpu.memory_space<hbm>> -> memref<1024xi32, #tpu.memory_space<hbm>>
          %dma_wait3A_167 = tpu.memref_slice %arg5[%add3A_37] : memref<1600352xi32, #tpu.memory_space<hbm>> -> memref<1024xi32, #tpu.memory_space<hbm>>
          tpu.wait_dma2 semaphore(%run_scoped3A_163 : memref<!tpu.dma_semaphore, #tpu.memory_space<semaphore_mem>>) src(%dma_wait3A_167 : memref<1024xi32, #tpu.memory_space<hbm>>) dst(%arg9 : memref<1024xi32, #tpu.memory_space<vmem>>)
          tpu.yield
        }) : () -> ()
        %mul3A_38 = arith.constant 1024 : i32
        %mul3A_39 = arith.muli %scan3A_34, %mul3A_38 : i32
        %scan3A_40 = arith.constant 0 : i32
        %scan3A_41 = arith.constant 0 : i32
        %scan3A_42 = arith.constant 64 : i32
        %scan3A_43 = arith.addi %scan3A_41, %scan3A_42 : i32
        %scan3A_44 = arith.constant 1 : i32
        scf.for %scan3A_163 = %scan3A_41 to %scan3A_43 step %scan3A_44  : i32 {
          %mul3A_164 = arith.constant 16 : i32
          %mul3A_165 = arith.muli %scan3A_163, %mul3A_164 : i32
          %get3A = arith.index_cast %mul3A_165 : i32 to index
          %get3A_166 = tpu.vector_load %arg7[%get3A] {strides = array<i32>} : memref<1024xi32, #tpu.memory_space<vmem>>, vector<16xi32>,
          %get3A_167 = vector.shape_cast %get3A_166 : vector<16xi32> to vector<16xi32>
          %mul3A_168 = arith.constant 16 : i32
          %mul3A_169 = arith.muli %scan3A_163, %mul3A_168 : i32
          %get3A_170 = arith.index_cast %mul3A_169 : i32 to index
          %get3A_171 = tpu.vector_load %arg8[%get3A_170] {strides = array<i32>} : memref<1024xi32, #tpu.memory_space<vmem>>, vector<16xi32>,
          %get3A_172 = vector.shape_cast %get3A_171 : vector<16xi32> to vector<16xi32>
          %mul3A_173 = arith.constant 16 : i32
          %mul3A_174 = arith.muli %scan3A_163, %mul3A_173 : i32
          %get3A_175 = arith.index_cast %mul3A_174 : i32 to index
          %get3A_176 = tpu.vector_load %arg9[%get3A_175] {strides = array<i32>} : memref<1024xi32, #tpu.memory_space<vmem>>, vector<16xi32>,
          %get3A_177 = vector.shape_cast %get3A_176 : vector<16xi32> to vector<16xi32>
          %mul3A_178 = arith.constant 16 : i32
          %mul3A_179 = arith.muli %scan3A_163, %mul3A_178 : i32
          %add3A_180 = arith.addi %mul3A_39, %mul3A_179 : i32
          %iota3A = tpu.iota {dimensions = array<i32: 0>} : vector<16xi32>
          %add3A_181 = vector.broadcast %add3A_180 : i32 to vector<16xi32>
          %add3A_182 = arith.addi %add3A_181, %iota3A : vector<16xi32>
          %sub3A = vector.broadcast %mul3A_10 : i32 to vector<16xi32>
          %sub3A_183 = arith.subi %get3A_172, %sub3A : vector<16xi32>
          %lt3A = arith.constant 100000 : i32
          %lt3A_184 = vector.broadcast %lt3A : i32 to vector<16xi32>
          %lt3A_185 = arith.cmpi slt, %add3A_182, %lt3A_184 : vector<16xi32>
          %ge3A = arith.constant 0 : i32
          %ge3A_186 = vector.broadcast %ge3A : i32 to vector<16xi32>
          %ge3A_187 = arith.cmpi sge, %sub3A_183, %ge3A_186 : vector<16xi32>
          %and3A = arith.andi %lt3A_185, %ge3A_187 : vector<16xi1>
          %lt3A_188 = arith.constant 12544 : i32
          %lt3A_189 = vector.broadcast %lt3A_188 : i32 to vector<16xi32>
          %lt3A_190 = arith.cmpi slt, %sub3A_183, %lt3A_189 : vector<16xi32>
          %and3A_191 = arith.andi %and3A, %lt3A_190 : vector<16xi1>
          %mul3A_192 = arith.constant 100000 : i32
          %mul3A_193 = vector.broadcast %mul3A_192 : i32 to vector<16xi32>
          %mul3A_194 = arith.muli %get3A_177, %mul3A_193 : vector<16xi32>
          %add3A_195 = arith.addi %mul3A_194, %get3A_167 : vector<16xi32>
          %jit3A = arith.constant 8 : i32
          %div3A = arith.divsi %scan3A_163, %jit3A : i32
          %sign3A = arith.constant 0 : i32
          %sign3A_196 = arith.cmpi sgt, %scan3A_163, %sign3A : i32
          %sign3A_197 = arith.extui %sign3A_196 : i1 to i32
          %sign3A_198 = arith.constant 0 : i32
          %sign3A_199 = arith.cmpi slt, %scan3A_163, %sign3A_198 : i32
          %sign3A_200 = arith.extui %sign3A_199 : i1 to i32
          %sign3A_201 = arith.subi %sign3A_197, %sign3A_200 : i32
          %sign3A_202 = arith.constant 0 : i32
          %sign3A_203 = arith.cmpi sgt, %jit3A, %sign3A_202 : i32
          %sign3A_204 = arith.extui %sign3A_203 : i1 to i32
          %sign3A_205 = arith.constant 0 : i32
          %sign3A_206 = arith.cmpi slt, %jit3A, %sign3A_205 : i32
          %sign3A_207 = arith.extui %sign3A_206 : i1 to i32
          %sign3A_208 = arith.subi %sign3A_204, %sign3A_207 : i32
          %ne3A = arith.cmpi ne, %sign3A_201, %sign3A_208 : i32
          %rem3A = arith.remsi %scan3A_163, %jit3A : i32
          %ne3A_209 = arith.constant 0 : i32
          %ne3A_210 = arith.cmpi ne, %rem3A, %ne3A_209 : i32
          %and3A_211 = arith.andi %ne3A, %ne3A_210 : i1
          %sub3A_212 = arith.constant 1 : i32
          %sub3A_213 = arith.subi %div3A, %sub3A_212 : i32
          %select_n3A = arith.select %and3A_211, %sub3A_213, %div3A : i32
          %jit3A_214 = arith.constant 8 : i32
          %eq3A = arith.constant 0 : i32
          %eq3A_215 = arith.cmpi eq, %jit3A_214, %eq3A : i32
          %jit3A_216 = arith.constant 1 : i32
          %select_n3A_217 = arith.select %eq3A_215, %jit3A_216, %jit3A_214 : i32
          %rem3A_218 = arith.remsi %scan3A_163, %select_n3A_217 : i32
          %ne3A_219 = arith.constant 0 : i32
          %ne3A_220 = arith.cmpi ne, %rem3A_218, %ne3A_219 : i32
          %lt3A_221 = arith.constant 0 : i32
          %lt3A_222 = arith.cmpi slt, %rem3A_218, %lt3A_221 : i32
          %lt3A_223 = arith.constant 0 : i32
          %lt3A_224 = arith.cmpi slt, %select_n3A_217, %lt3A_223 : i32
          %ne3A_225 = arith.xori %lt3A_222, %lt3A_224 : i1
          %and3A_226 = arith.andi %ne3A_225, %ne3A_220 : i1
          %add3A_227 = arith.addi %rem3A_218, %select_n3A_217 : i32
          %select_n3A_228 = arith.select %and3A_226, %add3A_227, %rem3A_218 : i32
          %mul3A_229 = arith.constant 16 : i32
          %mul3A_230 = arith.muli %select_n3A_228, %mul3A_229 : i32
          %swap3A = arith.index_cast %select_n3A : i32 to index
          %swap3A_231 = arith.index_cast %mul3A_230 : i32 to index
          %swap3A_232 = tpu.vector_load %arg10[%swap3A, %swap3A_231] {strides = array<i32>} : memref<8x128xi32, #tpu.memory_space<vmem>>, vector<1x16xi32>,
          %swap3A_233 = vector.shape_cast %swap3A_232 : vector<1x16xi32> to vector<16xi32>
          %swap3A_234 = vector.shape_cast %add3A_195 : vector<16xi32> to vector<1x16xi32>
          tpu.vector_store %arg10[%swap3A, %swap3A_231], %swap3A_234 {strides = array<i32>} : memref<8x128xi32, #tpu.memory_space<vmem>>, vector<1x16xi32>,
          %jit3A_235 = arith.constant 12544 : i32
          %broadcast_in_dim3A = vector.broadcast %jit3A_235 : i32 to vector<16xi32>
          %select_n3A_236 = arith.select %and3A_191, %sub3A_183, %broadcast_in_dim3A : vector<16xi1>, vector<16xi32>
          %jit3A_237 = arith.constant 8 : i32
          %div3A_238 = arith.divsi %scan3A_163, %jit3A_237 : i32
          %sign3A_239 = arith.constant 0 : i32
          %sign3A_240 = arith.cmpi sgt, %scan3A_163, %sign3A_239 : i32
          %sign3A_241 = arith.extui %sign3A_240 : i1 to i32
          %sign3A_242 = arith.constant 0 : i32
          %sign3A_243 = arith.cmpi slt, %scan3A_163, %sign3A_242 : i32
          %sign3A_244 = arith.extui %sign3A_243 : i1 to i32
          %sign3A_245 = arith.subi %sign3A_241, %sign3A_244 : i32
          %sign3A_246 = arith.constant 0 : i32
          %sign3A_247 = arith.cmpi sgt, %jit3A_237, %sign3A_246 : i32
          %sign3A_248 = arith.extui %sign3A_247 : i1 to i32
          %sign3A_249 = arith.constant 0 : i32
          %sign3A_250 = arith.cmpi slt, %jit3A_237, %sign3A_249 : i32
          %sign3A_251 = arith.extui %sign3A_250 : i1 to i32
          %sign3A_252 = arith.subi %sign3A_248, %sign3A_251 : i32
          %ne3A_253 = arith.cmpi ne, %sign3A_245, %sign3A_252 : i32
          %rem3A_254 = arith.remsi %scan3A_163, %jit3A_237 : i32
          %ne3A_255 = arith.constant 0 : i32
          %ne3A_256 = arith.cmpi ne, %rem3A_254, %ne3A_255 : i32
          %and3A_257 = arith.andi %ne3A_253, %ne3A_256 : i1
          %sub3A_258 = arith.constant 1 : i32
          %sub3A_259 = arith.subi %div3A_238, %sub3A_258 : i32
          %select_n3A_260 = arith.select %and3A_257, %sub3A_259, %div3A_238 : i32
          %jit3A_261 = arith.constant 8 : i32
          %eq3A_262 = arith.constant 0 : i32
          %eq3A_263 = arith.cmpi eq, %jit3A_261, %eq3A_262 : i32
          %jit3A_264 = arith.constant 1 : i32
          %select_n3A_265 = arith.select %eq3A_263, %jit3A_264, %jit3A_261 : i32
          %rem3A_266 = arith.remsi %scan3A_163, %select_n3A_265 : i32
          %ne3A_267 = arith.constant 0 : i32
          %ne3A_268 = arith.cmpi ne, %rem3A_266, %ne3A_267 : i32
          %lt3A_269 = arith.constant 0 : i32
          %lt3A_270 = arith.cmpi slt, %rem3A_266, %lt3A_269 : i32
          %lt3A_271 = arith.constant 0 : i32
          %lt3A_272 = arith.cmpi slt, %select_n3A_265, %lt3A_271 : i32
          %ne3A_273 = arith.xori %lt3A_270, %lt3A_272 : i1
          %and3A_274 = arith.andi %ne3A_273, %ne3A_268 : i1
          %add3A_275 = arith.addi %rem3A_266, %select_n3A_265 : i32
          %select_n3A_276 = arith.select %and3A_274, %add3A_275, %rem3A_266 : i32
          %mul3A_277 = arith.constant 16 : i32
          %mul3A_278 = arith.muli %select_n3A_276, %mul3A_277 : i32
          %swap3A_279 = arith.index_cast %select_n3A_260 : i32 to index
          %swap3A_280 = arith.index_cast %mul3A_278 : i32 to index
          %swap3A_281 = tpu.vector_load %arg11[%swap3A_279, %swap3A_280] {strides = array<i32>} : memref<8x128xi32, #tpu.memory_space<vmem>>, vector<1x16xi32>,
          %swap3A_282 = vector.shape_cast %swap3A_281 : vector<1x16xi32> to vector<16xi32>
          %swap3A_283 = vector.shape_cast %select_n3A_236 : vector<16xi32> to vector<1x16xi32>
          tpu.vector_store %arg11[%swap3A_279, %swap3A_280], %swap3A_283 {strides = array<i32>} : memref<8x128xi32, #tpu.memory_space<vmem>>, vector<1x16xi32>,
        }
        %scan3A_45 = arith.constant 64 : i32
        %dma_start3A = arith.constant 0 : i32
        %dma_start3A_46 = arith.constant 0 : i32
        %dma_start3A_47 = tpu.memref_slice %arg10[%dma_start3A, %dma_start3A_46] : memref<8x128xi32, #tpu.memory_space<vmem>> -> memref<1x128xi32, #tpu.memory_space<vmem>>
        %dma_start3A_48 = tpu.memref_squeeze %dma_start3A_47 : memref<1x128xi32, #tpu.memory_space<vmem>> -> memref<128xi32, #tpu.memory_space<vmem>>
        %dma_start3A_49 = arith.constant 0 : i32
        %dma_start3A_50 = arith.constant 0 : i32
        %dma_start3A_51 = tpu.memref_slice %arg2[%dma_start3A_49, %dma_start3A_50] : memref<700000x128xf32, #tpu.memory_space<hbm>> -> memref<700000x128xf32, #tpu.memory_space<hbm>>
        tpu.enqueue_indirect_dma source(%dma_start3A_51 : memref<700000x128xf32, #tpu.memory_space<hbm>>) target(%arg12 : memref<128x128xf32, #tpu.memory_space<vmem>>) offsets(%dma_start3A_48 : memref<128xi32, #tpu.memory_space<vmem>>) semaphore(%arg14 : memref<!tpu.dma_semaphore, #tpu.memory_space<semaphore_mem>>)
        %dma_wait3A = arith.constant 0 : i32
        %dma_wait3A_52 = arith.constant 0 : i32
        %dma_wait3A_53 = tpu.memref_slice %arg10[%dma_wait3A, %dma_wait3A_52] : memref<8x128xi32, #tpu.memory_space<vmem>> -> memref<1x128xi32, #tpu.memory_space<vmem>>
        %dma_wait3A_54 = tpu.memref_squeeze %dma_wait3A_53 : memref<1x128xi32, #tpu.memory_space<vmem>> -> memref<128xi32, #tpu.memory_space<vmem>>
        %dma_wait3A_55 = arith.constant 0 : i32
        %dma_wait3A_56 = arith.constant 0 : i32
        %dma_wait3A_57 = tpu.memref_slice %arg2[%dma_wait3A_55, %dma_wait3A_56] : memref<700000x128xf32, #tpu.memory_space<hbm>> -> memref<700000x128xf32, #tpu.memory_space<hbm>>
        tpu.wait_indirect_dma semaphore(%arg14 : memref<!tpu.dma_semaphore, #tpu.memory_space<semaphore_mem>>) src(%dma_wait3A_57 : memref<700000x128xf32, #tpu.memory_space<hbm>>) dst(%arg12 : memref<128x128xf32, #tpu.memory_space<vmem>>)
        %run_scoped3A = arith.constant 0 : i32
        "tpu.region"() ({
          %run_scoped3A_163 = tpu.sem_alloc : memref<!tpu.dma_semaphore, #tpu.memory_space<semaphore_mem>>
          %dma_start3A_164 = arith.constant 0 : i32
          %dma_start3A_165 = tpu.memref_slice %arg11[%run_scoped3A, %dma_start3A_164] : memref<8x128xi32, #tpu.memory_space<vmem>> -> memref<1x128xi32, #tpu.memory_space<vmem>>
          %dma_start3A_166 = tpu.memref_squeeze %dma_start3A_165 : memref<1x128xi32, #tpu.memory_space<vmem>> -> memref<128xi32, #tpu.memory_space<vmem>>
          %dma_start3A_167 = arith.constant 0 : i32
          %dma_start3A_168 = arith.constant 0 : i32
          %dma_start3A_169 = tpu.memref_slice %arg13[%dma_start3A_167, %dma_start3A_168] : memref<12672x128xf32, #tpu.memory_space<vmem_shared>> -> memref<12672x128xf32, #tpu.memory_space<vmem_shared>>
          tpu.enqueue_indirect_dma source(%arg12 : memref<128x128xf32, #tpu.memory_space<vmem>>) target(%dma_start3A_169 : memref<12672x128xf32, #tpu.memory_space<vmem_shared>>) offsets(%dma_start3A_166 : memref<128xi32, #tpu.memory_space<vmem>>) semaphore(%run_scoped3A_163 : memref<!tpu.dma_semaphore, #tpu.memory_space<semaphore_mem>>) {add = true}
          %dma_wait3A_170 = arith.constant 0 : i32
          %dma_wait3A_171 = tpu.memref_slice %arg11[%run_scoped3A, %dma_wait3A_170] : memref<8x128xi32, #tpu.memory_space<vmem>> -> memref<1x128xi32, #tpu.memory_space<vmem>>
          %dma_wait3A_172 = tpu.memref_squeeze %dma_wait3A_171 : memref<1x128xi32, #tpu.memory_space<vmem>> -> memref<128xi32, #tpu.memory_space<vmem>>
          %dma_wait3A_173 = arith.constant 0 : i32
          %dma_wait3A_174 = arith.constant 0 : i32
          %dma_wait3A_175 = tpu.memref_slice %arg13[%dma_wait3A_173, %dma_wait3A_174] : memref<12672x128xf32, #tpu.memory_space<vmem_shared>> -> memref<12672x128xf32, #tpu.memory_space<vmem_shared>>
          tpu.wait_indirect_dma semaphore(%run_scoped3A_163 : memref<!tpu.dma_semaphore, #tpu.memory_space<semaphore_mem>>) src(%arg12 : memref<128x128xf32, #tpu.memory_space<vmem>>) dst(%dma_wait3A_175 : memref<12672x128xf32, #tpu.memory_space<vmem_shared>>)
          tpu.yield
        }) : () -> ()
        %dma_start3A_58 = arith.constant 1 : i32
        %dma_start3A_59 = arith.constant 0 : i32
        %dma_start3A_60 = tpu.memref_slice %arg10[%dma_start3A_58, %dma_start3A_59] : memref<8x128xi32, #tpu.memory_space<vmem>> -> memref<1x128xi32, #tpu.memory_space<vmem>>
        %dma_start3A_61 = tpu.memref_squeeze %dma_start3A_60 : memref<1x128xi32, #tpu.memory_space<vmem>> -> memref<128xi32, #tpu.memory_space<vmem>>
        %dma_start3A_62 = arith.constant 0 : i32
        %dma_start3A_63 = arith.constant 0 : i32
        %dma_start3A_64 = tpu.memref_slice %arg2[%dma_start3A_62, %dma_start3A_63] : memref<700000x128xf32, #tpu.memory_space<hbm>> -> memref<700000x128xf32, #tpu.memory_space<hbm>>
        tpu.enqueue_indirect_dma source(%dma_start3A_64 : memref<700000x128xf32, #tpu.memory_space<hbm>>) target(%arg12 : memref<128x128xf32, #tpu.memory_space<vmem>>) offsets(%dma_start3A_61 : memref<128xi32, #tpu.memory_space<vmem>>) semaphore(%arg14 : memref<!tpu.dma_semaphore, #tpu.memory_space<semaphore_mem>>)
        %dma_wait3A_65 = arith.constant 1 : i32
        %dma_wait3A_66 = arith.constant 0 : i32
        %dma_wait3A_67 = tpu.memref_slice %arg10[%dma_wait3A_65, %dma_wait3A_66] : memref<8x128xi32, #tpu.memory_space<vmem>> -> memref<1x128xi32, #tpu.memory_space<vmem>>
        %dma_wait3A_68 = tpu.memref_squeeze %dma_wait3A_67 : memref<1x128xi32, #tpu.memory_space<vmem>> -> memref<128xi32, #tpu.memory_space<vmem>>
        %dma_wait3A_69 = arith.constant 0 : i32
        %dma_wait3A_70 = arith.constant 0 : i32
        %dma_wait3A_71 = tpu.memref_slice %arg2[%dma_wait3A_69, %dma_wait3A_70] : memref<700000x128xf32, #tpu.memory_space<hbm>> -> memref<700000x128xf32, #tpu.memory_space<hbm>>
        tpu.wait_indirect_dma semaphore(%arg14 : memref<!tpu.dma_semaphore, #tpu.memory_space<semaphore_mem>>) src(%dma_wait3A_71 : memref<700000x128xf32, #tpu.memory_space<hbm>>) dst(%arg12 : memref<128x128xf32, #tpu.memory_space<vmem>>)
        %run_scoped3A_72 = arith.constant 1 : i32
        "tpu.region"() ({
          %run_scoped3A_163 = tpu.sem_alloc : memref<!tpu.dma_semaphore, #tpu.memory_space<semaphore_mem>>
          %dma_start3A_164 = arith.constant 0 : i32
          %dma_start3A_165 = tpu.memref_slice %arg11[%run_scoped3A_72, %dma_start3A_164] : memref<8x128xi32, #tpu.memory_space<vmem>> -> memref<1x128xi32, #tpu.memory_space<vmem>>
          %dma_start3A_166 = tpu.memref_squeeze %dma_start3A_165 : memref<1x128xi32, #tpu.memory_space<vmem>> -> memref<128xi32, #tpu.memory_space<vmem>>
          %dma_start3A_167 = arith.constant 0 : i32
          %dma_start3A_168 = arith.constant 0 : i32
          %dma_start3A_169 = tpu.memref_slice %arg13[%dma_start3A_167, %dma_start3A_168] : memref<12672x128xf32, #tpu.memory_space<vmem_shared>> -> memref<12672x128xf32, #tpu.memory_space<vmem_shared>>
          tpu.enqueue_indirect_dma source(%arg12 : memref<128x128xf32, #tpu.memory_space<vmem>>) target(%dma_start3A_169 : memref<12672x128xf32, #tpu.memory_space<vmem_shared>>) offsets(%dma_start3A_166 : memref<128xi32, #tpu.memory_space<vmem>>) semaphore(%run_scoped3A_163 : memref<!tpu.dma_semaphore, #tpu.memory_space<semaphore_mem>>) {add = true}
          %dma_wait3A_170 = arith.constant 0 : i32
          %dma_wait3A_171 = tpu.memref_slice %arg11[%run_scoped3A_72, %dma_wait3A_170] : memref<8x128xi32, #tpu.memory_space<vmem>> -> memref<1x128xi32, #tpu.memory_space<vmem>>
          %dma_wait3A_172 = tpu.memref_squeeze %dma_wait3A_171 : memref<1x128xi32, #tpu.memory_space<vmem>> -> memref<128xi32, #tpu.memory_space<vmem>>
          %dma_wait3A_173 = arith.constant 0 : i32
          %dma_wait3A_174 = arith.constant 0 : i32
          %dma_wait3A_175 = tpu.memref_slice %arg13[%dma_wait3A_173, %dma_wait3A_174] : memref<12672x128xf32, #tpu.memory_space<vmem_shared>> -> memref<12672x128xf32, #tpu.memory_space<vmem_shared>>
          tpu.wait_indirect_dma semaphore(%run_scoped3A_163 : memref<!tpu.dma_semaphore, #tpu.memory_space<semaphore_mem>>) src(%arg12 : memref<128x128xf32, #tpu.memory_space<vmem>>) dst(%dma_wait3A_175 : memref<12672x128xf32, #tpu.memory_space<vmem_shared>>)
          tpu.yield
        }) : () -> ()
        %dma_start3A_73 = arith.constant 2 : i32
        %dma_start3A_74 = arith.constant 0 : i32
        %dma_start3A_75 = tpu.memref_slice %arg10[%dma_start3A_73, %dma_start3A_74] : memref<8x128xi32, #tpu.memory_space<vmem>> -> memref<1x128xi32, #tpu.memory_space<vmem>>
        %dma_start3A_76 = tpu.memref_squeeze %dma_start3A_75 : memref<1x128xi32, #tpu.memory_space<vmem>> -> memref<128xi32, #tpu.memory_space<vmem>>
        %dma_start3A_77 = arith.constant 0 : i32
        %dma_start3A_78 = arith.constant 0 : i32
        %dma_start3A_79 = tpu.memref_slice %arg2[%dma_start3A_77, %dma_start3A_78] : memref<700000x128xf32, #tpu.memory_space<hbm>> -> memref<700000x128xf32, #tpu.memory_space<hbm>>
        tpu.enqueue_indirect_dma source(%dma_start3A_79 : memref<700000x128xf32, #tpu.memory_space<hbm>>) target(%arg12 : memref<128x128xf32, #tpu.memory_space<vmem>>) offsets(%dma_start3A_76 : memref<128xi32, #tpu.memory_space<vmem>>) semaphore(%arg14 : memref<!tpu.dma_semaphore, #tpu.memory_space<semaphore_mem>>)
        %dma_wait3A_80 = arith.constant 2 : i32
        %dma_wait3A_81 = arith.constant 0 : i32
        %dma_wait3A_82 = tpu.memref_slice %arg10[%dma_wait3A_80, %dma_wait3A_81] : memref<8x128xi32, #tpu.memory_space<vmem>> -> memref<1x128xi32, #tpu.memory_space<vmem>>
        %dma_wait3A_83 = tpu.memref_squeeze %dma_wait3A_82 : memref<1x128xi32, #tpu.memory_space<vmem>> -> memref<128xi32, #tpu.memory_space<vmem>>
        %dma_wait3A_84 = arith.constant 0 : i32
        %dma_wait3A_85 = arith.constant 0 : i32
        %dma_wait3A_86 = tpu.memref_slice %arg2[%dma_wait3A_84, %dma_wait3A_85] : memref<700000x128xf32, #tpu.memory_space<hbm>> -> memref<700000x128xf32, #tpu.memory_space<hbm>>
        tpu.wait_indirect_dma semaphore(%arg14 : memref<!tpu.dma_semaphore, #tpu.memory_space<semaphore_mem>>) src(%dma_wait3A_86 : memref<700000x128xf32, #tpu.memory_space<hbm>>) dst(%arg12 : memref<128x128xf32, #tpu.memory_space<vmem>>)
        %run_scoped3A_87 = arith.constant 2 : i32
        "tpu.region"() ({
          %run_scoped3A_163 = tpu.sem_alloc : memref<!tpu.dma_semaphore, #tpu.memory_space<semaphore_mem>>
          %dma_start3A_164 = arith.constant 0 : i32
          %dma_start3A_165 = tpu.memref_slice %arg11[%run_scoped3A_87, %dma_start3A_164] : memref<8x128xi32, #tpu.memory_space<vmem>> -> memref<1x128xi32, #tpu.memory_space<vmem>>
          %dma_start3A_166 = tpu.memref_squeeze %dma_start3A_165 : memref<1x128xi32, #tpu.memory_space<vmem>> -> memref<128xi32, #tpu.memory_space<vmem>>
          %dma_start3A_167 = arith.constant 0 : i32
          %dma_start3A_168 = arith.constant 0 : i32
          %dma_start3A_169 = tpu.memref_slice %arg13[%dma_start3A_167, %dma_start3A_168] : memref<12672x128xf32, #tpu.memory_space<vmem_shared>> -> memref<12672x128xf32, #tpu.memory_space<vmem_shared>>
          tpu.enqueue_indirect_dma source(%arg12 : memref<128x128xf32, #tpu.memory_space<vmem>>) target(%dma_start3A_169 : memref<12672x128xf32, #tpu.memory_space<vmem_shared>>) offsets(%dma_start3A_166 : memref<128xi32, #tpu.memory_space<vmem>>) semaphore(%run_scoped3A_163 : memref<!tpu.dma_semaphore, #tpu.memory_space<semaphore_mem>>) {add = true}
          %dma_wait3A_170 = arith.constant 0 : i32
          %dma_wait3A_171 = tpu.memref_slice %arg11[%run_scoped3A_87, %dma_wait3A_170] : memref<8x128xi32, #tpu.memory_space<vmem>> -> memref<1x128xi32, #tpu.memory_space<vmem>>
          %dma_wait3A_172 = tpu.memref_squeeze %dma_wait3A_171 : memref<1x128xi32, #tpu.memory_space<vmem>> -> memref<128xi32, #tpu.memory_space<vmem>>
          %dma_wait3A_173 = arith.constant 0 : i32
          %dma_wait3A_174 = arith.constant 0 : i32
          %dma_wait3A_175 = tpu.memref_slice %arg13[%dma_wait3A_173, %dma_wait3A_174] : memref<12672x128xf32, #tpu.memory_space<vmem_shared>> -> memref<12672x128xf32, #tpu.memory_space<vmem_shared>>
          tpu.wait_indirect_dma semaphore(%run_scoped3A_163 : memref<!tpu.dma_semaphore, #tpu.memory_space<semaphore_mem>>) src(%arg12 : memref<128x128xf32, #tpu.memory_space<vmem>>) dst(%dma_wait3A_175 : memref<12672x128xf32, #tpu.memory_space<vmem_shared>>)
          tpu.yield
        }) : () -> ()
        %dma_start3A_88 = arith.constant 3 : i32
        %dma_start3A_89 = arith.constant 0 : i32
        %dma_start3A_90 = tpu.memref_slice %arg10[%dma_start3A_88, %dma_start3A_89] : memref<8x128xi32, #tpu.memory_space<vmem>> -> memref<1x128xi32, #tpu.memory_space<vmem>>
        %dma_start3A_91 = tpu.memref_squeeze %dma_start3A_90 : memref<1x128xi32, #tpu.memory_space<vmem>> -> memref<128xi32, #tpu.memory_space<vmem>>
        %dma_start3A_92 = arith.constant 0 : i32
        %dma_start3A_93 = arith.constant 0 : i32
        %dma_start3A_94 = tpu.memref_slice %arg2[%dma_start3A_92, %dma_start3A_93] : memref<700000x128xf32, #tpu.memory_space<hbm>> -> memref<700000x128xf32, #tpu.memory_space<hbm>>
        tpu.enqueue_indirect_dma source(%dma_start3A_94 : memref<700000x128xf32, #tpu.memory_space<hbm>>) target(%arg12 : memref<128x128xf32, #tpu.memory_space<vmem>>) offsets(%dma_start3A_91 : memref<128xi32, #tpu.memory_space<vmem>>) semaphore(%arg14 : memref<!tpu.dma_semaphore, #tpu.memory_space<semaphore_mem>>)
        %dma_wait3A_95 = arith.constant 3 : i32
        %dma_wait3A_96 = arith.constant 0 : i32
        %dma_wait3A_97 = tpu.memref_slice %arg10[%dma_wait3A_95, %dma_wait3A_96] : memref<8x128xi32, #tpu.memory_space<vmem>> -> memref<1x128xi32, #tpu.memory_space<vmem>>
        %dma_wait3A_98 = tpu.memref_squeeze %dma_wait3A_97 : memref<1x128xi32, #tpu.memory_space<vmem>> -> memref<128xi32, #tpu.memory_space<vmem>>
        %dma_wait3A_99 = arith.constant 0 : i32
        %dma_wait3A_100 = arith.constant 0 : i32
        %dma_wait3A_101 = tpu.memref_slice %arg2[%dma_wait3A_99, %dma_wait3A_100] : memref<700000x128xf32, #tpu.memory_space<hbm>> -> memref<700000x128xf32, #tpu.memory_space<hbm>>
        tpu.wait_indirect_dma semaphore(%arg14 : memref<!tpu.dma_semaphore, #tpu.memory_space<semaphore_mem>>) src(%dma_wait3A_101 : memref<700000x128xf32, #tpu.memory_space<hbm>>) dst(%arg12 : memref<128x128xf32, #tpu.memory_space<vmem>>)
        %run_scoped3A_102 = arith.constant 3 : i32
        "tpu.region"() ({
          %run_scoped3A_163 = tpu.sem_alloc : memref<!tpu.dma_semaphore, #tpu.memory_space<semaphore_mem>>
          %dma_start3A_164 = arith.constant 0 : i32
          %dma_start3A_165 = tpu.memref_slice %arg11[%run_scoped3A_102, %dma_start3A_164] : memref<8x128xi32, #tpu.memory_space<vmem>> -> memref<1x128xi32, #tpu.memory_space<vmem>>
          %dma_start3A_166 = tpu.memref_squeeze %dma_start3A_165 : memref<1x128xi32, #tpu.memory_space<vmem>> -> memref<128xi32, #tpu.memory_space<vmem>>
          %dma_start3A_167 = arith.constant 0 : i32
          %dma_start3A_168 = arith.constant 0 : i32
          %dma_start3A_169 = tpu.memref_slice %arg13[%dma_start3A_167, %dma_start3A_168] : memref<12672x128xf32, #tpu.memory_space<vmem_shared>> -> memref<12672x128xf32, #tpu.memory_space<vmem_shared>>
          tpu.enqueue_indirect_dma source(%arg12 : memref<128x128xf32, #tpu.memory_space<vmem>>) target(%dma_start3A_169 : memref<12672x128xf32, #tpu.memory_space<vmem_shared>>) offsets(%dma_start3A_166 : memref<128xi32, #tpu.memory_space<vmem>>) semaphore(%run_scoped3A_163 : memref<!tpu.dma_semaphore, #tpu.memory_space<semaphore_mem>>) {add = true}
          %dma_wait3A_170 = arith.constant 0 : i32
          %dma_wait3A_171 = tpu.memref_slice %arg11[%run_scoped3A_102, %dma_wait3A_170] : memref<8x128xi32, #tpu.memory_space<vmem>> -> memref<1x128xi32, #tpu.memory_space<vmem>>
          %dma_wait3A_172 = tpu.memref_squeeze %dma_wait3A_171 : memref<1x128xi32, #tpu.memory_space<vmem>> -> memref<128xi32, #tpu.memory_space<vmem>>
          %dma_wait3A_173 = arith.constant 0 : i32
          %dma_wait3A_174 = arith.constant 0 : i32
          %dma_wait3A_175 = tpu.memref_slice %arg13[%dma_wait3A_173, %dma_wait3A_174] : memref<12672x128xf32, #tpu.memory_space<vmem_shared>> -> memref<12672x128xf32, #tpu.memory_space<vmem_shared>>
          tpu.wait_indirect_dma semaphore(%run_scoped3A_163 : memref<!tpu.dma_semaphore, #tpu.memory_space<semaphore_mem>>) src(%arg12 : memref<128x128xf32, #tpu.memory_space<vmem>>) dst(%dma_wait3A_175 : memref<12672x128xf32, #tpu.memory_space<vmem_shared>>)
          tpu.yield
        }) : () -> ()
        %dma_start3A_103 = arith.constant 4 : i32
        %dma_start3A_104 = arith.constant 0 : i32
        %dma_start3A_105 = tpu.memref_slice %arg10[%dma_start3A_103, %dma_start3A_104] : memref<8x128xi32, #tpu.memory_space<vmem>> -> memref<1x128xi32, #tpu.memory_space<vmem>>
        %dma_start3A_106 = tpu.memref_squeeze %dma_start3A_105 : memref<1x128xi32, #tpu.memory_space<vmem>> -> memref<128xi32, #tpu.memory_space<vmem>>
        %dma_start3A_107 = arith.constant 0 : i32
        %dma_start3A_108 = arith.constant 0 : i32
        %dma_start3A_109 = tpu.memref_slice %arg2[%dma_start3A_107, %dma_start3A_108] : memref<700000x128xf32, #tpu.memory_space<hbm>> -> memref<700000x128xf32, #tpu.memory_space<hbm>>
        tpu.enqueue_indirect_dma source(%dma_start3A_109 : memref<700000x128xf32, #tpu.memory_space<hbm>>) target(%arg12 : memref<128x128xf32, #tpu.memory_space<vmem>>) offsets(%dma_start3A_106 : memref<128xi32, #tpu.memory_space<vmem>>) semaphore(%arg14 : memref<!tpu.dma_semaphore, #tpu.memory_space<semaphore_mem>>)
        %dma_wait3A_110 = arith.constant 4 : i32
        %dma_wait3A_111 = arith.constant 0 : i32
        %dma_wait3A_112 = tpu.memref_slice %arg10[%dma_wait3A_110, %dma_wait3A_111] : memref<8x128xi32, #tpu.memory_space<vmem>> -> memref<1x128xi32, #tpu.memory_space<vmem>>
        %dma_wait3A_113 = tpu.memref_squeeze %dma_wait3A_112 : memref<1x128xi32, #tpu.memory_space<vmem>> -> memref<128xi32, #tpu.memory_space<vmem>>
        %dma_wait3A_114 = arith.constant 0 : i32
        %dma_wait3A_115 = arith.constant 0 : i32
        %dma_wait3A_116 = tpu.memref_slice %arg2[%dma_wait3A_114, %dma_wait3A_115] : memref<700000x128xf32, #tpu.memory_space<hbm>> -> memref<700000x128xf32, #tpu.memory_space<hbm>>
        tpu.wait_indirect_dma semaphore(%arg14 : memref<!tpu.dma_semaphore, #tpu.memory_space<semaphore_mem>>) src(%dma_wait3A_116 : memref<700000x128xf32, #tpu.memory_space<hbm>>) dst(%arg12 : memref<128x128xf32, #tpu.memory_space<vmem>>)
        %run_scoped3A_117 = arith.constant 4 : i32
        "tpu.region"() ({
          %run_scoped3A_163 = tpu.sem_alloc : memref<!tpu.dma_semaphore, #tpu.memory_space<semaphore_mem>>
          %dma_start3A_164 = arith.constant 0 : i32
          %dma_start3A_165 = tpu.memref_slice %arg11[%run_scoped3A_117, %dma_start3A_164] : memref<8x128xi32, #tpu.memory_space<vmem>> -> memref<1x128xi32, #tpu.memory_space<vmem>>
          %dma_start3A_166 = tpu.memref_squeeze %dma_start3A_165 : memref<1x128xi32, #tpu.memory_space<vmem>> -> memref<128xi32, #tpu.memory_space<vmem>>
          %dma_start3A_167 = arith.constant 0 : i32
          %dma_start3A_168 = arith.constant 0 : i32
          %dma_start3A_169 = tpu.memref_slice %arg13[%dma_start3A_167, %dma_start3A_168] : memref<12672x128xf32, #tpu.memory_space<vmem_shared>> -> memref<12672x128xf32, #tpu.memory_space<vmem_shared>>
          tpu.enqueue_indirect_dma source(%arg12 : memref<128x128xf32, #tpu.memory_space<vmem>>) target(%dma_start3A_169 : memref<12672x128xf32, #tpu.memory_space<vmem_shared>>) offsets(%dma_start3A_166 : memref<128xi32, #tpu.memory_space<vmem>>) semaphore(%run_scoped3A_163 : memref<!tpu.dma_semaphore, #tpu.memory_space<semaphore_mem>>) {add = true}
          %dma_wait3A_170 = arith.constant 0 : i32
          %dma_wait3A_171 = tpu.memref_slice %arg11[%run_scoped3A_117, %dma_wait3A_170] : memref<8x128xi32, #tpu.memory_space<vmem>> -> memref<1x128xi32, #tpu.memory_space<vmem>>
          %dma_wait3A_172 = tpu.memref_squeeze %dma_wait3A_171 : memref<1x128xi32, #tpu.memory_space<vmem>> -> memref<128xi32, #tpu.memory_space<vmem>>
          %dma_wait3A_173 = arith.constant 0 : i32
          %dma_wait3A_174 = arith.constant 0 : i32
          %dma_wait3A_175 = tpu.memref_slice %arg13[%dma_wait3A_173, %dma_wait3A_174] : memref<12672x128xf32, #tpu.memory_space<vmem_shared>> -> memref<12672x128xf32, #tpu.memory_space<vmem_shared>>
          tpu.wait_indirect_dma semaphore(%run_scoped3A_163 : memref<!tpu.dma_semaphore, #tpu.memory_space<semaphore_mem>>) src(%arg12 : memref<128x128xf32, #tpu.memory_space<vmem>>) dst(%dma_wait3A_175 : memref<12672x128xf32, #tpu.memory_space<vmem_shared>>)
          tpu.yield
        }) : () -> ()
        %dma_start3A_118 = arith.constant 5 : i32
        %dma_start3A_119 = arith.constant 0 : i32
        %dma_start3A_120 = tpu.memref_slice %arg10[%dma_start3A_118, %dma_start3A_119] : memref<8x128xi32, #tpu.memory_space<vmem>> -> memref<1x128xi32, #tpu.memory_space<vmem>>
        %dma_start3A_121 = tpu.memref_squeeze %dma_start3A_120 : memref<1x128xi32, #tpu.memory_space<vmem>> -> memref<128xi32, #tpu.memory_space<vmem>>
        %dma_start3A_122 = arith.constant 0 : i32
        %dma_start3A_123 = arith.constant 0 : i32
        %dma_start3A_124 = tpu.memref_slice %arg2[%dma_start3A_122, %dma_start3A_123] : memref<700000x128xf32, #tpu.memory_space<hbm>> -> memref<700000x128xf32, #tpu.memory_space<hbm>>
        tpu.enqueue_indirect_dma source(%dma_start3A_124 : memref<700000x128xf32, #tpu.memory_space<hbm>>) target(%arg12 : memref<128x128xf32, #tpu.memory_space<vmem>>) offsets(%dma_start3A_121 : memref<128xi32, #tpu.memory_space<vmem>>) semaphore(%arg14 : memref<!tpu.dma_semaphore, #tpu.memory_space<semaphore_mem>>)
        %dma_wait3A_125 = arith.constant 5 : i32
        %dma_wait3A_126 = arith.constant 0 : i32
        %dma_wait3A_127 = tpu.memref_slice %arg10[%dma_wait3A_125, %dma_wait3A_126] : memref<8x128xi32, #tpu.memory_space<vmem>> -> memref<1x128xi32, #tpu.memory_space<vmem>>
        %dma_wait3A_128 = tpu.memref_squeeze %dma_wait3A_127 : memref<1x128xi32, #tpu.memory_space<vmem>> -> memref<128xi32, #tpu.memory_space<vmem>>
        %dma_wait3A_129 = arith.constant 0 : i32
        %dma_wait3A_130 = arith.constant 0 : i32
        %dma_wait3A_131 = tpu.memref_slice %arg2[%dma_wait3A_129, %dma_wait3A_130] : memref<700000x128xf32, #tpu.memory_space<hbm>> -> memref<700000x128xf32, #tpu.memory_space<hbm>>
        tpu.wait_indirect_dma semaphore(%arg14 : memref<!tpu.dma_semaphore, #tpu.memory_space<semaphore_mem>>) src(%dma_wait3A_131 : memref<700000x128xf32, #tpu.memory_space<hbm>>) dst(%arg12 : memref<128x128xf32, #tpu.memory_space<vmem>>)
        %run_scoped3A_132 = arith.constant 5 : i32
        "tpu.region"() ({
          %run_scoped3A_163 = tpu.sem_alloc : memref<!tpu.dma_semaphore, #tpu.memory_space<semaphore_mem>>
          %dma_start3A_164 = arith.constant 0 : i32
          %dma_start3A_165 = tpu.memref_slice %arg11[%run_scoped3A_132, %dma_start3A_164] : memref<8x128xi32, #tpu.memory_space<vmem>> -> memref<1x128xi32, #tpu.memory_space<vmem>>
          %dma_start3A_166 = tpu.memref_squeeze %dma_start3A_165 : memref<1x128xi32, #tpu.memory_space<vmem>> -> memref<128xi32, #tpu.memory_space<vmem>>
          %dma_start3A_167 = arith.constant 0 : i32
          %dma_start3A_168 = arith.constant 0 : i32
          %dma_start3A_169 = tpu.memref_slice %arg13[%dma_start3A_167, %dma_start3A_168] : memref<12672x128xf32, #tpu.memory_space<vmem_shared>> -> memref<12672x128xf32, #tpu.memory_space<vmem_shared>>
          tpu.enqueue_indirect_dma source(%arg12 : memref<128x128xf32, #tpu.memory_space<vmem>>) target(%dma_start3A_169 : memref<12672x128xf32, #tpu.memory_space<vmem_shared>>) offsets(%dma_start3A_166 : memref<128xi32, #tpu.memory_space<vmem>>) semaphore(%run_scoped3A_163 : memref<!tpu.dma_semaphore, #tpu.memory_space<semaphore_mem>>) {add = true}
          %dma_wait3A_170 = arith.constant 0 : i32
          %dma_wait3A_171 = tpu.memref_slice %arg11[%run_scoped3A_132, %dma_wait3A_170] : memref<8x128xi32, #tpu.memory_space<vmem>> -> memref<1x128xi32, #tpu.memory_space<vmem>>
          %dma_wait3A_172 = tpu.memref_squeeze %dma_wait3A_171 : memref<1x128xi32, #tpu.memory_space<vmem>> -> memref<128xi32, #tpu.memory_space<vmem>>
          %dma_wait3A_173 = arith.constant 0 : i32
          %dma_wait3A_174 = arith.constant 0 : i32
          %dma_wait3A_175 = tpu.memref_slice %arg13[%dma_wait3A_173, %dma_wait3A_174] : memref<12672x128xf32, #tpu.memory_space<vmem_shared>> -> memref<12672x128xf32, #tpu.memory_space<vmem_shared>>
          tpu.wait_indirect_dma semaphore(%run_scoped3A_163 : memref<!tpu.dma_semaphore, #tpu.memory_space<semaphore_mem>>) src(%arg12 : memref<128x128xf32, #tpu.memory_space<vmem>>) dst(%dma_wait3A_175 : memref<12672x128xf32, #tpu.memory_space<vmem_shared>>)
          tpu.yield
        }) : () -> ()
        %dma_start3A_133 = arith.constant 6 : i32
        %dma_start3A_134 = arith.constant 0 : i32
        %dma_start3A_135 = tpu.memref_slice %arg10[%dma_start3A_133, %dma_start3A_134] : memref<8x128xi32, #tpu.memory_space<vmem>> -> memref<1x128xi32, #tpu.memory_space<vmem>>
        %dma_start3A_136 = tpu.memref_squeeze %dma_start3A_135 : memref<1x128xi32, #tpu.memory_space<vmem>> -> memref<128xi32, #tpu.memory_space<vmem>>
        %dma_start3A_137 = arith.constant 0 : i32
        %dma_start3A_138 = arith.constant 0 : i32
        %dma_start3A_139 = tpu.memref_slice %arg2[%dma_start3A_137, %dma_start3A_138] : memref<700000x128xf32, #tpu.memory_space<hbm>> -> memref<700000x128xf32, #tpu.memory_space<hbm>>
        tpu.enqueue_indirect_dma source(%dma_start3A_139 : memref<700000x128xf32, #tpu.memory_space<hbm>>) target(%arg12 : memref<128x128xf32, #tpu.memory_space<vmem>>) offsets(%dma_start3A_136 : memref<128xi32, #tpu.memory_space<vmem>>) semaphore(%arg14 : memref<!tpu.dma_semaphore, #tpu.memory_space<semaphore_mem>>)
        %dma_wait3A_140 = arith.constant 6 : i32
        %dma_wait3A_141 = arith.constant 0 : i32
        %dma_wait3A_142 = tpu.memref_slice %arg10[%dma_wait3A_140, %dma_wait3A_141] : memref<8x128xi32, #tpu.memory_space<vmem>> -> memref<1x128xi32, #tpu.memory_space<vmem>>
        %dma_wait3A_143 = tpu.memref_squeeze %dma_wait3A_142 : memref<1x128xi32, #tpu.memory_space<vmem>> -> memref<128xi32, #tpu.memory_space<vmem>>
        %dma_wait3A_144 = arith.constant 0 : i32
        %dma_wait3A_145 = arith.constant 0 : i32
        %dma_wait3A_146 = tpu.memref_slice %arg2[%dma_wait3A_144, %dma_wait3A_145] : memref<700000x128xf32, #tpu.memory_space<hbm>> -> memref<700000x128xf32, #tpu.memory_space<hbm>>
        tpu.wait_indirect_dma semaphore(%arg14 : memref<!tpu.dma_semaphore, #tpu.memory_space<semaphore_mem>>) src(%dma_wait3A_146 : memref<700000x128xf32, #tpu.memory_space<hbm>>) dst(%arg12 : memref<128x128xf32, #tpu.memory_space<vmem>>)
        %run_scoped3A_147 = arith.constant 6 : i32
        "tpu.region"() ({
          %run_scoped3A_163 = tpu.sem_alloc : memref<!tpu.dma_semaphore, #tpu.memory_space<semaphore_mem>>
          %dma_start3A_164 = arith.constant 0 : i32
          %dma_start3A_165 = tpu.memref_slice %arg11[%run_scoped3A_147, %dma_start3A_164] : memref<8x128xi32, #tpu.memory_space<vmem>> -> memref<1x128xi32, #tpu.memory_space<vmem>>
          %dma_start3A_166 = tpu.memref_squeeze %dma_start3A_165 : memref<1x128xi32, #tpu.memory_space<vmem>> -> memref<128xi32, #tpu.memory_space<vmem>>
          %dma_start3A_167 = arith.constant 0 : i32
          %dma_start3A_168 = arith.constant 0 : i32
          %dma_start3A_169 = tpu.memref_slice %arg13[%dma_start3A_167, %dma_start3A_168] : memref<12672x128xf32, #tpu.memory_space<vmem_shared>> -> memref<12672x128xf32, #tpu.memory_space<vmem_shared>>
          tpu.enqueue_indirect_dma source(%arg12 : memref<128x128xf32, #tpu.memory_space<vmem>>) target(%dma_start3A_169 : memref<12672x128xf32, #tpu.memory_space<vmem_shared>>) offsets(%dma_start3A_166 : memref<128xi32, #tpu.memory_space<vmem>>) semaphore(%run_scoped3A_163 : memref<!tpu.dma_semaphore, #tpu.memory_space<semaphore_mem>>) {add = true}
          %dma_wait3A_170 = arith.constant 0 : i32
          %dma_wait3A_171 = tpu.memref_slice %arg11[%run_scoped3A_147, %dma_wait3A_170] : memref<8x128xi32, #tpu.memory_space<vmem>> -> memref<1x128xi32, #tpu.memory_space<vmem>>
          %dma_wait3A_172 = tpu.memref_squeeze %dma_wait3A_171 : memref<1x128xi32, #tpu.memory_space<vmem>> -> memref<128xi32, #tpu.memory_space<vmem>>
          %dma_wait3A_173 = arith.constant 0 : i32
          %dma_wait3A_174 = arith.constant 0 : i32
          %dma_wait3A_175 = tpu.memref_slice %arg13[%dma_wait3A_173, %dma_wait3A_174] : memref<12672x128xf32, #tpu.memory_space<vmem_shared>> -> memref<12672x128xf32, #tpu.memory_space<vmem_shared>>
          tpu.wait_indirect_dma semaphore(%run_scoped3A_163 : memref<!tpu.dma_semaphore, #tpu.memory_space<semaphore_mem>>) src(%arg12 : memref<128x128xf32, #tpu.memory_space<vmem>>) dst(%dma_wait3A_175 : memref<12672x128xf32, #tpu.memory_space<vmem_shared>>)
          tpu.yield
        }) : () -> ()
        %dma_start3A_148 = arith.constant 7 : i32
        %dma_start3A_149 = arith.constant 0 : i32
        %dma_start3A_150 = tpu.memref_slice %arg10[%dma_start3A_148, %dma_start3A_149] : memref<8x128xi32, #tpu.memory_space<vmem>> -> memref<1x128xi32, #tpu.memory_space<vmem>>
        %dma_start3A_151 = tpu.memref_squeeze %dma_start3A_150 : memref<1x128xi32, #tpu.memory_space<vmem>> -> memref<128xi32, #tpu.memory_space<vmem>>
        %dma_start3A_152 = arith.constant 0 : i32
        %dma_start3A_153 = arith.constant 0 : i32
        %dma_start3A_154 = tpu.memref_slice %arg2[%dma_start3A_152, %dma_start3A_153] : memref<700000x128xf32, #tpu.memory_space<hbm>> -> memref<700000x128xf32, #tpu.memory_space<hbm>>
        tpu.enqueue_indirect_dma source(%dma_start3A_154 : memref<700000x128xf32, #tpu.memory_space<hbm>>) target(%arg12 : memref<128x128xf32, #tpu.memory_space<vmem>>) offsets(%dma_start3A_151 : memref<128xi32, #tpu.memory_space<vmem>>) semaphore(%arg14 : memref<!tpu.dma_semaphore, #tpu.memory_space<semaphore_mem>>)
        %dma_wait3A_155 = arith.constant 7 : i32
        %dma_wait3A_156 = arith.constant 0 : i32
        %dma_wait3A_157 = tpu.memref_slice %arg10[%dma_wait3A_155, %dma_wait3A_156] : memref<8x128xi32, #tpu.memory_space<vmem>> -> memref<1x128xi32, #tpu.memory_space<vmem>>
        %dma_wait3A_158 = tpu.memref_squeeze %dma_wait3A_157 : memref<1x128xi32, #tpu.memory_space<vmem>> -> memref<128xi32, #tpu.memory_space<vmem>>
        %dma_wait3A_159 = arith.constant 0 : i32
        %dma_wait3A_160 = arith.constant 0 : i32
        %dma_wait3A_161 = tpu.memref_slice %arg2[%dma_wait3A_159, %dma_wait3A_160] : memref<700000x128xf32, #tpu.memory_space<hbm>> -> memref<700000x128xf32, #tpu.memory_space<hbm>>
        tpu.wait_indirect_dma semaphore(%arg14 : memref<!tpu.dma_semaphore, #tpu.memory_space<semaphore_mem>>) src(%dma_wait3A_161 : memref<700000x128xf32, #tpu.memory_space<hbm>>) dst(%arg12 : memref<128x128xf32, #tpu.memory_space<vmem>>)
        %run_scoped3A_162 = arith.constant 7 : i32
        "tpu.region"() ({
          %run_scoped3A_163 = tpu.sem_alloc : memref<!tpu.dma_semaphore, #tpu.memory_space<semaphore_mem>>
          %dma_start3A_164 = arith.constant 0 : i32
          %dma_start3A_165 = tpu.memref_slice %arg11[%run_scoped3A_162, %dma_start3A_164] : memref<8x128xi32, #tpu.memory_space<vmem>> -> memref<1x128xi32, #tpu.memory_space<vmem>>
          %dma_start3A_166 = tpu.memref_squeeze %dma_start3A_165 : memref<1x128xi32, #tpu.memory_space<vmem>> -> memref<128xi32, #tpu.memory_space<vmem>>
          %dma_start3A_167 = arith.constant 0 : i32
          %dma_start3A_168 = arith.constant 0 : i32
          %dma_start3A_169 = tpu.memref_slice %arg13[%dma_start3A_167, %dma_start3A_168] : memref<12672x128xf32, #tpu.memory_space<vmem_shared>> -> memref<12672x128xf32, #tpu.memory_space<vmem_shared>>
          tpu.enqueue_indirect_dma source(%arg12 : memref<128x128xf32, #tpu.memory_space<vmem>>) target(%dma_start3A_169 : memref<12672x128xf32, #tpu.memory_space<vmem_shared>>) offsets(%dma_start3A_166 : memref<128xi32, #tpu.memory_space<vmem>>) semaphore(%run_scoped3A_163 : memref<!tpu.dma_semaphore, #tpu.memory_space<semaphore_mem>>) {add = true}
          %dma_wait3A_170 = arith.constant 0 : i32
          %dma_wait3A_171 = tpu.memref_slice %arg11[%run_scoped3A_162, %dma_wait3A_170] : memref<8x128xi32, #tpu.memory_space<vmem>> -> memref<1x128xi32, #tpu.memory_space<vmem>>
          %dma_wait3A_172 = tpu.memref_squeeze %dma_wait3A_171 : memref<1x128xi32, #tpu.memory_space<vmem>> -> memref<128xi32, #tpu.memory_space<vmem>>
          %dma_wait3A_173 = arith.constant 0 : i32
          %dma_wait3A_174 = arith.constant 0 : i32
          %dma_wait3A_175 = tpu.memref_slice %arg13[%dma_wait3A_173, %dma_wait3A_174] : memref<12672x128xf32, #tpu.memory_space<vmem_shared>> -> memref<12672x128xf32, #tpu.memory_space<vmem_shared>>
          tpu.wait_indirect_dma semaphore(%run_scoped3A_163 : memref<!tpu.dma_semaphore, #tpu.memory_space<semaphore_mem>>) src(%arg12 : memref<128x128xf32, #tpu.memory_space<vmem>>) dst(%dma_wait3A_175 : memref<12672x128xf32, #tpu.memory_space<vmem_shared>>)
          tpu.yield
        }) : () -> ()
      }
      %scan3A_28 = arith.constant 98 : i32
      %barrier3A_29 = arith.constant 0 : index
      tpu.barrier barrier_id(%barrier3A_29)
      %mul3A_30 = arith.constant 784 : i32
      %mul3A_31 = arith.muli %arg1, %mul3A_30 : i32
      %add3A_32 = arith.addi %mul3A_10, %mul3A_31 : i32
      "tpu.region"() ({
        %run_scoped3A = tpu.sem_alloc : memref<!tpu.dma_semaphore, #tpu.memory_space<semaphore_mem>>
        %dma_start3A = arith.constant 0 : i32
        %dma_start3A_34 = tpu.memref_slice %arg6[%add3A_32, %dma_start3A] : memref<100352x128xf32, #tpu.memory_space<hbm>> -> memref<784x128xf32, #tpu.memory_space<hbm>>
        %dma_start3A_35 = arith.constant 0 : i32
        %dma_start3A_36 = tpu.memref_slice %arg13[%mul3A_31, %dma_start3A_35] : memref<12672x128xf32, #tpu.memory_space<vmem_shared>> -> memref<784x128xf32, #tpu.memory_space<vmem_shared>>
        tpu.enqueue_dma source(%dma_start3A_36 : memref<784x128xf32, #tpu.memory_space<vmem_shared>>) target(%dma_start3A_34 : memref<784x128xf32, #tpu.memory_space<hbm>>) target_semaphore(%run_scoped3A : memref<!tpu.dma_semaphore, #tpu.memory_space<semaphore_mem>>)
        %dma_wait3A = arith.constant 0 : i32
        %dma_wait3A_37 = tpu.memref_slice %arg6[%add3A_32, %dma_wait3A] : memref<100352x128xf32, #tpu.memory_space<hbm>> -> memref<784x128xf32, #tpu.memory_space<hbm>>
        %dma_wait3A_38 = arith.constant 0 : i32
        %dma_wait3A_39 = tpu.memref_slice %arg13[%mul3A_31, %dma_wait3A_38] : memref<12672x128xf32, #tpu.memory_space<vmem_shared>> -> memref<784x128xf32, #tpu.memory_space<vmem_shared>>
        tpu.wait_dma2 semaphore(%run_scoped3A : memref<!tpu.dma_semaphore, #tpu.memory_space<semaphore_mem>>) src(%dma_wait3A_39 : memref<784x128xf32, #tpu.memory_space<vmem_shared>>) dst(%dma_wait3A_37 : memref<784x128xf32, #tpu.memory_space<hbm>>)
        tpu.yield
      }) : () -> ()
      %barrier3A_33 = arith.constant 0 : index
      tpu.barrier barrier_id(%barrier3A_33)
    }
    %scan3A_5 = arith.constant 4 : i32
    return
  }
}

#map = affine_map<(d0, d1) -> (0, 0)>
#map1 = affine_map<(d0, d1) -> (0)>
module attributes {stable_mosaic.version = 14 : i64} {
  func.func @k(%arg0: i32, %arg1: i32, %arg2: memref<700000x128xf32, #tpu.memory_space<hbm>>, %arg3: memref<1600352xi32, #tpu.memory_space<hbm>>, %arg4: memref<1600352xi32, #tpu.memory_space<hbm>>, %arg5: memref<1600352xi32, #tpu.memory_space<hbm>>, %arg6: memref<100352x128xf32, #tpu.memory_space<hbm>>, %arg7: memref<1024xi32, #tpu.memory_space<vmem>>, %arg8: memref<1024xi32, #tpu.memory_space<vmem>>, %arg9: memref<1024xi32, #tpu.memory_space<vmem>>, %arg10: memref<8x128xi32, #tpu.memory_space<vmem>>, %arg11: memref<8x128xi32, #tpu.memory_space<vmem>>, %arg12: memref<128x128xf32, #tpu.memory_space<vmem>>, %arg13: memref<12672x128xf32, #tpu.memory_space<vmem_shared>>, %arg14: memref<!tpu.dma_semaphore, #tpu.memory_space<semaphore_mem>>) attributes {dimension_semantics = [#tpu.dimension_semantics<core_parallel>, #tpu.dimension_semantics<subcore_parallel>], iteration_bounds = array<i64: 2, 16>, scalar_prefetch = 0 : i64, scratch_operands = 8 : i64, tpu.core_type = #tpu.core_type<sc_vector_subcore>, window_params = [{transform_indices = #map}, {transform_indices = #map1}, {transform_indices = #map1}, {transform_indices = #map1}, {transform_indices = #map}]} {
    %mul3A = arith.constant 100000 : i32
    %mul3A_0 = arith.muli %arg1, %mul3A : i32
    %scan3A = arith.constant 0 : i32
    %scan3A_1 = arith.constant 0 : i32
    %scan3A_2 = arith.constant 4 : i32
    %scan3A_3 = arith.addi %scan3A_1, %scan3A_2 : i32
    %scan3A_4 = arith.constant 1 : i32
    scf.for %scan3A_6 = %scan3A_1 to %scan3A_3 step %scan3A_4  : i32 {
      %mul3A_7 = arith.constant 2 : i32
      %mul3A_8 = arith.muli %mul3A_7, %scan3A_6 : i32
      %add3A = arith.addi %mul3A_8, %arg0 : i32
      %mul3A_9 = arith.constant 12544 : i32
      %mul3A_10 = arith.muli %add3A, %mul3A_9 : i32
      %scan3A_11 = arith.constant 0 : i32
      %scan3A_12 = arith.constant 0 : i32
      %scan3A_13 = arith.constant 128 : i32
      %scan3A_14 = arith.addi %scan3A_12, %scan3A_13 : i32
      %scan3A_15 = arith.constant 1 : i32
      scf.for %scan3A_34 = %scan3A_12 to %scan3A_14 step %scan3A_15  : i32 {
        %broadcast_in_dim3A = arith.constant 0.000000e+00 : f32
        %broadcast_in_dim3A_35 = vector.broadcast %broadcast_in_dim3A : f32 to vector<16xf32>
        %swap3A = arith.index_cast %scan3A_34 : i32 to index
        %swap3A_36 = arith.constant 0 : index
        %swap3A_37 = tpu.vector_load %arg12[%swap3A, %swap3A_36] {strides = array<i32>} : memref<128x128xf32, #tpu.memory_space<vmem>>, vector<1x16xf32>,
        %swap3A_38 = vector.shape_cast %swap3A_37 : vector<1x16xf32> to vector<16xf32>
        %swap3A_39 = vector.shape_cast %broadcast_in_dim3A_35 : vector<16xf32> to vector<1x16xf32>
        tpu.vector_store %arg12[%swap3A, %swap3A_36], %swap3A_39 {strides = array<i32>} : memref<128x128xf32, #tpu.memory_space<vmem>>, vector<1x16xf32>,
        %broadcast_in_dim3A_40 = arith.constant 0.000000e+00 : f32
        %broadcast_in_dim3A_41 = vector.broadcast %broadcast_in_dim3A_40 : f32 to vector<16xf32>
        %swap3A_42 = arith.index_cast %scan3A_34 : i32 to index
        %swap3A_43 = arith.constant 16 : index
        %swap3A_44 = tpu.vector_load %arg12[%swap3A_42, %swap3A_43] {strides = array<i32>} : memref<128x128xf32, #tpu.memory_space<vmem>>, vector<1x16xf32>,
        %swap3A_45 = vector.shape_cast %swap3A_44 : vector<1x16xf32> to vector<16xf32>
        %swap3A_46 = vector.shape_cast %broadcast_in_dim3A_41 : vector<16xf32> to vector<1x16xf32>
        tpu.vector_store %arg12[%swap3A_42, %swap3A_43], %swap3A_46 {strides = array<i32>} : memref<128x128xf32, #tpu.memory_space<vmem>>, vector<1x16xf32>,
        %broadcast_in_dim3A_47 = arith.constant 0.000000e+00 : f32
        %broadcast_in_dim3A_48 = vector.broadcast %broadcast_in_dim3A_47 : f32 to vector<16xf32>
        %swap3A_49 = arith.index_cast %scan3A_34 : i32 to index
        %swap3A_50 = arith.constant 32 : index
        %swap3A_51 = tpu.vector_load %arg12[%swap3A_49, %swap3A_50] {strides = array<i32>} : memref<128x128xf32, #tpu.memory_space<vmem>>, vector<1x16xf32>,
        %swap3A_52 = vector.shape_cast %swap3A_51 : vector<1x16xf32> to vector<16xf32>
        %swap3A_53 = vector.shape_cast %broadcast_in_dim3A_48 : vector<16xf32> to vector<1x16xf32>
        tpu.vector_store %arg12[%swap3A_49, %swap3A_50], %swap3A_53 {strides = array<i32>} : memref<128x128xf32, #tpu.memory_space<vmem>>, vector<1x16xf32>,
        %broadcast_in_dim3A_54 = arith.constant 0.000000e+00 : f32
        %broadcast_in_dim3A_55 = vector.broadcast %broadcast_in_dim3A_54 : f32 to vector<16xf32>
        %swap3A_56 = arith.index_cast %scan3A_34 : i32 to index
        %swap3A_57 = arith.constant 48 : index
        %swap3A_58 = tpu.vector_load %arg12[%swap3A_56, %swap3A_57] {strides = array<i32>} : memref<128x128xf32, #tpu.memory_space<vmem>>, vector<1x16xf32>,
        %swap3A_59 = vector.shape_cast %swap3A_58 : vector<1x16xf32> to vector<16xf32>
        %swap3A_60 = vector.shape_cast %broadcast_in_dim3A_55 : vector<16xf32> to vector<1x16xf32>
        tpu.vector_store %arg12[%swap3A_56, %swap3A_57], %swap3A_60 {strides = array<i32>} : memref<128x128xf32, #tpu.memory_space<vmem>>, vector<1x16xf32>,
        %broadcast_in_dim3A_61 = arith.constant 0.000000e+00 : f32
        %broadcast_in_dim3A_62 = vector.broadcast %broadcast_in_dim3A_61 : f32 to vector<16xf32>
        %swap3A_63 = arith.index_cast %scan3A_34 : i32 to index
        %swap3A_64 = arith.constant 64 : index
        %swap3A_65 = tpu.vector_load %arg12[%swap3A_63, %swap3A_64] {strides = array<i32>} : memref<128x128xf32, #tpu.memory_space<vmem>>, vector<1x16xf32>,
        %swap3A_66 = vector.shape_cast %swap3A_65 : vector<1x16xf32> to vector<16xf32>
        %swap3A_67 = vector.shape_cast %broadcast_in_dim3A_62 : vector<16xf32> to vector<1x16xf32>
        tpu.vector_store %arg12[%swap3A_63, %swap3A_64], %swap3A_67 {strides = array<i32>} : memref<128x128xf32, #tpu.memory_space<vmem>>, vector<1x16xf32>,
        %broadcast_in_dim3A_68 = arith.constant 0.000000e+00 : f32
        %broadcast_in_dim3A_69 = vector.broadcast %broadcast_in_dim3A_68 : f32 to vector<16xf32>
        %swap3A_70 = arith.index_cast %scan3A_34 : i32 to index
        %swap3A_71 = arith.constant 80 : index
        %swap3A_72 = tpu.vector_load %arg12[%swap3A_70, %swap3A_71] {strides = array<i32>} : memref<128x128xf32, #tpu.memory_space<vmem>>, vector<1x16xf32>,
        %swap3A_73 = vector.shape_cast %swap3A_72 : vector<1x16xf32> to vector<16xf32>
        %swap3A_74 = vector.shape_cast %broadcast_in_dim3A_69 : vector<16xf32> to vector<1x16xf32>
        tpu.vector_store %arg12[%swap3A_70, %swap3A_71], %swap3A_74 {strides = array<i32>} : memref<128x128xf32, #tpu.memory_space<vmem>>, vector<1x16xf32>,
        %broadcast_in_dim3A_75 = arith.constant 0.000000e+00 : f32
        %broadcast_in_dim3A_76 = vector.broadcast %broadcast_in_dim3A_75 : f32 to vector<16xf32>
        %swap3A_77 = arith.index_cast %scan3A_34 : i32 to index
        %swap3A_78 = arith.constant 96 : index
        %swap3A_79 = tpu.vector_load %arg12[%swap3A_77, %swap3A_78] {strides = array<i32>} : memref<128x128xf32, #tpu.memory_space<vmem>>, vector<1x16xf32>,
        %swap3A_80 = vector.shape_cast %swap3A_79 : vector<1x16xf32> to vector<16xf32>
        %swap3A_81 = vector.shape_cast %broadcast_in_dim3A_76 : vector<16xf32> to vector<1x16xf32>
        tpu.vector_store %arg12[%swap3A_77, %swap3A_78], %swap3A_81 {strides = array<i32>} : memref<128x128xf32, #tpu.memory_space<vmem>>, vector<1x16xf32>,
        %broadcast_in_dim3A_82 = arith.constant 0.000000e+00 : f32
        %broadcast_in_dim3A_83 = vector.broadcast %broadcast_in_dim3A_82 : f32 to vector<16xf32>
        %swap3A_84 = arith.index_cast %scan3A_34 : i32 to index
        %swap3A_85 = arith.constant 112 : index
        %swap3A_86 = tpu.vector_load %arg12[%swap3A_84, %swap3A_85] {strides = array<i32>} : memref<128x128xf32, #tpu.memory_space<vmem>>, vector<1x16xf32>,
        %swap3A_87 = vector.shape_cast %swap3A_86 : vector<1x16xf32> to vector<16xf32>
        %swap3A_88 = vector.shape_cast %broadcast_in_dim3A_83 : vector<16xf32> to vector<1x16xf32>
        tpu.vector_store %arg12[%swap3A_84, %swap3A_85], %swap3A_88 {strides = array<i32>} : memref<128x128xf32, #tpu.memory_space<vmem>>, vector<1x16xf32>,
      }
      %scan3A_16 = arith.constant 128 : i32
      %scan3A_17 = arith.constant 0 : i32
      %scan3A_18 = arith.constant 0 : i32
      %scan3A_19 = arith.constant 7 : i32
      %scan3A_20 = arith.addi %scan3A_18, %scan3A_19 : i32
      %scan3A_21 = arith.constant 1 : i32
      scf.for %scan3A_34 = %scan3A_18 to %scan3A_20 step %scan3A_21  : i32 {
        %mul3A_35 = arith.constant 16 : i32
        %mul3A_36 = arith.muli %scan3A_34, %mul3A_35 : i32
        %add3A_37 = arith.addi %arg1, %mul3A_36 : i32
        %lt3A = arith.constant 99 : i32
        %lt3A_38 = arith.cmpi slt, %add3A_37, %lt3A : i32
        %convert_element_type3A = arith.extui %lt3A_38 : i1 to i32
        %cond3A = arith.constant 0 : i32
        %cond3A_39 = arith.cmpi ne, %convert_element_type3A, %cond3A : i32
        scf.if %cond3A_39 {
          %mul3A_40 = arith.constant 128 : i32
          %mul3A_41 = arith.muli %add3A_37, %mul3A_40 : i32
          "tpu.region"() ({
            %run_scoped3A = tpu.sem_alloc : memref<!tpu.dma_semaphore, #tpu.memory_space<semaphore_mem>>
            %dma_start3A = arith.constant 0 : i32
            %dma_start3A_42 = tpu.memref_slice %arg13[%mul3A_41, %dma_start3A] : memref<12672x128xf32, #tpu.memory_space<vmem_shared>> -> memref<128x128xf32, #tpu.memory_space<vmem_shared>>
            %dma_start3A_43 = arith.constant 0 : i32
            %dma_start3A_44 = tpu.memref_slice %arg13[%mul3A_41, %dma_start3A_43] : memref<12672x128xf32, #tpu.memory_space<vmem_shared>> -> memref<128x128xf32, #tpu.memory_space<vmem_shared>>
            tpu.enqueue_dma source(%arg12 : memref<128x128xf32, #tpu.memory_space<vmem>>) target(%dma_start3A_44 : memref<128x128xf32, #tpu.memory_space<vmem_shared>>) target_semaphore(%run_scoped3A : memref<!tpu.dma_semaphore, #tpu.memory_space<semaphore_mem>>)
            %dma_wait3A = arith.constant 0 : i32
            %dma_wait3A_45 = tpu.memref_slice %arg13[%mul3A_41, %dma_wait3A] : memref<12672x128xf32, #tpu.memory_space<vmem_shared>> -> memref<128x128xf32, #tpu.memory_space<vmem_shared>>
            %dma_wait3A_46 = arith.constant 0 : i32
            %dma_wait3A_47 = tpu.memref_slice %arg13[%mul3A_41, %dma_wait3A_46] : memref<12672x128xf32, #tpu.memory_space<vmem_shared>> -> memref<128x128xf32, #tpu.memory_space<vmem_shared>>
            tpu.wait_dma2 semaphore(%run_scoped3A : memref<!tpu.dma_semaphore, #tpu.memory_space<semaphore_mem>>) src(%arg12 : memref<128x128xf32, #tpu.memory_space<vmem>>) dst(%dma_wait3A_47 : memref<128x128xf32, #tpu.memory_space<vmem_shared>>)
            tpu.yield
          }) : () -> ()
        } else {
        }
      }
      %scan3A_22 = arith.constant 7 : i32
      %barrier3A = arith.constant 0 : index
      tpu.barrier barrier_id(%barrier3A)
      %scan3A_23 = arith.constant 0 : i32
      %scan3A_24 = arith.constant 0 : i32
      %scan3A_25 = arith.constant 98 : i32
      %scan3A_26 = arith.addi %scan3A_24, %scan3A_25 : i32
      %scan3A_27 = arith.constant 1 : i32
      scf.for %scan3A_34 = %scan3A_24 to %scan3A_26 step %scan3A_27  : i32 {
        %mul3A_35 = arith.constant 1024 : i32
        %mul3A_36 = arith.muli %scan3A_34, %mul3A_35 : i32
        %add3A_37 = arith.addi %mul3A_0, %mul3A_36 : i32
        "tpu.region"() ({
          %run_scoped3A_163 = tpu.sem_alloc : memref<!tpu.dma_semaphore, #tpu.memory_space<semaphore_mem>>
          %dma_start3A_164 = tpu.memref_slice %arg3[%add3A_37] : memref<1600352xi32, #tpu.memory_space<hbm>> -> memref<1024xi32, #tpu.memory_space<hbm>>
          %dma_start3A_165 = tpu.memref_slice %arg3[%add3A_37] : memref<1600352xi32, #tpu.memory_space<hbm>> -> memref<1024xi32, #tpu.memory_space<hbm>>
          tpu.enqueue_dma source(%dma_start3A_165 : memref<1024xi32, #tpu.memory_space<hbm>>) target(%arg7 : memref<1024xi32, #tpu.memory_space<vmem>>) target_semaphore(%run_scoped3A_163 : memref<!tpu.dma_semaphore, #tpu.memory_space<semaphore_mem>>)
          %dma_wait3A_166 = tpu.memref_slice %arg3[%add3A_37] : memref<1600352xi32, #tpu.memory_space<hbm>> -> memref<1024xi32, #tpu.memory_space<hbm>>
          %dma_wait3A_167 = tpu.memref_slice %arg3[%add3A_37] : memref<1600352xi32, #tpu.memory_space<hbm>> -> memref<1024xi32, #tpu.memory_space<hbm>>
          tpu.wait_dma2 semaphore(%run_scoped3A_163 : memref<!tpu.dma_semaphore, #tpu.memory_space<semaphore_mem>>) src(%dma_wait3A_167 : memref<1024xi32, #tpu.memory_space<hbm>>) dst(%arg7 : memref<1024xi32, #tpu.memory_space<vmem>>)
          tpu.yield
        }) : () -> ()
        "tpu.region"() ({
          %run_scoped3A_163 = tpu.sem_alloc : memref<!tpu.dma_semaphore, #tpu.memory_space<semaphore_mem>>
          %dma_start3A_164 = tpu.memref_slice %arg4[%add3A_37] : memref<1600352xi32, #tpu.memory_space<hbm>> -> memref<1024xi32, #tpu.memory_space<hbm>>
          %dma_start3A_165 = tpu.memref_slice %arg4[%add3A_37] : memref<1600352xi32, #tpu.memory_space<hbm>> -> memref<1024xi32, #tpu.memory_space<hbm>>
          tpu.enqueue_dma source(%dma_start3A_165 : memref<1024xi32, #tpu.memory_space<hbm>>) target(%arg8 : memref<1024xi32, #tpu.memory_space<vmem>>) target_semaphore(%run_scoped3A_163 : memref<!tpu.dma_semaphore, #tpu.memory_space<semaphore_mem>>)
          %dma_wait3A_166 = tpu.memref_slice %arg4[%add3A_37] : memref<1600352xi32, #tpu.memory_space<hbm>> -> memref<1024xi32, #tpu.memory_space<hbm>>
          %dma_wait3A_167 = tpu.memref_slice %arg4[%add3A_37] : memref<1600352xi32, #tpu.memory_space<hbm>> -> memref<1024xi32, #tpu.memory_space<hbm>>
          tpu.wait_dma2 semaphore(%run_scoped3A_163 : memref<!tpu.dma_semaphore, #tpu.memory_space<semaphore_mem>>) src(%dma_wait3A_167 : memref<1024xi32, #tpu.memory_space<hbm>>) dst(%arg8 : memref<1024xi32, #tpu.memory_space<vmem>>)
          tpu.yield
        }) : () -> ()
        "tpu.region"() ({
          %run_scoped3A_163 = tpu.sem_alloc : memref<!tpu.dma_semaphore, #tpu.memory_space<semaphore_mem>>
          %dma_start3A_164 = tpu.memref_slice %arg5[%add3A_37] : memref<1600352xi32, #tpu.memory_space<hbm>> -> memref<1024xi32, #tpu.memory_space<hbm>>
          %dma_start3A_165 = tpu.memref_slice %arg5[%add3A_37] : memref<1600352xi32, #tpu.memory_space<hbm>> -> memref<1024xi32, #tpu.memory_space<hbm>>
          tpu.enqueue_dma source(%dma_start3A_165 : memref<1024xi32, #tpu.memory_space<hbm>>) target(%arg9 : memref<1024xi32, #tpu.memory_space<vmem>>) target_semaphore(%run_scoped3A_163 : memref<!tpu.dma_semaphore, #tpu.memory_space<semaphore_mem>>)
          %dma_wait3A_166 = tpu.memref_slice %arg5[%add3A_37] : memref<1600352xi32, #tpu.memory_space<hbm>> -> memref<1024xi32, #tpu.memory_space<hbm>>
          %dma_wait3A_167 = tpu.memref_slice %arg5[%add3A_37] : memref<1600352xi32, #tpu.memory_space<hbm>> -> memref<1024xi32, #tpu.memory_space<hbm>>
          tpu.wait_dma2 semaphore(%run_scoped3A_163 : memref<!tpu.dma_semaphore, #tpu.memory_space<semaphore_mem>>) src(%dma_wait3A_167 : memref<1024xi32, #tpu.memory_space<hbm>>) dst(%arg9 : memref<1024xi32, #tpu.memory_space<vmem>>)
          tpu.yield
        }) : () -> ()
        %mul3A_38 = arith.constant 1024 : i32
        %mul3A_39 = arith.muli %scan3A_34, %mul3A_38 : i32
        %scan3A_40 = arith.constant 0 : i32
        %scan3A_41 = arith.constant 0 : i32
        %scan3A_42 = arith.constant 64 : i32
        %scan3A_43 = arith.addi %scan3A_41, %scan3A_42 : i32
        %scan3A_44 = arith.constant 1 : i32
        scf.for %scan3A_163 = %scan3A_41 to %scan3A_43 step %scan3A_44  : i32 {
          %mul3A_164 = arith.constant 16 : i32
          %mul3A_165 = arith.muli %scan3A_163, %mul3A_164 : i32
          %get3A = arith.index_cast %mul3A_165 : i32 to index
          %get3A_166 = tpu.vector_load %arg7[%get3A] {strides = array<i32>} : memref<1024xi32, #tpu.memory_space<vmem>>, vector<16xi32>,
          %get3A_167 = vector.shape_cast %get3A_166 : vector<16xi32> to vector<16xi32>
          %mul3A_168 = arith.constant 16 : i32
          %mul3A_169 = arith.muli %scan3A_163, %mul3A_168 : i32
          %get3A_170 = arith.index_cast %mul3A_169 : i32 to index
          %get3A_171 = tpu.vector_load %arg8[%get3A_170] {strides = array<i32>} : memref<1024xi32, #tpu.memory_space<vmem>>, vector<16xi32>,
          %get3A_172 = vector.shape_cast %get3A_171 : vector<16xi32> to vector<16xi32>
          %mul3A_173 = arith.constant 16 : i32
          %mul3A_174 = arith.muli %scan3A_163, %mul3A_173 : i32
          %get3A_175 = arith.index_cast %mul3A_174 : i32 to index
          %get3A_176 = tpu.vector_load %arg9[%get3A_175] {strides = array<i32>} : memref<1024xi32, #tpu.memory_space<vmem>>, vector<16xi32>,
          %get3A_177 = vector.shape_cast %get3A_176 : vector<16xi32> to vector<16xi32>
          %mul3A_178 = arith.constant 16 : i32
          %mul3A_179 = arith.muli %scan3A_163, %mul3A_178 : i32
          %add3A_180 = arith.addi %mul3A_39, %mul3A_179 : i32
          %iota3A = tpu.iota {dimensions = array<i32: 0>} : vector<16xi32>
          %add3A_181 = vector.broadcast %add3A_180 : i32 to vector<16xi32>
          %add3A_182 = arith.addi %add3A_181, %iota3A : vector<16xi32>
          %sub3A = vector.broadcast %mul3A_10 : i32 to vector<16xi32>
          %sub3A_183 = arith.subi %get3A_172, %sub3A : vector<16xi32>
          %lt3A = arith.constant 100000 : i32
          %lt3A_184 = vector.broadcast %lt3A : i32 to vector<16xi32>
          %lt3A_185 = arith.cmpi slt, %add3A_182, %lt3A_184 : vector<16xi32>
          %ge3A = arith.constant 0 : i32
          %ge3A_186 = vector.broadcast %ge3A : i32 to vector<16xi32>
          %ge3A_187 = arith.cmpi sge, %sub3A_183, %ge3A_186 : vector<16xi32>
          %and3A = arith.andi %lt3A_185, %ge3A_187 : vector<16xi1>
          %lt3A_188 = arith.constant 12544 : i32
          %lt3A_189 = vector.broadcast %lt3A_188 : i32 to vector<16xi32>
          %lt3A_190 = arith.cmpi slt, %sub3A_183, %lt3A_189 : vector<16xi32>
          %and3A_191 = arith.andi %and3A, %lt3A_190 : vector<16xi1>
          %mul3A_192 = arith.constant 100000 : i32
          %mul3A_193 = vector.broadcast %mul3A_192 : i32 to vector<16xi32>
          %mul3A_194 = arith.muli %get3A_177, %mul3A_193 : vector<16xi32>
          %add3A_195 = arith.addi %mul3A_194, %get3A_167 : vector<16xi32>
          %jit3A = arith.constant 8 : i32
          %div3A = arith.divsi %scan3A_163, %jit3A : i32
          %sign3A = arith.constant 0 : i32
          %sign3A_196 = arith.cmpi sgt, %scan3A_163, %sign3A : i32
          %sign3A_197 = arith.extui %sign3A_196 : i1 to i32
          %sign3A_198 = arith.constant 0 : i32
          %sign3A_199 = arith.cmpi slt, %scan3A_163, %sign3A_198 : i32
          %sign3A_200 = arith.extui %sign3A_199 : i1 to i32
          %sign3A_201 = arith.subi %sign3A_197, %sign3A_200 : i32
          %sign3A_202 = arith.constant 0 : i32
          %sign3A_203 = arith.cmpi sgt, %jit3A, %sign3A_202 : i32
          %sign3A_204 = arith.extui %sign3A_203 : i1 to i32
          %sign3A_205 = arith.constant 0 : i32
          %sign3A_206 = arith.cmpi slt, %jit3A, %sign3A_205 : i32
          %sign3A_207 = arith.extui %sign3A_206 : i1 to i32
          %sign3A_208 = arith.subi %sign3A_204, %sign3A_207 : i32
          %ne3A = arith.cmpi ne, %sign3A_201, %sign3A_208 : i32
          %rem3A = arith.remsi %scan3A_163, %jit3A : i32
          %ne3A_209 = arith.constant 0 : i32
          %ne3A_210 = arith.cmpi ne, %rem3A, %ne3A_209 : i32
          %and3A_211 = arith.andi %ne3A, %ne3A_210 : i1
          %sub3A_212 = arith.constant 1 : i32
          %sub3A_213 = arith.subi %div3A, %sub3A_212 : i32
          %select_n3A = arith.select %and3A_211, %sub3A_213, %div3A : i32
          %jit3A_214 = arith.constant 8 : i32
          %eq3A = arith.constant 0 : i32
          %eq3A_215 = arith.cmpi eq, %jit3A_214, %eq3A : i32
          %jit3A_216 = arith.constant 1 : i32
          %select_n3A_217 = arith.select %eq3A_215, %jit3A_216, %jit3A_214 : i32
          %rem3A_218 = arith.remsi %scan3A_163, %select_n3A_217 : i32
          %ne3A_219 = arith.constant 0 : i32
          %ne3A_220 = arith.cmpi ne, %rem3A_218, %ne3A_219 : i32
          %lt3A_221 = arith.constant 0 : i32
          %lt3A_222 = arith.cmpi slt, %rem3A_218, %lt3A_221 : i32
          %lt3A_223 = arith.constant 0 : i32
          %lt3A_224 = arith.cmpi slt, %select_n3A_217, %lt3A_223 : i32
          %ne3A_225 = arith.xori %lt3A_222, %lt3A_224 : i1
          %and3A_226 = arith.andi %ne3A_225, %ne3A_220 : i1
          %add3A_227 = arith.addi %rem3A_218, %select_n3A_217 : i32
          %select_n3A_228 = arith.select %and3A_226, %add3A_227, %rem3A_218 : i32
          %mul3A_229 = arith.constant 16 : i32
          %mul3A_230 = arith.muli %select_n3A_228, %mul3A_229 : i32
          %swap3A = arith.index_cast %select_n3A : i32 to index
          %swap3A_231 = arith.index_cast %mul3A_230 : i32 to index
          %swap3A_232 = tpu.vector_load %arg10[%swap3A, %swap3A_231] {strides = array<i32>} : memref<8x128xi32, #tpu.memory_space<vmem>>, vector<1x16xi32>,
          %swap3A_233 = vector.shape_cast %swap3A_232 : vector<1x16xi32> to vector<16xi32>
          %swap3A_234 = vector.shape_cast %add3A_195 : vector<16xi32> to vector<1x16xi32>
          tpu.vector_store %arg10[%swap3A, %swap3A_231], %swap3A_234 {strides = array<i32>} : memref<8x128xi32, #tpu.memory_space<vmem>>, vector<1x16xi32>,
          %jit3A_235 = arith.constant 12544 : i32
          %broadcast_in_dim3A = vector.broadcast %jit3A_235 : i32 to vector<16xi32>
          %select_n3A_236 = arith.select %and3A_191, %sub3A_183, %broadcast_in_dim3A : vector<16xi1>, vector<16xi32>
          %jit3A_237 = arith.constant 8 : i32
          %div3A_238 = arith.divsi %scan3A_163, %jit3A_237 : i32
          %sign3A_239 = arith.constant 0 : i32
          %sign3A_240 = arith.cmpi sgt, %scan3A_163, %sign3A_239 : i32
          %sign3A_241 = arith.extui %sign3A_240 : i1 to i32
          %sign3A_242 = arith.constant 0 : i32
          %sign3A_243 = arith.cmpi slt, %scan3A_163, %sign3A_242 : i32
          %sign3A_244 = arith.extui %sign3A_243 : i1 to i32
          %sign3A_245 = arith.subi %sign3A_241, %sign3A_244 : i32
          %sign3A_246 = arith.constant 0 : i32
          %sign3A_247 = arith.cmpi sgt, %jit3A_237, %sign3A_246 : i32
          %sign3A_248 = arith.extui %sign3A_247 : i1 to i32
          %sign3A_249 = arith.constant 0 : i32
          %sign3A_250 = arith.cmpi slt, %jit3A_237, %sign3A_249 : i32
          %sign3A_251 = arith.extui %sign3A_250 : i1 to i32
          %sign3A_252 = arith.subi %sign3A_248, %sign3A_251 : i32
          %ne3A_253 = arith.cmpi ne, %sign3A_245, %sign3A_252 : i32
          %rem3A_254 = arith.remsi %scan3A_163, %jit3A_237 : i32
          %ne3A_255 = arith.constant 0 : i32
          %ne3A_256 = arith.cmpi ne, %rem3A_254, %ne3A_255 : i32
          %and3A_257 = arith.andi %ne3A_253, %ne3A_256 : i1
          %sub3A_258 = arith.constant 1 : i32
          %sub3A_259 = arith.subi %div3A_238, %sub3A_258 : i32
          %select_n3A_260 = arith.select %and3A_257, %sub3A_259, %div3A_238 : i32
          %jit3A_261 = arith.constant 8 : i32
          %eq3A_262 = arith.constant 0 : i32
          %eq3A_263 = arith.cmpi eq, %jit3A_261, %eq3A_262 : i32
          %jit3A_264 = arith.constant 1 : i32
          %select_n3A_265 = arith.select %eq3A_263, %jit3A_264, %jit3A_261 : i32
          %rem3A_266 = arith.remsi %scan3A_163, %select_n3A_265 : i32
          %ne3A_267 = arith.constant 0 : i32
          %ne3A_268 = arith.cmpi ne, %rem3A_266, %ne3A_267 : i32
          %lt3A_269 = arith.constant 0 : i32
          %lt3A_270 = arith.cmpi slt, %rem3A_266, %lt3A_269 : i32
          %lt3A_271 = arith.constant 0 : i32
          %lt3A_272 = arith.cmpi slt, %select_n3A_265, %lt3A_271 : i32
          %ne3A_273 = arith.xori %lt3A_270, %lt3A_272 : i1
          %and3A_274 = arith.andi %ne3A_273, %ne3A_268 : i1
          %add3A_275 = arith.addi %rem3A_266, %select_n3A_265 : i32
          %select_n3A_276 = arith.select %and3A_274, %add3A_275, %rem3A_266 : i32
          %mul3A_277 = arith.constant 16 : i32
          %mul3A_278 = arith.muli %select_n3A_276, %mul3A_277 : i32
          %swap3A_279 = arith.index_cast %select_n3A_260 : i32 to index
          %swap3A_280 = arith.index_cast %mul3A_278 : i32 to index
          %swap3A_281 = tpu.vector_load %arg11[%swap3A_279, %swap3A_280] {strides = array<i32>} : memref<8x128xi32, #tpu.memory_space<vmem>>, vector<1x16xi32>,
          %swap3A_282 = vector.shape_cast %swap3A_281 : vector<1x16xi32> to vector<16xi32>
          %swap3A_283 = vector.shape_cast %select_n3A_236 : vector<16xi32> to vector<1x16xi32>
          tpu.vector_store %arg11[%swap3A_279, %swap3A_280], %swap3A_283 {strides = array<i32>} : memref<8x128xi32, #tpu.memory_space<vmem>>, vector<1x16xi32>,
        }
        %scan3A_45 = arith.constant 64 : i32
        %dma_start3A = arith.constant 0 : i32
        %dma_start3A_46 = arith.constant 0 : i32
        %dma_start3A_47 = tpu.memref_slice %arg10[%dma_start3A, %dma_start3A_46] : memref<8x128xi32, #tpu.memory_space<vmem>> -> memref<1x128xi32, #tpu.memory_space<vmem>>
        %dma_start3A_48 = tpu.memref_squeeze %dma_start3A_47 : memref<1x128xi32, #tpu.memory_space<vmem>> -> memref<128xi32, #tpu.memory_space<vmem>>
        %dma_start3A_49 = arith.constant 0 : i32
        %dma_start3A_50 = arith.constant 0 : i32
        %dma_start3A_51 = tpu.memref_slice %arg2[%dma_start3A_49, %dma_start3A_50] : memref<700000x128xf32, #tpu.memory_space<hbm>> -> memref<700000x128xf32, #tpu.memory_space<hbm>>
        tpu.enqueue_indirect_dma source(%dma_start3A_51 : memref<700000x128xf32, #tpu.memory_space<hbm>>) target(%arg12 : memref<128x128xf32, #tpu.memory_space<vmem>>) offsets(%dma_start3A_48 : memref<128xi32, #tpu.memory_space<vmem>>) semaphore(%arg14 : memref<!tpu.dma_semaphore, #tpu.memory_space<semaphore_mem>>)
        %dma_wait3A = arith.constant 0 : i32
        %dma_wait3A_52 = arith.constant 0 : i32
        %dma_wait3A_53 = tpu.memref_slice %arg10[%dma_wait3A, %dma_wait3A_52] : memref<8x128xi32, #tpu.memory_space<vmem>> -> memref<1x128xi32, #tpu.memory_space<vmem>>
        %dma_wait3A_54 = tpu.memref_squeeze %dma_wait3A_53 : memref<1x128xi32, #tpu.memory_space<vmem>> -> memref<128xi32, #tpu.memory_space<vmem>>
        %dma_wait3A_55 = arith.constant 0 : i32
        %dma_wait3A_56 = arith.constant 0 : i32
        %dma_wait3A_57 = tpu.memref_slice %arg2[%dma_wait3A_55, %dma_wait3A_56] : memref<700000x128xf32, #tpu.memory_space<hbm>> -> memref<700000x128xf32, #tpu.memory_space<hbm>>
        tpu.wait_indirect_dma semaphore(%arg14 : memref<!tpu.dma_semaphore, #tpu.memory_space<semaphore_mem>>) src(%dma_wait3A_57 : memref<700000x128xf32, #tpu.memory_space<hbm>>) dst(%arg12 : memref<128x128xf32, #tpu.memory_space<vmem>>)
        %run_scoped3A = arith.constant 0 : i32
        "tpu.region"() ({
          %run_scoped3A_163 = tpu.sem_alloc : memref<!tpu.dma_semaphore, #tpu.memory_space<semaphore_mem>>
          %dma_start3A_164 = arith.constant 0 : i32
          %dma_start3A_165 = tpu.memref_slice %arg11[%run_scoped3A, %dma_start3A_164] : memref<8x128xi32, #tpu.memory_space<vmem>> -> memref<1x128xi32, #tpu.memory_space<vmem>>
          %dma_start3A_166 = tpu.memref_squeeze %dma_start3A_165 : memref<1x128xi32, #tpu.memory_space<vmem>> -> memref<128xi32, #tpu.memory_space<vmem>>
          %dma_start3A_167 = arith.constant 0 : i32
          %dma_start3A_168 = arith.constant 0 : i32
          %dma_start3A_169 = tpu.memref_slice %arg13[%dma_start3A_167, %dma_start3A_168] : memref<12672x128xf32, #tpu.memory_space<vmem_shared>> -> memref<12672x128xf32, #tpu.memory_space<vmem_shared>>
          tpu.enqueue_indirect_dma source(%arg12 : memref<128x128xf32, #tpu.memory_space<vmem>>) target(%dma_start3A_169 : memref<12672x128xf32, #tpu.memory_space<vmem_shared>>) offsets(%dma_start3A_166 : memref<128xi32, #tpu.memory_space<vmem>>) semaphore(%run_scoped3A_163 : memref<!tpu.dma_semaphore, #tpu.memory_space<semaphore_mem>>) {add = true}
          %dma_wait3A_170 = arith.constant 0 : i32
          %dma_wait3A_171 = tpu.memref_slice %arg11[%run_scoped3A, %dma_wait3A_170] : memref<8x128xi32, #tpu.memory_space<vmem>> -> memref<1x128xi32, #tpu.memory_space<vmem>>
          %dma_wait3A_172 = tpu.memref_squeeze %dma_wait3A_171 : memref<1x128xi32, #tpu.memory_space<vmem>> -> memref<128xi32, #tpu.memory_space<vmem>>
          %dma_wait3A_173 = arith.constant 0 : i32
          %dma_wait3A_174 = arith.constant 0 : i32
          %dma_wait3A_175 = tpu.memref_slice %arg13[%dma_wait3A_173, %dma_wait3A_174] : memref<12672x128xf32, #tpu.memory_space<vmem_shared>> -> memref<12672x128xf32, #tpu.memory_space<vmem_shared>>
          tpu.wait_indirect_dma semaphore(%run_scoped3A_163 : memref<!tpu.dma_semaphore, #tpu.memory_space<semaphore_mem>>) src(%arg12 : memref<128x128xf32, #tpu.memory_space<vmem>>) dst(%dma_wait3A_175 : memref<12672x128xf32, #tpu.memory_space<vmem_shared>>)
          tpu.yield
        }) : () -> ()
        %dma_start3A_58 = arith.constant 1 : i32
        %dma_start3A_59 = arith.constant 0 : i32
        %dma_start3A_60 = tpu.memref_slice %arg10[%dma_start3A_58, %dma_start3A_59] : memref<8x128xi32, #tpu.memory_space<vmem>> -> memref<1x128xi32, #tpu.memory_space<vmem>>
        %dma_start3A_61 = tpu.memref_squeeze %dma_start3A_60 : memref<1x128xi32, #tpu.memory_space<vmem>> -> memref<128xi32, #tpu.memory_space<vmem>>
        %dma_start3A_62 = arith.constant 0 : i32
        %dma_start3A_63 = arith.constant 0 : i32
        %dma_start3A_64 = tpu.memref_slice %arg2[%dma_start3A_62, %dma_start3A_63] : memref<700000x128xf32, #tpu.memory_space<hbm>> -> memref<700000x128xf32, #tpu.memory_space<hbm>>
        tpu.enqueue_indirect_dma source(%dma_start3A_64 : memref<700000x128xf32, #tpu.memory_space<hbm>>) target(%arg12 : memref<128x128xf32, #tpu.memory_space<vmem>>) offsets(%dma_start3A_61 : memref<128xi32, #tpu.memory_space<vmem>>) semaphore(%arg14 : memref<!tpu.dma_semaphore, #tpu.memory_space<semaphore_mem>>)
        %dma_wait3A_65 = arith.constant 1 : i32
        %dma_wait3A_66 = arith.constant 0 : i32
        %dma_wait3A_67 = tpu.memref_slice %arg10[%dma_wait3A_65, %dma_wait3A_66] : memref<8x128xi32, #tpu.memory_space<vmem>> -> memref<1x128xi32, #tpu.memory_space<vmem>>
        %dma_wait3A_68 = tpu.memref_squeeze %dma_wait3A_67 : memref<1x128xi32, #tpu.memory_space<vmem>> -> memref<128xi32, #tpu.memory_space<vmem>>
        %dma_wait3A_69 = arith.constant 0 : i32
        %dma_wait3A_70 = arith.constant 0 : i32
        %dma_wait3A_71 = tpu.memref_slice %arg2[%dma_wait3A_69, %dma_wait3A_70] : memref<700000x128xf32, #tpu.memory_space<hbm>> -> memref<700000x128xf32, #tpu.memory_space<hbm>>
        tpu.wait_indirect_dma semaphore(%arg14 : memref<!tpu.dma_semaphore, #tpu.memory_space<semaphore_mem>>) src(%dma_wait3A_71 : memref<700000x128xf32, #tpu.memory_space<hbm>>) dst(%arg12 : memref<128x128xf32, #tpu.memory_space<vmem>>)
        %run_scoped3A_72 = arith.constant 1 : i32
        "tpu.region"() ({
          %run_scoped3A_163 = tpu.sem_alloc : memref<!tpu.dma_semaphore, #tpu.memory_space<semaphore_mem>>
          %dma_start3A_164 = arith.constant 0 : i32
          %dma_start3A_165 = tpu.memref_slice %arg11[%run_scoped3A_72, %dma_start3A_164] : memref<8x128xi32, #tpu.memory_space<vmem>> -> memref<1x128xi32, #tpu.memory_space<vmem>>
          %dma_start3A_166 = tpu.memref_squeeze %dma_start3A_165 : memref<1x128xi32, #tpu.memory_space<vmem>> -> memref<128xi32, #tpu.memory_space<vmem>>
          %dma_start3A_167 = arith.constant 0 : i32
          %dma_start3A_168 = arith.constant 0 : i32
          %dma_start3A_169 = tpu.memref_slice %arg13[%dma_start3A_167, %dma_start3A_168] : memref<12672x128xf32, #tpu.memory_space<vmem_shared>> -> memref<12672x128xf32, #tpu.memory_space<vmem_shared>>
          tpu.enqueue_indirect_dma source(%arg12 : memref<128x128xf32, #tpu.memory_space<vmem>>) target(%dma_start3A_169 : memref<12672x128xf32, #tpu.memory_space<vmem_shared>>) offsets(%dma_start3A_166 : memref<128xi32, #tpu.memory_space<vmem>>) semaphore(%run_scoped3A_163 : memref<!tpu.dma_semaphore, #tpu.memory_space<semaphore_mem>>) {add = true}
          %dma_wait3A_170 = arith.constant 0 : i32
          %dma_wait3A_171 = tpu.memref_slice %arg11[%run_scoped3A_72, %dma_wait3A_170] : memref<8x128xi32, #tpu.memory_space<vmem>> -> memref<1x128xi32, #tpu.memory_space<vmem>>
          %dma_wait3A_172 = tpu.memref_squeeze %dma_wait3A_171 : memref<1x128xi32, #tpu.memory_space<vmem>> -> memref<128xi32, #tpu.memory_space<vmem>>
          %dma_wait3A_173 = arith.constant 0 : i32
          %dma_wait3A_174 = arith.constant 0 : i32
          %dma_wait3A_175 = tpu.memref_slice %arg13[%dma_wait3A_173, %dma_wait3A_174] : memref<12672x128xf32, #tpu.memory_space<vmem_shared>> -> memref<12672x128xf32, #tpu.memory_space<vmem_shared>>
          tpu.wait_indirect_dma semaphore(%run_scoped3A_163 : memref<!tpu.dma_semaphore, #tpu.memory_space<semaphore_mem>>) src(%arg12 : memref<128x128xf32, #tpu.memory_space<vmem>>) dst(%dma_wait3A_175 : memref<12672x128xf32, #tpu.memory_space<vmem_shared>>)
          tpu.yield
        }) : () -> ()
        %dma_start3A_73 = arith.constant 2 : i32
        %dma_start3A_74 = arith.constant 0 : i32
        %dma_start3A_75 = tpu.memref_slice %arg10[%dma_start3A_73, %dma_start3A_74] : memref<8x128xi32, #tpu.memory_space<vmem>> -> memref<1x128xi32, #tpu.memory_space<vmem>>
        %dma_start3A_76 = tpu.memref_squeeze %dma_start3A_75 : memref<1x128xi32, #tpu.memory_space<vmem>> -> memref<128xi32, #tpu.memory_space<vmem>>
        %dma_start3A_77 = arith.constant 0 : i32
        %dma_start3A_78 = arith.constant 0 : i32
        %dma_start3A_79 = tpu.memref_slice %arg2[%dma_start3A_77, %dma_start3A_78] : memref<700000x128xf32, #tpu.memory_space<hbm>> -> memref<700000x128xf32, #tpu.memory_space<hbm>>
        tpu.enqueue_indirect_dma source(%dma_start3A_79 : memref<700000x128xf32, #tpu.memory_space<hbm>>) target(%arg12 : memref<128x128xf32, #tpu.memory_space<vmem>>) offsets(%dma_start3A_76 : memref<128xi32, #tpu.memory_space<vmem>>) semaphore(%arg14 : memref<!tpu.dma_semaphore, #tpu.memory_space<semaphore_mem>>)
        %dma_wait3A_80 = arith.constant 2 : i32
        %dma_wait3A_81 = arith.constant 0 : i32
        %dma_wait3A_82 = tpu.memref_slice %arg10[%dma_wait3A_80, %dma_wait3A_81] : memref<8x128xi32, #tpu.memory_space<vmem>> -> memref<1x128xi32, #tpu.memory_space<vmem>>
        %dma_wait3A_83 = tpu.memref_squeeze %dma_wait3A_82 : memref<1x128xi32, #tpu.memory_space<vmem>> -> memref<128xi32, #tpu.memory_space<vmem>>
        %dma_wait3A_84 = arith.constant 0 : i32
        %dma_wait3A_85 = arith.constant 0 : i32
        %dma_wait3A_86 = tpu.memref_slice %arg2[%dma_wait3A_84, %dma_wait3A_85] : memref<700000x128xf32, #tpu.memory_space<hbm>> -> memref<700000x128xf32, #tpu.memory_space<hbm>>
        tpu.wait_indirect_dma semaphore(%arg14 : memref<!tpu.dma_semaphore, #tpu.memory_space<semaphore_mem>>) src(%dma_wait3A_86 : memref<700000x128xf32, #tpu.memory_space<hbm>>) dst(%arg12 : memref<128x128xf32, #tpu.memory_space<vmem>>)
        %run_scoped3A_87 = arith.constant 2 : i32
        "tpu.region"() ({
          %run_scoped3A_163 = tpu.sem_alloc : memref<!tpu.dma_semaphore, #tpu.memory_space<semaphore_mem>>
          %dma_start3A_164 = arith.constant 0 : i32
          %dma_start3A_165 = tpu.memref_slice %arg11[%run_scoped3A_87, %dma_start3A_164] : memref<8x128xi32, #tpu.memory_space<vmem>> -> memref<1x128xi32, #tpu.memory_space<vmem>>
          %dma_start3A_166 = tpu.memref_squeeze %dma_start3A_165 : memref<1x128xi32, #tpu.memory_space<vmem>> -> memref<128xi32, #tpu.memory_space<vmem>>
          %dma_start3A_167 = arith.constant 0 : i32
          %dma_start3A_168 = arith.constant 0 : i32
          %dma_start3A_169 = tpu.memref_slice %arg13[%dma_start3A_167, %dma_start3A_168] : memref<12672x128xf32, #tpu.memory_space<vmem_shared>> -> memref<12672x128xf32, #tpu.memory_space<vmem_shared>>
          tpu.enqueue_indirect_dma source(%arg12 : memref<128x128xf32, #tpu.memory_space<vmem>>) target(%dma_start3A_169 : memref<12672x128xf32, #tpu.memory_space<vmem_shared>>) offsets(%dma_start3A_166 : memref<128xi32, #tpu.memory_space<vmem>>) semaphore(%run_scoped3A_163 : memref<!tpu.dma_semaphore, #tpu.memory_space<semaphore_mem>>) {add = true}
          %dma_wait3A_170 = arith.constant 0 : i32
          %dma_wait3A_171 = tpu.memref_slice %arg11[%run_scoped3A_87, %dma_wait3A_170] : memref<8x128xi32, #tpu.memory_space<vmem>> -> memref<1x128xi32, #tpu.memory_space<vmem>>
          %dma_wait3A_172 = tpu.memref_squeeze %dma_wait3A_171 : memref<1x128xi32, #tpu.memory_space<vmem>> -> memref<128xi32, #tpu.memory_space<vmem>>
          %dma_wait3A_173 = arith.constant 0 : i32
          %dma_wait3A_174 = arith.constant 0 : i32
          %dma_wait3A_175 = tpu.memref_slice %arg13[%dma_wait3A_173, %dma_wait3A_174] : memref<12672x128xf32, #tpu.memory_space<vmem_shared>> -> memref<12672x128xf32, #tpu.memory_space<vmem_shared>>
          tpu.wait_indirect_dma semaphore(%run_scoped3A_163 : memref<!tpu.dma_semaphore, #tpu.memory_space<semaphore_mem>>) src(%arg12 : memref<128x128xf32, #tpu.memory_space<vmem>>) dst(%dma_wait3A_175 : memref<12672x128xf32, #tpu.memory_space<vmem_shared>>)
          tpu.yield
        }) : () -> ()
        %dma_start3A_88 = arith.constant 3 : i32
        %dma_start3A_89 = arith.constant 0 : i32
        %dma_start3A_90 = tpu.memref_slice %arg10[%dma_start3A_88, %dma_start3A_89] : memref<8x128xi32, #tpu.memory_space<vmem>> -> memref<1x128xi32, #tpu.memory_space<vmem>>
        %dma_start3A_91 = tpu.memref_squeeze %dma_start3A_90 : memref<1x128xi32, #tpu.memory_space<vmem>> -> memref<128xi32, #tpu.memory_space<vmem>>
        %dma_start3A_92 = arith.constant 0 : i32
        %dma_start3A_93 = arith.constant 0 : i32
        %dma_start3A_94 = tpu.memref_slice %arg2[%dma_start3A_92, %dma_start3A_93] : memref<700000x128xf32, #tpu.memory_space<hbm>> -> memref<700000x128xf32, #tpu.memory_space<hbm>>
        tpu.enqueue_indirect_dma source(%dma_start3A_94 : memref<700000x128xf32, #tpu.memory_space<hbm>>) target(%arg12 : memref<128x128xf32, #tpu.memory_space<vmem>>) offsets(%dma_start3A_91 : memref<128xi32, #tpu.memory_space<vmem>>) semaphore(%arg14 : memref<!tpu.dma_semaphore, #tpu.memory_space<semaphore_mem>>)
        %dma_wait3A_95 = arith.constant 3 : i32
        %dma_wait3A_96 = arith.constant 0 : i32
        %dma_wait3A_97 = tpu.memref_slice %arg10[%dma_wait3A_95, %dma_wait3A_96] : memref<8x128xi32, #tpu.memory_space<vmem>> -> memref<1x128xi32, #tpu.memory_space<vmem>>
        %dma_wait3A_98 = tpu.memref_squeeze %dma_wait3A_97 : memref<1x128xi32, #tpu.memory_space<vmem>> -> memref<128xi32, #tpu.memory_space<vmem>>
        %dma_wait3A_99 = arith.constant 0 : i32
        %dma_wait3A_100 = arith.constant 0 : i32
        %dma_wait3A_101 = tpu.memref_slice %arg2[%dma_wait3A_99, %dma_wait3A_100] : memref<700000x128xf32, #tpu.memory_space<hbm>> -> memref<700000x128xf32, #tpu.memory_space<hbm>>
        tpu.wait_indirect_dma semaphore(%arg14 : memref<!tpu.dma_semaphore, #tpu.memory_space<semaphore_mem>>) src(%dma_wait3A_101 : memref<700000x128xf32, #tpu.memory_space<hbm>>) dst(%arg12 : memref<128x128xf32, #tpu.memory_space<vmem>>)
        %run_scoped3A_102 = arith.constant 3 : i32
        "tpu.region"() ({
          %run_scoped3A_163 = tpu.sem_alloc : memref<!tpu.dma_semaphore, #tpu.memory_space<semaphore_mem>>
          %dma_start3A_164 = arith.constant 0 : i32
          %dma_start3A_165 = tpu.memref_slice %arg11[%run_scoped3A_102, %dma_start3A_164] : memref<8x128xi32, #tpu.memory_space<vmem>> -> memref<1x128xi32, #tpu.memory_space<vmem>>
          %dma_start3A_166 = tpu.memref_squeeze %dma_start3A_165 : memref<1x128xi32, #tpu.memory_space<vmem>> -> memref<128xi32, #tpu.memory_space<vmem>>
          %dma_start3A_167 = arith.constant 0 : i32
          %dma_start3A_168 = arith.constant 0 : i32
          %dma_start3A_169 = tpu.memref_slice %arg13[%dma_start3A_167, %dma_start3A_168] : memref<12672x128xf32, #tpu.memory_space<vmem_shared>> -> memref<12672x128xf32, #tpu.memory_space<vmem_shared>>
          tpu.enqueue_indirect_dma source(%arg12 : memref<128x128xf32, #tpu.memory_space<vmem>>) target(%dma_start3A_169 : memref<12672x128xf32, #tpu.memory_space<vmem_shared>>) offsets(%dma_start3A_166 : memref<128xi32, #tpu.memory_space<vmem>>) semaphore(%run_scoped3A_163 : memref<!tpu.dma_semaphore, #tpu.memory_space<semaphore_mem>>) {add = true}
          %dma_wait3A_170 = arith.constant 0 : i32
          %dma_wait3A_171 = tpu.memref_slice %arg11[%run_scoped3A_102, %dma_wait3A_170] : memref<8x128xi32, #tpu.memory_space<vmem>> -> memref<1x128xi32, #tpu.memory_space<vmem>>
          %dma_wait3A_172 = tpu.memref_squeeze %dma_wait3A_171 : memref<1x128xi32, #tpu.memory_space<vmem>> -> memref<128xi32, #tpu.memory_space<vmem>>
          %dma_wait3A_173 = arith.constant 0 : i32
          %dma_wait3A_174 = arith.constant 0 : i32
          %dma_wait3A_175 = tpu.memref_slice %arg13[%dma_wait3A_173, %dma_wait3A_174] : memref<12672x128xf32, #tpu.memory_space<vmem_shared>> -> memref<12672x128xf32, #tpu.memory_space<vmem_shared>>
          tpu.wait_indirect_dma semaphore(%run_scoped3A_163 : memref<!tpu.dma_semaphore, #tpu.memory_space<semaphore_mem>>) src(%arg12 : memref<128x128xf32, #tpu.memory_space<vmem>>) dst(%dma_wait3A_175 : memref<12672x128xf32, #tpu.memory_space<vmem_shared>>)
          tpu.yield
        }) : () -> ()
        %dma_start3A_103 = arith.constant 4 : i32
        %dma_start3A_104 = arith.constant 0 : i32
        %dma_start3A_105 = tpu.memref_slice %arg10[%dma_start3A_103, %dma_start3A_104] : memref<8x128xi32, #tpu.memory_space<vmem>> -> memref<1x128xi32, #tpu.memory_space<vmem>>
        %dma_start3A_106 = tpu.memref_squeeze %dma_start3A_105 : memref<1x128xi32, #tpu.memory_space<vmem>> -> memref<128xi32, #tpu.memory_space<vmem>>
        %dma_start3A_107 = arith.constant 0 : i32
        %dma_start3A_108 = arith.constant 0 : i32
        %dma_start3A_109 = tpu.memref_slice %arg2[%dma_start3A_107, %dma_start3A_108] : memref<700000x128xf32, #tpu.memory_space<hbm>> -> memref<700000x128xf32, #tpu.memory_space<hbm>>
        tpu.enqueue_indirect_dma source(%dma_start3A_109 : memref<700000x128xf32, #tpu.memory_space<hbm>>) target(%arg12 : memref<128x128xf32, #tpu.memory_space<vmem>>) offsets(%dma_start3A_106 : memref<128xi32, #tpu.memory_space<vmem>>) semaphore(%arg14 : memref<!tpu.dma_semaphore, #tpu.memory_space<semaphore_mem>>)
        %dma_wait3A_110 = arith.constant 4 : i32
        %dma_wait3A_111 = arith.constant 0 : i32
        %dma_wait3A_112 = tpu.memref_slice %arg10[%dma_wait3A_110, %dma_wait3A_111] : memref<8x128xi32, #tpu.memory_space<vmem>> -> memref<1x128xi32, #tpu.memory_space<vmem>>
        %dma_wait3A_113 = tpu.memref_squeeze %dma_wait3A_112 : memref<1x128xi32, #tpu.memory_space<vmem>> -> memref<128xi32, #tpu.memory_space<vmem>>
        %dma_wait3A_114 = arith.constant 0 : i32
        %dma_wait3A_115 = arith.constant 0 : i32
        %dma_wait3A_116 = tpu.memref_slice %arg2[%dma_wait3A_114, %dma_wait3A_115] : memref<700000x128xf32, #tpu.memory_space<hbm>> -> memref<700000x128xf32, #tpu.memory_space<hbm>>
        tpu.wait_indirect_dma semaphore(%arg14 : memref<!tpu.dma_semaphore, #tpu.memory_space<semaphore_mem>>) src(%dma_wait3A_116 : memref<700000x128xf32, #tpu.memory_space<hbm>>) dst(%arg12 : memref<128x128xf32, #tpu.memory_space<vmem>>)
        %run_scoped3A_117 = arith.constant 4 : i32
        "tpu.region"() ({
          %run_scoped3A_163 = tpu.sem_alloc : memref<!tpu.dma_semaphore, #tpu.memory_space<semaphore_mem>>
          %dma_start3A_164 = arith.constant 0 : i32
          %dma_start3A_165 = tpu.memref_slice %arg11[%run_scoped3A_117, %dma_start3A_164] : memref<8x128xi32, #tpu.memory_space<vmem>> -> memref<1x128xi32, #tpu.memory_space<vmem>>
          %dma_start3A_166 = tpu.memref_squeeze %dma_start3A_165 : memref<1x128xi32, #tpu.memory_space<vmem>> -> memref<128xi32, #tpu.memory_space<vmem>>
          %dma_start3A_167 = arith.constant 0 : i32
          %dma_start3A_168 = arith.constant 0 : i32
          %dma_start3A_169 = tpu.memref_slice %arg13[%dma_start3A_167, %dma_start3A_168] : memref<12672x128xf32, #tpu.memory_space<vmem_shared>> -> memref<12672x128xf32, #tpu.memory_space<vmem_shared>>
          tpu.enqueue_indirect_dma source(%arg12 : memref<128x128xf32, #tpu.memory_space<vmem>>) target(%dma_start3A_169 : memref<12672x128xf32, #tpu.memory_space<vmem_shared>>) offsets(%dma_start3A_166 : memref<128xi32, #tpu.memory_space<vmem>>) semaphore(%run_scoped3A_163 : memref<!tpu.dma_semaphore, #tpu.memory_space<semaphore_mem>>) {add = true}
          %dma_wait3A_170 = arith.constant 0 : i32
          %dma_wait3A_171 = tpu.memref_slice %arg11[%run_scoped3A_117, %dma_wait3A_170] : memref<8x128xi32, #tpu.memory_space<vmem>> -> memref<1x128xi32, #tpu.memory_space<vmem>>
          %dma_wait3A_172 = tpu.memref_squeeze %dma_wait3A_171 : memref<1x128xi32, #tpu.memory_space<vmem>> -> memref<128xi32, #tpu.memory_space<vmem>>
          %dma_wait3A_173 = arith.constant 0 : i32
          %dma_wait3A_174 = arith.constant 0 : i32
          %dma_wait3A_175 = tpu.memref_slice %arg13[%dma_wait3A_173, %dma_wait3A_174] : memref<12672x128xf32, #tpu.memory_space<vmem_shared>> -> memref<12672x128xf32, #tpu.memory_space<vmem_shared>>
          tpu.wait_indirect_dma semaphore(%run_scoped3A_163 : memref<!tpu.dma_semaphore, #tpu.memory_space<semaphore_mem>>) src(%arg12 : memref<128x128xf32, #tpu.memory_space<vmem>>) dst(%dma_wait3A_175 : memref<12672x128xf32, #tpu.memory_space<vmem_shared>>)
          tpu.yield
        }) : () -> ()
        %dma_start3A_118 = arith.constant 5 : i32
        %dma_start3A_119 = arith.constant 0 : i32
        %dma_start3A_120 = tpu.memref_slice %arg10[%dma_start3A_118, %dma_start3A_119] : memref<8x128xi32, #tpu.memory_space<vmem>> -> memref<1x128xi32, #tpu.memory_space<vmem>>
        %dma_start3A_121 = tpu.memref_squeeze %dma_start3A_120 : memref<1x128xi32, #tpu.memory_space<vmem>> -> memref<128xi32, #tpu.memory_space<vmem>>
        %dma_start3A_122 = arith.constant 0 : i32
        %dma_start3A_123 = arith.constant 0 : i32
        %dma_start3A_124 = tpu.memref_slice %arg2[%dma_start3A_122, %dma_start3A_123] : memref<700000x128xf32, #tpu.memory_space<hbm>> -> memref<700000x128xf32, #tpu.memory_space<hbm>>
        tpu.enqueue_indirect_dma source(%dma_start3A_124 : memref<700000x128xf32, #tpu.memory_space<hbm>>) target(%arg12 : memref<128x128xf32, #tpu.memory_space<vmem>>) offsets(%dma_start3A_121 : memref<128xi32, #tpu.memory_space<vmem>>) semaphore(%arg14 : memref<!tpu.dma_semaphore, #tpu.memory_space<semaphore_mem>>)
        %dma_wait3A_125 = arith.constant 5 : i32
        %dma_wait3A_126 = arith.constant 0 : i32
        %dma_wait3A_127 = tpu.memref_slice %arg10[%dma_wait3A_125, %dma_wait3A_126] : memref<8x128xi32, #tpu.memory_space<vmem>> -> memref<1x128xi32, #tpu.memory_space<vmem>>
        %dma_wait3A_128 = tpu.memref_squeeze %dma_wait3A_127 : memref<1x128xi32, #tpu.memory_space<vmem>> -> memref<128xi32, #tpu.memory_space<vmem>>
        %dma_wait3A_129 = arith.constant 0 : i32
        %dma_wait3A_130 = arith.constant 0 : i32
        %dma_wait3A_131 = tpu.memref_slice %arg2[%dma_wait3A_129, %dma_wait3A_130] : memref<700000x128xf32, #tpu.memory_space<hbm>> -> memref<700000x128xf32, #tpu.memory_space<hbm>>
        tpu.wait_indirect_dma semaphore(%arg14 : memref<!tpu.dma_semaphore, #tpu.memory_space<semaphore_mem>>) src(%dma_wait3A_131 : memref<700000x128xf32, #tpu.memory_space<hbm>>) dst(%arg12 : memref<128x128xf32, #tpu.memory_space<vmem>>)
        %run_scoped3A_132 = arith.constant 5 : i32
        "tpu.region"() ({
          %run_scoped3A_163 = tpu.sem_alloc : memref<!tpu.dma_semaphore, #tpu.memory_space<semaphore_mem>>
          %dma_start3A_164 = arith.constant 0 : i32
          %dma_start3A_165 = tpu.memref_slice %arg11[%run_scoped3A_132, %dma_start3A_164] : memref<8x128xi32, #tpu.memory_space<vmem>> -> memref<1x128xi32, #tpu.memory_space<vmem>>
          %dma_start3A_166 = tpu.memref_squeeze %dma_start3A_165 : memref<1x128xi32, #tpu.memory_space<vmem>> -> memref<128xi32, #tpu.memory_space<vmem>>
          %dma_start3A_167 = arith.constant 0 : i32
          %dma_start3A_168 = arith.constant 0 : i32
          %dma_start3A_169 = tpu.memref_slice %arg13[%dma_start3A_167, %dma_start3A_168] : memref<12672x128xf32, #tpu.memory_space<vmem_shared>> -> memref<12672x128xf32, #tpu.memory_space<vmem_shared>>
          tpu.enqueue_indirect_dma source(%arg12 : memref<128x128xf32, #tpu.memory_space<vmem>>) target(%dma_start3A_169 : memref<12672x128xf32, #tpu.memory_space<vmem_shared>>) offsets(%dma_start3A_166 : memref<128xi32, #tpu.memory_space<vmem>>) semaphore(%run_scoped3A_163 : memref<!tpu.dma_semaphore, #tpu.memory_space<semaphore_mem>>) {add = true}
          %dma_wait3A_170 = arith.constant 0 : i32
          %dma_wait3A_171 = tpu.memref_slice %arg11[%run_scoped3A_132, %dma_wait3A_170] : memref<8x128xi32, #tpu.memory_space<vmem>> -> memref<1x128xi32, #tpu.memory_space<vmem>>
          %dma_wait3A_172 = tpu.memref_squeeze %dma_wait3A_171 : memref<1x128xi32, #tpu.memory_space<vmem>> -> memref<128xi32, #tpu.memory_space<vmem>>
          %dma_wait3A_173 = arith.constant 0 : i32
          %dma_wait3A_174 = arith.constant 0 : i32
          %dma_wait3A_175 = tpu.memref_slice %arg13[%dma_wait3A_173, %dma_wait3A_174] : memref<12672x128xf32, #tpu.memory_space<vmem_shared>> -> memref<12672x128xf32, #tpu.memory_space<vmem_shared>>
          tpu.wait_indirect_dma semaphore(%run_scoped3A_163 : memref<!tpu.dma_semaphore, #tpu.memory_space<semaphore_mem>>) src(%arg12 : memref<128x128xf32, #tpu.memory_space<vmem>>) dst(%dma_wait3A_175 : memref<12672x128xf32, #tpu.memory_space<vmem_shared>>)
          tpu.yield
        }) : () -> ()
        %dma_start3A_133 = arith.constant 6 : i32
        %dma_start3A_134 = arith.constant 0 : i32
        %dma_start3A_135 = tpu.memref_slice %arg10[%dma_start3A_133, %dma_start3A_134] : memref<8x128xi32, #tpu.memory_space<vmem>> -> memref<1x128xi32, #tpu.memory_space<vmem>>
        %dma_start3A_136 = tpu.memref_squeeze %dma_start3A_135 : memref<1x128xi32, #tpu.memory_space<vmem>> -> memref<128xi32, #tpu.memory_space<vmem>>
        %dma_start3A_137 = arith.constant 0 : i32
        %dma_start3A_138 = arith.constant 0 : i32
        %dma_start3A_139 = tpu.memref_slice %arg2[%dma_start3A_137, %dma_start3A_138] : memref<700000x128xf32, #tpu.memory_space<hbm>> -> memref<700000x128xf32, #tpu.memory_space<hbm>>
        tpu.enqueue_indirect_dma source(%dma_start3A_139 : memref<700000x128xf32, #tpu.memory_space<hbm>>) target(%arg12 : memref<128x128xf32, #tpu.memory_space<vmem>>) offsets(%dma_start3A_136 : memref<128xi32, #tpu.memory_space<vmem>>) semaphore(%arg14 : memref<!tpu.dma_semaphore, #tpu.memory_space<semaphore_mem>>)
        %dma_wait3A_140 = arith.constant 6 : i32
        %dma_wait3A_141 = arith.constant 0 : i32
        %dma_wait3A_142 = tpu.memref_slice %arg10[%dma_wait3A_140, %dma_wait3A_141] : memref<8x128xi32, #tpu.memory_space<vmem>> -> memref<1x128xi32, #tpu.memory_space<vmem>>
        %dma_wait3A_143 = tpu.memref_squeeze %dma_wait3A_142 : memref<1x128xi32, #tpu.memory_space<vmem>> -> memref<128xi32, #tpu.memory_space<vmem>>
        %dma_wait3A_144 = arith.constant 0 : i32
        %dma_wait3A_145 = arith.constant 0 : i32
        %dma_wait3A_146 = tpu.memref_slice %arg2[%dma_wait3A_144, %dma_wait3A_145] : memref<700000x128xf32, #tpu.memory_space<hbm>> -> memref<700000x128xf32, #tpu.memory_space<hbm>>
        tpu.wait_indirect_dma semaphore(%arg14 : memref<!tpu.dma_semaphore, #tpu.memory_space<semaphore_mem>>) src(%dma_wait3A_146 : memref<700000x128xf32, #tpu.memory_space<hbm>>) dst(%arg12 : memref<128x128xf32, #tpu.memory_space<vmem>>)
        %run_scoped3A_147 = arith.constant 6 : i32
        "tpu.region"() ({
          %run_scoped3A_163 = tpu.sem_alloc : memref<!tpu.dma_semaphore, #tpu.memory_space<semaphore_mem>>
          %dma_start3A_164 = arith.constant 0 : i32
          %dma_start3A_165 = tpu.memref_slice %arg11[%run_scoped3A_147, %dma_start3A_164] : memref<8x128xi32, #tpu.memory_space<vmem>> -> memref<1x128xi32, #tpu.memory_space<vmem>>
          %dma_start3A_166 = tpu.memref_squeeze %dma_start3A_165 : memref<1x128xi32, #tpu.memory_space<vmem>> -> memref<128xi32, #tpu.memory_space<vmem>>
          %dma_start3A_167 = arith.constant 0 : i32
          %dma_start3A_168 = arith.constant 0 : i32
          %dma_start3A_169 = tpu.memref_slice %arg13[%dma_start3A_167, %dma_start3A_168] : memref<12672x128xf32, #tpu.memory_space<vmem_shared>> -> memref<12672x128xf32, #tpu.memory_space<vmem_shared>>
          tpu.enqueue_indirect_dma source(%arg12 : memref<128x128xf32, #tpu.memory_space<vmem>>) target(%dma_start3A_169 : memref<12672x128xf32, #tpu.memory_space<vmem_shared>>) offsets(%dma_start3A_166 : memref<128xi32, #tpu.memory_space<vmem>>) semaphore(%run_scoped3A_163 : memref<!tpu.dma_semaphore, #tpu.memory_space<semaphore_mem>>) {add = true}
          %dma_wait3A_170 = arith.constant 0 : i32
          %dma_wait3A_171 = tpu.memref_slice %arg11[%run_scoped3A_147, %dma_wait3A_170] : memref<8x128xi32, #tpu.memory_space<vmem>> -> memref<1x128xi32, #tpu.memory_space<vmem>>
          %dma_wait3A_172 = tpu.memref_squeeze %dma_wait3A_171 : memref<1x128xi32, #tpu.memory_space<vmem>> -> memref<128xi32, #tpu.memory_space<vmem>>
          %dma_wait3A_173 = arith.constant 0 : i32
          %dma_wait3A_174 = arith.constant 0 : i32
          %dma_wait3A_175 = tpu.memref_slice %arg13[%dma_wait3A_173, %dma_wait3A_174] : memref<12672x128xf32, #tpu.memory_space<vmem_shared>> -> memref<12672x128xf32, #tpu.memory_space<vmem_shared>>
          tpu.wait_indirect_dma semaphore(%run_scoped3A_163 : memref<!tpu.dma_semaphore, #tpu.memory_space<semaphore_mem>>) src(%arg12 : memref<128x128xf32, #tpu.memory_space<vmem>>) dst(%dma_wait3A_175 : memref<12672x128xf32, #tpu.memory_space<vmem_shared>>)
          tpu.yield
        }) : () -> ()
        %dma_start3A_148 = arith.constant 7 : i32
        %dma_start3A_149 = arith.constant 0 : i32
        %dma_start3A_150 = tpu.memref_slice %arg10[%dma_start3A_148, %dma_start3A_149] : memref<8x128xi32, #tpu.memory_space<vmem>> -> memref<1x128xi32, #tpu.memory_space<vmem>>
        %dma_start3A_151 = tpu.memref_squeeze %dma_start3A_150 : memref<1x128xi32, #tpu.memory_space<vmem>> -> memref<128xi32, #tpu.memory_space<vmem>>
        %dma_start3A_152 = arith.constant 0 : i32
        %dma_start3A_153 = arith.constant 0 : i32
        %dma_start3A_154 = tpu.memref_slice %arg2[%dma_start3A_152, %dma_start3A_153] : memref<700000x128xf32, #tpu.memory_space<hbm>> -> memref<700000x128xf32, #tpu.memory_space<hbm>>
        tpu.enqueue_indirect_dma source(%dma_start3A_154 : memref<700000x128xf32, #tpu.memory_space<hbm>>) target(%arg12 : memref<128x128xf32, #tpu.memory_space<vmem>>) offsets(%dma_start3A_151 : memref<128xi32, #tpu.memory_space<vmem>>) semaphore(%arg14 : memref<!tpu.dma_semaphore, #tpu.memory_space<semaphore_mem>>)
        %dma_wait3A_155 = arith.constant 7 : i32
        %dma_wait3A_156 = arith.constant 0 : i32
        %dma_wait3A_157 = tpu.memref_slice %arg10[%dma_wait3A_155, %dma_wait3A_156] : memref<8x128xi32, #tpu.memory_space<vmem>> -> memref<1x128xi32, #tpu.memory_space<vmem>>
        %dma_wait3A_158 = tpu.memref_squeeze %dma_wait3A_157 : memref<1x128xi32, #tpu.memory_space<vmem>> -> memref<128xi32, #tpu.memory_space<vmem>>
        %dma_wait3A_159 = arith.constant 0 : i32
        %dma_wait3A_160 = arith.constant 0 : i32
        %dma_wait3A_161 = tpu.memref_slice %arg2[%dma_wait3A_159, %dma_wait3A_160] : memref<700000x128xf32, #tpu.memory_space<hbm>> -> memref<700000x128xf32, #tpu.memory_space<hbm>>
        tpu.wait_indirect_dma semaphore(%arg14 : memref<!tpu.dma_semaphore, #tpu.memory_space<semaphore_mem>>) src(%dma_wait3A_161 : memref<700000x128xf32, #tpu.memory_space<hbm>>) dst(%arg12 : memref<128x128xf32, #tpu.memory_space<vmem>>)
        %run_scoped3A_162 = arith.constant 7 : i32
        "tpu.region"() ({
          %run_scoped3A_163 = tpu.sem_alloc : memref<!tpu.dma_semaphore, #tpu.memory_space<semaphore_mem>>
          %dma_start3A_164 = arith.constant 0 : i32
          %dma_start3A_165 = tpu.memref_slice %arg11[%run_scoped3A_162, %dma_start3A_164] : memref<8x128xi32, #tpu.memory_space<vmem>> -> memref<1x128xi32, #tpu.memory_space<vmem>>
          %dma_start3A_166 = tpu.memref_squeeze %dma_start3A_165 : memref<1x128xi32, #tpu.memory_space<vmem>> -> memref<128xi32, #tpu.memory_space<vmem>>
          %dma_start3A_167 = arith.constant 0 : i32
          %dma_start3A_168 = arith.constant 0 : i32
          %dma_start3A_169 = tpu.memref_slice %arg13[%dma_start3A_167, %dma_start3A_168] : memref<12672x128xf32, #tpu.memory_space<vmem_shared>> -> memref<12672x128xf32, #tpu.memory_space<vmem_shared>>
          tpu.enqueue_indirect_dma source(%arg12 : memref<128x128xf32, #tpu.memory_space<vmem>>) target(%dma_start3A_169 : memref<12672x128xf32, #tpu.memory_space<vmem_shared>>) offsets(%dma_start3A_166 : memref<128xi32, #tpu.memory_space<vmem>>) semaphore(%run_scoped3A_163 : memref<!tpu.dma_semaphore, #tpu.memory_space<semaphore_mem>>) {add = true}
          %dma_wait3A_170 = arith.constant 0 : i32
          %dma_wait3A_171 = tpu.memref_slice %arg11[%run_scoped3A_162, %dma_wait3A_170] : memref<8x128xi32, #tpu.memory_space<vmem>> -> memref<1x128xi32, #tpu.memory_space<vmem>>
          %dma_wait3A_172 = tpu.memref_squeeze %dma_wait3A_171 : memref<1x128xi32, #tpu.memory_space<vmem>> -> memref<128xi32, #tpu.memory_space<vmem>>
          %dma_wait3A_173 = arith.constant 0 : i32
          %dma_wait3A_174 = arith.constant 0 : i32
          %dma_wait3A_175 = tpu.memref_slice %arg13[%dma_wait3A_173, %dma_wait3A_174] : memref<12672x128xf32, #tpu.memory_space<vmem_shared>> -> memref<12672x128xf32, #tpu.memory_space<vmem_shared>>
          tpu.wait_indirect_dma semaphore(%run_scoped3A_163 : memref<!tpu.dma_semaphore, #tpu.memory_space<semaphore_mem>>) src(%arg12 : memref<128x128xf32, #tpu.memory_space<vmem>>) dst(%dma_wait3A_175 : memref<12672x128xf32, #tpu.memory_space<vmem_shared>>)
          tpu.yield
        }) : () -> ()
      }
      %scan3A_28 = arith.constant 98 : i32
      %barrier3A_29 = arith.constant 0 : index
      tpu.barrier barrier_id(%barrier3A_29)
      %mul3A_30 = arith.constant 784 : i32
      %mul3A_31 = arith.muli %arg1, %mul3A_30 : i32
      %add3A_32 = arith.addi %mul3A_10, %mul3A_31 : i32
      "tpu.region"() ({
        %run_scoped3A = tpu.sem_alloc : memref<!tpu.dma_semaphore, #tpu.memory_space<semaphore_mem>>
        %dma_start3A = arith.constant 0 : i32
        %dma_start3A_34 = tpu.memref_slice %arg6[%add3A_32, %dma_start3A] : memref<100352x128xf32, #tpu.memory_space<hbm>> -> memref<784x128xf32, #tpu.memory_space<hbm>>
        %dma_start3A_35 = arith.constant 0 : i32
        %dma_start3A_36 = tpu.memref_slice %arg13[%mul3A_31, %dma_start3A_35] : memref<12672x128xf32, #tpu.memory_space<vmem_shared>> -> memref<784x128xf32, #tpu.memory_space<vmem_shared>>
        tpu.enqueue_dma source(%dma_start3A_36 : memref<784x128xf32, #tpu.memory_space<vmem_shared>>) target(%dma_start3A_34 : memref<784x128xf32, #tpu.memory_space<hbm>>) target_semaphore(%run_scoped3A : memref<!tpu.dma_semaphore, #tpu.memory_space<semaphore_mem>>)
        %dma_wait3A = arith.constant 0 : i32
        %dma_wait3A_37 = tpu.memref_slice %arg6[%add3A_32, %dma_wait3A] : memref<100352x128xf32, #tpu.memory_space<hbm>> -> memref<784x128xf32, #tpu.memory_space<hbm>>
        %dma_wait3A_38 = arith.constant 0 : i32
        %dma_wait3A_39 = tpu.memref_slice %arg13[%mul3A_31, %dma_wait3A_38] : memref<12672x128xf32, #tpu.memory_space<vmem_shared>> -> memref<784x128xf32, #tpu.memory_space<vmem_shared>>
        tpu.wait_dma2 semaphore(%run_scoped3A : memref<!tpu.dma_semaphore, #tpu.memory_space<semaphore_mem>>) src(%dma_wait3A_39 : memref<784x128xf32, #tpu.memory_space<vmem_shared>>) dst(%dma_wait3A_37 : memref<784x128xf32, #tpu.memory_space<hbm>>)
        tpu.yield
      }) : () -> ()
      %barrier3A_33 = arith.constant 0 : index
      tpu.barrier barrier_id(%barrier3A_33)
    }
    %scan3A_5 = arith.constant 4 : i32
    return
  }
}

#map = affine_map<(d0, d1) -> (0, 0)>
#map1 = affine_map<(d0, d1) -> (0)>
module attributes {stable_mosaic.version = 14 : i64} {
  func.func @k(%arg0: i32, %arg1: i32, %arg2: memref<700000x128xf32, #tpu.memory_space<hbm>>, %arg3: memref<1600352xi32, #tpu.memory_space<hbm>>, %arg4: memref<1600352xi32, #tpu.memory_space<hbm>>, %arg5: memref<1600352xi32, #tpu.memory_space<hbm>>, %arg6: memref<100352x128xf32, #tpu.memory_space<hbm>>, %arg7: memref<1024xi32, #tpu.memory_space<vmem>>, %arg8: memref<1024xi32, #tpu.memory_space<vmem>>, %arg9: memref<1024xi32, #tpu.memory_space<vmem>>, %arg10: memref<8x128xi32, #tpu.memory_space<vmem>>, %arg11: memref<8x128xi32, #tpu.memory_space<vmem>>, %arg12: memref<128x128xf32, #tpu.memory_space<vmem>>, %arg13: memref<12672x128xf32, #tpu.memory_space<vmem_shared>>, %arg14: memref<!tpu.dma_semaphore, #tpu.memory_space<semaphore_mem>>) attributes {dimension_semantics = [#tpu.dimension_semantics<core_parallel>, #tpu.dimension_semantics<subcore_parallel>], iteration_bounds = array<i64: 2, 16>, scalar_prefetch = 0 : i64, scratch_operands = 8 : i64, tpu.core_type = #tpu.core_type<sc_vector_subcore>, window_params = [{transform_indices = #map}, {transform_indices = #map1}, {transform_indices = #map1}, {transform_indices = #map1}, {transform_indices = #map}]} {
    %mul3A = arith.constant 100000 : i32
    %mul3A_0 = arith.muli %arg1, %mul3A : i32
    %scan3A = arith.constant 0 : i32
    %scan3A_1 = arith.constant 0 : i32
    %scan3A_2 = arith.constant 4 : i32
    %scan3A_3 = arith.addi %scan3A_1, %scan3A_2 : i32
    %scan3A_4 = arith.constant 1 : i32
    scf.for %scan3A_6 = %scan3A_1 to %scan3A_3 step %scan3A_4  : i32 {
      %mul3A_7 = arith.constant 2 : i32
      %mul3A_8 = arith.muli %mul3A_7, %scan3A_6 : i32
      %add3A = arith.addi %mul3A_8, %arg0 : i32
      %mul3A_9 = arith.constant 12544 : i32
      %mul3A_10 = arith.muli %add3A, %mul3A_9 : i32
      %scan3A_11 = arith.constant 0 : i32
      %scan3A_12 = arith.constant 0 : i32
      %scan3A_13 = arith.constant 128 : i32
      %scan3A_14 = arith.addi %scan3A_12, %scan3A_13 : i32
      %scan3A_15 = arith.constant 1 : i32
      scf.for %scan3A_34 = %scan3A_12 to %scan3A_14 step %scan3A_15  : i32 {
        %broadcast_in_dim3A = arith.constant 0.000000e+00 : f32
        %broadcast_in_dim3A_35 = vector.broadcast %broadcast_in_dim3A : f32 to vector<16xf32>
        %swap3A = arith.index_cast %scan3A_34 : i32 to index
        %swap3A_36 = arith.constant 0 : index
        %swap3A_37 = tpu.vector_load %arg12[%swap3A, %swap3A_36] {strides = array<i32>} : memref<128x128xf32, #tpu.memory_space<vmem>>, vector<1x16xf32>,
        %swap3A_38 = vector.shape_cast %swap3A_37 : vector<1x16xf32> to vector<16xf32>
        %swap3A_39 = vector.shape_cast %broadcast_in_dim3A_35 : vector<16xf32> to vector<1x16xf32>
        tpu.vector_store %arg12[%swap3A, %swap3A_36], %swap3A_39 {strides = array<i32>} : memref<128x128xf32, #tpu.memory_space<vmem>>, vector<1x16xf32>,
        %broadcast_in_dim3A_40 = arith.constant 0.000000e+00 : f32
        %broadcast_in_dim3A_41 = vector.broadcast %broadcast_in_dim3A_40 : f32 to vector<16xf32>
        %swap3A_42 = arith.index_cast %scan3A_34 : i32 to index
        %swap3A_43 = arith.constant 16 : index
        %swap3A_44 = tpu.vector_load %arg12[%swap3A_42, %swap3A_43] {strides = array<i32>} : memref<128x128xf32, #tpu.memory_space<vmem>>, vector<1x16xf32>,
        %swap3A_45 = vector.shape_cast %swap3A_44 : vector<1x16xf32> to vector<16xf32>
        %swap3A_46 = vector.shape_cast %broadcast_in_dim3A_41 : vector<16xf32> to vector<1x16xf32>
        tpu.vector_store %arg12[%swap3A_42, %swap3A_43], %swap3A_46 {strides = array<i32>} : memref<128x128xf32, #tpu.memory_space<vmem>>, vector<1x16xf32>,
        %broadcast_in_dim3A_47 = arith.constant 0.000000e+00 : f32
        %broadcast_in_dim3A_48 = vector.broadcast %broadcast_in_dim3A_47 : f32 to vector<16xf32>
        %swap3A_49 = arith.index_cast %scan3A_34 : i32 to index
        %swap3A_50 = arith.constant 32 : index
        %swap3A_51 = tpu.vector_load %arg12[%swap3A_49, %swap3A_50] {strides = array<i32>} : memref<128x128xf32, #tpu.memory_space<vmem>>, vector<1x16xf32>,
        %swap3A_52 = vector.shape_cast %swap3A_51 : vector<1x16xf32> to vector<16xf32>
        %swap3A_53 = vector.shape_cast %broadcast_in_dim3A_48 : vector<16xf32> to vector<1x16xf32>
        tpu.vector_store %arg12[%swap3A_49, %swap3A_50], %swap3A_53 {strides = array<i32>} : memref<128x128xf32, #tpu.memory_space<vmem>>, vector<1x16xf32>,
        %broadcast_in_dim3A_54 = arith.constant 0.000000e+00 : f32
        %broadcast_in_dim3A_55 = vector.broadcast %broadcast_in_dim3A_54 : f32 to vector<16xf32>
        %swap3A_56 = arith.index_cast %scan3A_34 : i32 to index
        %swap3A_57 = arith.constant 48 : index
        %swap3A_58 = tpu.vector_load %arg12[%swap3A_56, %swap3A_57] {strides = array<i32>} : memref<128x128xf32, #tpu.memory_space<vmem>>, vector<1x16xf32>,
        %swap3A_59 = vector.shape_cast %swap3A_58 : vector<1x16xf32> to vector<16xf32>
        %swap3A_60 = vector.shape_cast %broadcast_in_dim3A_55 : vector<16xf32> to vector<1x16xf32>
        tpu.vector_store %arg12[%swap3A_56, %swap3A_57], %swap3A_60 {strides = array<i32>} : memref<128x128xf32, #tpu.memory_space<vmem>>, vector<1x16xf32>,
        %broadcast_in_dim3A_61 = arith.constant 0.000000e+00 : f32
        %broadcast_in_dim3A_62 = vector.broadcast %broadcast_in_dim3A_61 : f32 to vector<16xf32>
        %swap3A_63 = arith.index_cast %scan3A_34 : i32 to index
        %swap3A_64 = arith.constant 64 : index
        %swap3A_65 = tpu.vector_load %arg12[%swap3A_63, %swap3A_64] {strides = array<i32>} : memref<128x128xf32, #tpu.memory_space<vmem>>, vector<1x16xf32>,
        %swap3A_66 = vector.shape_cast %swap3A_65 : vector<1x16xf32> to vector<16xf32>
        %swap3A_67 = vector.shape_cast %broadcast_in_dim3A_62 : vector<16xf32> to vector<1x16xf32>
        tpu.vector_store %arg12[%swap3A_63, %swap3A_64], %swap3A_67 {strides = array<i32>} : memref<128x128xf32, #tpu.memory_space<vmem>>, vector<1x16xf32>,
        %broadcast_in_dim3A_68 = arith.constant 0.000000e+00 : f32
        %broadcast_in_dim3A_69 = vector.broadcast %broadcast_in_dim3A_68 : f32 to vector<16xf32>
        %swap3A_70 = arith.index_cast %scan3A_34 : i32 to index
        %swap3A_71 = arith.constant 80 : index
        %swap3A_72 = tpu.vector_load %arg12[%swap3A_70, %swap3A_71] {strides = array<i32>} : memref<128x128xf32, #tpu.memory_space<vmem>>, vector<1x16xf32>,
        %swap3A_73 = vector.shape_cast %swap3A_72 : vector<1x16xf32> to vector<16xf32>
        %swap3A_74 = vector.shape_cast %broadcast_in_dim3A_69 : vector<16xf32> to vector<1x16xf32>
        tpu.vector_store %arg12[%swap3A_70, %swap3A_71], %swap3A_74 {strides = array<i32>} : memref<128x128xf32, #tpu.memory_space<vmem>>, vector<1x16xf32>,
        %broadcast_in_dim3A_75 = arith.constant 0.000000e+00 : f32
        %broadcast_in_dim3A_76 = vector.broadcast %broadcast_in_dim3A_75 : f32 to vector<16xf32>
        %swap3A_77 = arith.index_cast %scan3A_34 : i32 to index
        %swap3A_78 = arith.constant 96 : index
        %swap3A_79 = tpu.vector_load %arg12[%swap3A_77, %swap3A_78] {strides = array<i32>} : memref<128x128xf32, #tpu.memory_space<vmem>>, vector<1x16xf32>,
        %swap3A_80 = vector.shape_cast %swap3A_79 : vector<1x16xf32> to vector<16xf32>
        %swap3A_81 = vector.shape_cast %broadcast_in_dim3A_76 : vector<16xf32> to vector<1x16xf32>
        tpu.vector_store %arg12[%swap3A_77, %swap3A_78], %swap3A_81 {strides = array<i32>} : memref<128x128xf32, #tpu.memory_space<vmem>>, vector<1x16xf32>,
        %broadcast_in_dim3A_82 = arith.constant 0.000000e+00 : f32
        %broadcast_in_dim3A_83 = vector.broadcast %broadcast_in_dim3A_82 : f32 to vector<16xf32>
        %swap3A_84 = arith.index_cast %scan3A_34 : i32 to index
        %swap3A_85 = arith.constant 112 : index
        %swap3A_86 = tpu.vector_load %arg12[%swap3A_84, %swap3A_85] {strides = array<i32>} : memref<128x128xf32, #tpu.memory_space<vmem>>, vector<1x16xf32>,
        %swap3A_87 = vector.shape_cast %swap3A_86 : vector<1x16xf32> to vector<16xf32>
        %swap3A_88 = vector.shape_cast %broadcast_in_dim3A_83 : vector<16xf32> to vector<1x16xf32>
        tpu.vector_store %arg12[%swap3A_84, %swap3A_85], %swap3A_88 {strides = array<i32>} : memref<128x128xf32, #tpu.memory_space<vmem>>, vector<1x16xf32>,
      }
      %scan3A_16 = arith.constant 128 : i32
      %scan3A_17 = arith.constant 0 : i32
      %scan3A_18 = arith.constant 0 : i32
      %scan3A_19 = arith.constant 7 : i32
      %scan3A_20 = arith.addi %scan3A_18, %scan3A_19 : i32
      %scan3A_21 = arith.constant 1 : i32
      scf.for %scan3A_34 = %scan3A_18 to %scan3A_20 step %scan3A_21  : i32 {
        %mul3A_35 = arith.constant 16 : i32
        %mul3A_36 = arith.muli %scan3A_34, %mul3A_35 : i32
        %add3A_37 = arith.addi %arg1, %mul3A_36 : i32
        %lt3A = arith.constant 99 : i32
        %lt3A_38 = arith.cmpi slt, %add3A_37, %lt3A : i32
        %convert_element_type3A = arith.extui %lt3A_38 : i1 to i32
        %cond3A = arith.constant 0 : i32
        %cond3A_39 = arith.cmpi ne, %convert_element_type3A, %cond3A : i32
        scf.if %cond3A_39 {
          %mul3A_40 = arith.constant 128 : i32
          %mul3A_41 = arith.muli %add3A_37, %mul3A_40 : i32
          "tpu.region"() ({
            %run_scoped3A = tpu.sem_alloc : memref<!tpu.dma_semaphore, #tpu.memory_space<semaphore_mem>>
            %dma_start3A = arith.constant 0 : i32
            %dma_start3A_42 = tpu.memref_slice %arg13[%mul3A_41, %dma_start3A] : memref<12672x128xf32, #tpu.memory_space<vmem_shared>> -> memref<128x128xf32, #tpu.memory_space<vmem_shared>>
            %dma_start3A_43 = arith.constant 0 : i32
            %dma_start3A_44 = tpu.memref_slice %arg13[%mul3A_41, %dma_start3A_43] : memref<12672x128xf32, #tpu.memory_space<vmem_shared>> -> memref<128x128xf32, #tpu.memory_space<vmem_shared>>
            tpu.enqueue_dma source(%arg12 : memref<128x128xf32, #tpu.memory_space<vmem>>) target(%dma_start3A_44 : memref<128x128xf32, #tpu.memory_space<vmem_shared>>) target_semaphore(%run_scoped3A : memref<!tpu.dma_semaphore, #tpu.memory_space<semaphore_mem>>)
            %dma_wait3A = arith.constant 0 : i32
            %dma_wait3A_45 = tpu.memref_slice %arg13[%mul3A_41, %dma_wait3A] : memref<12672x128xf32, #tpu.memory_space<vmem_shared>> -> memref<128x128xf32, #tpu.memory_space<vmem_shared>>
            %dma_wait3A_46 = arith.constant 0 : i32
            %dma_wait3A_47 = tpu.memref_slice %arg13[%mul3A_41, %dma_wait3A_46] : memref<12672x128xf32, #tpu.memory_space<vmem_shared>> -> memref<128x128xf32, #tpu.memory_space<vmem_shared>>
            tpu.wait_dma2 semaphore(%run_scoped3A : memref<!tpu.dma_semaphore, #tpu.memory_space<semaphore_mem>>) src(%arg12 : memref<128x128xf32, #tpu.memory_space<vmem>>) dst(%dma_wait3A_47 : memref<128x128xf32, #tpu.memory_space<vmem_shared>>)
            tpu.yield
          }) : () -> ()
        } else {
        }
      }
      %scan3A_22 = arith.constant 7 : i32
      %barrier3A = arith.constant 0 : index
      tpu.barrier barrier_id(%barrier3A)
      %scan3A_23 = arith.constant 0 : i32
      %scan3A_24 = arith.constant 0 : i32
      %scan3A_25 = arith.constant 98 : i32
      %scan3A_26 = arith.addi %scan3A_24, %scan3A_25 : i32
      %scan3A_27 = arith.constant 1 : i32
      scf.for %scan3A_34 = %scan3A_24 to %scan3A_26 step %scan3A_27  : i32 {
        %mul3A_35 = arith.constant 1024 : i32
        %mul3A_36 = arith.muli %scan3A_34, %mul3A_35 : i32
        %add3A_37 = arith.addi %mul3A_0, %mul3A_36 : i32
        "tpu.region"() ({
          %run_scoped3A_163 = tpu.sem_alloc : memref<!tpu.dma_semaphore, #tpu.memory_space<semaphore_mem>>
          %dma_start3A_164 = tpu.memref_slice %arg3[%add3A_37] : memref<1600352xi32, #tpu.memory_space<hbm>> -> memref<1024xi32, #tpu.memory_space<hbm>>
          %dma_start3A_165 = tpu.memref_slice %arg3[%add3A_37] : memref<1600352xi32, #tpu.memory_space<hbm>> -> memref<1024xi32, #tpu.memory_space<hbm>>
          tpu.enqueue_dma source(%dma_start3A_165 : memref<1024xi32, #tpu.memory_space<hbm>>) target(%arg7 : memref<1024xi32, #tpu.memory_space<vmem>>) target_semaphore(%run_scoped3A_163 : memref<!tpu.dma_semaphore, #tpu.memory_space<semaphore_mem>>)
          %dma_wait3A_166 = tpu.memref_slice %arg3[%add3A_37] : memref<1600352xi32, #tpu.memory_space<hbm>> -> memref<1024xi32, #tpu.memory_space<hbm>>
          %dma_wait3A_167 = tpu.memref_slice %arg3[%add3A_37] : memref<1600352xi32, #tpu.memory_space<hbm>> -> memref<1024xi32, #tpu.memory_space<hbm>>
          tpu.wait_dma2 semaphore(%run_scoped3A_163 : memref<!tpu.dma_semaphore, #tpu.memory_space<semaphore_mem>>) src(%dma_wait3A_167 : memref<1024xi32, #tpu.memory_space<hbm>>) dst(%arg7 : memref<1024xi32, #tpu.memory_space<vmem>>)
          tpu.yield
        }) : () -> ()
        "tpu.region"() ({
          %run_scoped3A_163 = tpu.sem_alloc : memref<!tpu.dma_semaphore, #tpu.memory_space<semaphore_mem>>
          %dma_start3A_164 = tpu.memref_slice %arg4[%add3A_37] : memref<1600352xi32, #tpu.memory_space<hbm>> -> memref<1024xi32, #tpu.memory_space<hbm>>
          %dma_start3A_165 = tpu.memref_slice %arg4[%add3A_37] : memref<1600352xi32, #tpu.memory_space<hbm>> -> memref<1024xi32, #tpu.memory_space<hbm>>
          tpu.enqueue_dma source(%dma_start3A_165 : memref<1024xi32, #tpu.memory_space<hbm>>) target(%arg8 : memref<1024xi32, #tpu.memory_space<vmem>>) target_semaphore(%run_scoped3A_163 : memref<!tpu.dma_semaphore, #tpu.memory_space<semaphore_mem>>)
          %dma_wait3A_166 = tpu.memref_slice %arg4[%add3A_37] : memref<1600352xi32, #tpu.memory_space<hbm>> -> memref<1024xi32, #tpu.memory_space<hbm>>
          %dma_wait3A_167 = tpu.memref_slice %arg4[%add3A_37] : memref<1600352xi32, #tpu.memory_space<hbm>> -> memref<1024xi32, #tpu.memory_space<hbm>>
          tpu.wait_dma2 semaphore(%run_scoped3A_163 : memref<!tpu.dma_semaphore, #tpu.memory_space<semaphore_mem>>) src(%dma_wait3A_167 : memref<1024xi32, #tpu.memory_space<hbm>>) dst(%arg8 : memref<1024xi32, #tpu.memory_space<vmem>>)
          tpu.yield
        }) : () -> ()
        "tpu.region"() ({
          %run_scoped3A_163 = tpu.sem_alloc : memref<!tpu.dma_semaphore, #tpu.memory_space<semaphore_mem>>
          %dma_start3A_164 = tpu.memref_slice %arg5[%add3A_37] : memref<1600352xi32, #tpu.memory_space<hbm>> -> memref<1024xi32, #tpu.memory_space<hbm>>
          %dma_start3A_165 = tpu.memref_slice %arg5[%add3A_37] : memref<1600352xi32, #tpu.memory_space<hbm>> -> memref<1024xi32, #tpu.memory_space<hbm>>
          tpu.enqueue_dma source(%dma_start3A_165 : memref<1024xi32, #tpu.memory_space<hbm>>) target(%arg9 : memref<1024xi32, #tpu.memory_space<vmem>>) target_semaphore(%run_scoped3A_163 : memref<!tpu.dma_semaphore, #tpu.memory_space<semaphore_mem>>)
          %dma_wait3A_166 = tpu.memref_slice %arg5[%add3A_37] : memref<1600352xi32, #tpu.memory_space<hbm>> -> memref<1024xi32, #tpu.memory_space<hbm>>
          %dma_wait3A_167 = tpu.memref_slice %arg5[%add3A_37] : memref<1600352xi32, #tpu.memory_space<hbm>> -> memref<1024xi32, #tpu.memory_space<hbm>>
          tpu.wait_dma2 semaphore(%run_scoped3A_163 : memref<!tpu.dma_semaphore, #tpu.memory_space<semaphore_mem>>) src(%dma_wait3A_167 : memref<1024xi32, #tpu.memory_space<hbm>>) dst(%arg9 : memref<1024xi32, #tpu.memory_space<vmem>>)
          tpu.yield
        }) : () -> ()
        %mul3A_38 = arith.constant 1024 : i32
        %mul3A_39 = arith.muli %scan3A_34, %mul3A_38 : i32
        %scan3A_40 = arith.constant 0 : i32
        %scan3A_41 = arith.constant 0 : i32
        %scan3A_42 = arith.constant 64 : i32
        %scan3A_43 = arith.addi %scan3A_41, %scan3A_42 : i32
        %scan3A_44 = arith.constant 1 : i32
        scf.for %scan3A_163 = %scan3A_41 to %scan3A_43 step %scan3A_44  : i32 {
          %mul3A_164 = arith.constant 16 : i32
          %mul3A_165 = arith.muli %scan3A_163, %mul3A_164 : i32
          %get3A = arith.index_cast %mul3A_165 : i32 to index
          %get3A_166 = tpu.vector_load %arg7[%get3A] {strides = array<i32>} : memref<1024xi32, #tpu.memory_space<vmem>>, vector<16xi32>,
          %get3A_167 = vector.shape_cast %get3A_166 : vector<16xi32> to vector<16xi32>
          %mul3A_168 = arith.constant 16 : i32
          %mul3A_169 = arith.muli %scan3A_163, %mul3A_168 : i32
          %get3A_170 = arith.index_cast %mul3A_169 : i32 to index
          %get3A_171 = tpu.vector_load %arg8[%get3A_170] {strides = array<i32>} : memref<1024xi32, #tpu.memory_space<vmem>>, vector<16xi32>,
          %get3A_172 = vector.shape_cast %get3A_171 : vector<16xi32> to vector<16xi32>
          %mul3A_173 = arith.constant 16 : i32
          %mul3A_174 = arith.muli %scan3A_163, %mul3A_173 : i32
          %get3A_175 = arith.index_cast %mul3A_174 : i32 to index
          %get3A_176 = tpu.vector_load %arg9[%get3A_175] {strides = array<i32>} : memref<1024xi32, #tpu.memory_space<vmem>>, vector<16xi32>,
          %get3A_177 = vector.shape_cast %get3A_176 : vector<16xi32> to vector<16xi32>
          %mul3A_178 = arith.constant 16 : i32
          %mul3A_179 = arith.muli %scan3A_163, %mul3A_178 : i32
          %add3A_180 = arith.addi %mul3A_39, %mul3A_179 : i32
          %iota3A = tpu.iota {dimensions = array<i32: 0>} : vector<16xi32>
          %add3A_181 = vector.broadcast %add3A_180 : i32 to vector<16xi32>
          %add3A_182 = arith.addi %add3A_181, %iota3A : vector<16xi32>
          %sub3A = vector.broadcast %mul3A_10 : i32 to vector<16xi32>
          %sub3A_183 = arith.subi %get3A_172, %sub3A : vector<16xi32>
          %lt3A = arith.constant 100000 : i32
          %lt3A_184 = vector.broadcast %lt3A : i32 to vector<16xi32>
          %lt3A_185 = arith.cmpi slt, %add3A_182, %lt3A_184 : vector<16xi32>
          %ge3A = arith.constant 0 : i32
          %ge3A_186 = vector.broadcast %ge3A : i32 to vector<16xi32>
          %ge3A_187 = arith.cmpi sge, %sub3A_183, %ge3A_186 : vector<16xi32>
          %and3A = arith.andi %lt3A_185, %ge3A_187 : vector<16xi1>
          %lt3A_188 = arith.constant 12544 : i32
          %lt3A_189 = vector.broadcast %lt3A_188 : i32 to vector<16xi32>
          %lt3A_190 = arith.cmpi slt, %sub3A_183, %lt3A_189 : vector<16xi32>
          %and3A_191 = arith.andi %and3A, %lt3A_190 : vector<16xi1>
          %mul3A_192 = arith.constant 100000 : i32
          %mul3A_193 = vector.broadcast %mul3A_192 : i32 to vector<16xi32>
          %mul3A_194 = arith.muli %get3A_177, %mul3A_193 : vector<16xi32>
          %add3A_195 = arith.addi %mul3A_194, %get3A_167 : vector<16xi32>
          %jit3A = arith.constant 8 : i32
          %div3A = arith.divsi %scan3A_163, %jit3A : i32
          %sign3A = arith.constant 0 : i32
          %sign3A_196 = arith.cmpi sgt, %scan3A_163, %sign3A : i32
          %sign3A_197 = arith.extui %sign3A_196 : i1 to i32
          %sign3A_198 = arith.constant 0 : i32
          %sign3A_199 = arith.cmpi slt, %scan3A_163, %sign3A_198 : i32
          %sign3A_200 = arith.extui %sign3A_199 : i1 to i32
          %sign3A_201 = arith.subi %sign3A_197, %sign3A_200 : i32
          %sign3A_202 = arith.constant 0 : i32
          %sign3A_203 = arith.cmpi sgt, %jit3A, %sign3A_202 : i32
          %sign3A_204 = arith.extui %sign3A_203 : i1 to i32
          %sign3A_205 = arith.constant 0 : i32
          %sign3A_206 = arith.cmpi slt, %jit3A, %sign3A_205 : i32
          %sign3A_207 = arith.extui %sign3A_206 : i1 to i32
          %sign3A_208 = arith.subi %sign3A_204, %sign3A_207 : i32
          %ne3A = arith.cmpi ne, %sign3A_201, %sign3A_208 : i32
          %rem3A = arith.remsi %scan3A_163, %jit3A : i32
          %ne3A_209 = arith.constant 0 : i32
          %ne3A_210 = arith.cmpi ne, %rem3A, %ne3A_209 : i32
          %and3A_211 = arith.andi %ne3A, %ne3A_210 : i1
          %sub3A_212 = arith.constant 1 : i32
          %sub3A_213 = arith.subi %div3A, %sub3A_212 : i32
          %select_n3A = arith.select %and3A_211, %sub3A_213, %div3A : i32
          %jit3A_214 = arith.constant 8 : i32
          %eq3A = arith.constant 0 : i32
          %eq3A_215 = arith.cmpi eq, %jit3A_214, %eq3A : i32
          %jit3A_216 = arith.constant 1 : i32
          %select_n3A_217 = arith.select %eq3A_215, %jit3A_216, %jit3A_214 : i32
          %rem3A_218 = arith.remsi %scan3A_163, %select_n3A_217 : i32
          %ne3A_219 = arith.constant 0 : i32
          %ne3A_220 = arith.cmpi ne, %rem3A_218, %ne3A_219 : i32
          %lt3A_221 = arith.constant 0 : i32
          %lt3A_222 = arith.cmpi slt, %rem3A_218, %lt3A_221 : i32
          %lt3A_223 = arith.constant 0 : i32
          %lt3A_224 = arith.cmpi slt, %select_n3A_217, %lt3A_223 : i32
          %ne3A_225 = arith.xori %lt3A_222, %lt3A_224 : i1
          %and3A_226 = arith.andi %ne3A_225, %ne3A_220 : i1
          %add3A_227 = arith.addi %rem3A_218, %select_n3A_217 : i32
          %select_n3A_228 = arith.select %and3A_226, %add3A_227, %rem3A_218 : i32
          %mul3A_229 = arith.constant 16 : i32
          %mul3A_230 = arith.muli %select_n3A_228, %mul3A_229 : i32
          %swap3A = arith.index_cast %select_n3A : i32 to index
          %swap3A_231 = arith.index_cast %mul3A_230 : i32 to index
          %swap3A_232 = tpu.vector_load %arg10[%swap3A, %swap3A_231] {strides = array<i32>} : memref<8x128xi32, #tpu.memory_space<vmem>>, vector<1x16xi32>,
          %swap3A_233 = vector.shape_cast %swap3A_232 : vector<1x16xi32> to vector<16xi32>
          %swap3A_234 = vector.shape_cast %add3A_195 : vector<16xi32> to vector<1x16xi32>
          tpu.vector_store %arg10[%swap3A, %swap3A_231], %swap3A_234 {strides = array<i32>} : memref<8x128xi32, #tpu.memory_space<vmem>>, vector<1x16xi32>,
          %jit3A_235 = arith.constant 12544 : i32
          %broadcast_in_dim3A = vector.broadcast %jit3A_235 : i32 to vector<16xi32>
          %select_n3A_236 = arith.select %and3A_191, %sub3A_183, %broadcast_in_dim3A : vector<16xi1>, vector<16xi32>
          %jit3A_237 = arith.constant 8 : i32
          %div3A_238 = arith.divsi %scan3A_163, %jit3A_237 : i32
          %sign3A_239 = arith.constant 0 : i32
          %sign3A_240 = arith.cmpi sgt, %scan3A_163, %sign3A_239 : i32
          %sign3A_241 = arith.extui %sign3A_240 : i1 to i32
          %sign3A_242 = arith.constant 0 : i32
          %sign3A_243 = arith.cmpi slt, %scan3A_163, %sign3A_242 : i32
          %sign3A_244 = arith.extui %sign3A_243 : i1 to i32
          %sign3A_245 = arith.subi %sign3A_241, %sign3A_244 : i32
          %sign3A_246 = arith.constant 0 : i32
          %sign3A_247 = arith.cmpi sgt, %jit3A_237, %sign3A_246 : i32
          %sign3A_248 = arith.extui %sign3A_247 : i1 to i32
          %sign3A_249 = arith.constant 0 : i32
          %sign3A_250 = arith.cmpi slt, %jit3A_237, %sign3A_249 : i32
          %sign3A_251 = arith.extui %sign3A_250 : i1 to i32
          %sign3A_252 = arith.subi %sign3A_248, %sign3A_251 : i32
          %ne3A_253 = arith.cmpi ne, %sign3A_245, %sign3A_252 : i32
          %rem3A_254 = arith.remsi %scan3A_163, %jit3A_237 : i32
          %ne3A_255 = arith.constant 0 : i32
          %ne3A_256 = arith.cmpi ne, %rem3A_254, %ne3A_255 : i32
          %and3A_257 = arith.andi %ne3A_253, %ne3A_256 : i1
          %sub3A_258 = arith.constant 1 : i32
          %sub3A_259 = arith.subi %div3A_238, %sub3A_258 : i32
          %select_n3A_260 = arith.select %and3A_257, %sub3A_259, %div3A_238 : i32
          %jit3A_261 = arith.constant 8 : i32
          %eq3A_262 = arith.constant 0 : i32
          %eq3A_263 = arith.cmpi eq, %jit3A_261, %eq3A_262 : i32
          %jit3A_264 = arith.constant 1 : i32
          %select_n3A_265 = arith.select %eq3A_263, %jit3A_264, %jit3A_261 : i32
          %rem3A_266 = arith.remsi %scan3A_163, %select_n3A_265 : i32
          %ne3A_267 = arith.constant 0 : i32
          %ne3A_268 = arith.cmpi ne, %rem3A_266, %ne3A_267 : i32
          %lt3A_269 = arith.constant 0 : i32
          %lt3A_270 = arith.cmpi slt, %rem3A_266, %lt3A_269 : i32
          %lt3A_271 = arith.constant 0 : i32
          %lt3A_272 = arith.cmpi slt, %select_n3A_265, %lt3A_271 : i32
          %ne3A_273 = arith.xori %lt3A_270, %lt3A_272 : i1
          %and3A_274 = arith.andi %ne3A_273, %ne3A_268 : i1
          %add3A_275 = arith.addi %rem3A_266, %select_n3A_265 : i32
          %select_n3A_276 = arith.select %and3A_274, %add3A_275, %rem3A_266 : i32
          %mul3A_277 = arith.constant 16 : i32
          %mul3A_278 = arith.muli %select_n3A_276, %mul3A_277 : i32
          %swap3A_279 = arith.index_cast %select_n3A_260 : i32 to index
          %swap3A_280 = arith.index_cast %mul3A_278 : i32 to index
          %swap3A_281 = tpu.vector_load %arg11[%swap3A_279, %swap3A_280] {strides = array<i32>} : memref<8x128xi32, #tpu.memory_space<vmem>>, vector<1x16xi32>,
          %swap3A_282 = vector.shape_cast %swap3A_281 : vector<1x16xi32> to vector<16xi32>
          %swap3A_283 = vector.shape_cast %select_n3A_236 : vector<16xi32> to vector<1x16xi32>
          tpu.vector_store %arg11[%swap3A_279, %swap3A_280], %swap3A_283 {strides = array<i32>} : memref<8x128xi32, #tpu.memory_space<vmem>>, vector<1x16xi32>,
        }
        %scan3A_45 = arith.constant 64 : i32
        %dma_start3A = arith.constant 0 : i32
        %dma_start3A_46 = arith.constant 0 : i32
        %dma_start3A_47 = tpu.memref_slice %arg10[%dma_start3A, %dma_start3A_46] : memref<8x128xi32, #tpu.memory_space<vmem>> -> memref<1x128xi32, #tpu.memory_space<vmem>>
        %dma_start3A_48 = tpu.memref_squeeze %dma_start3A_47 : memref<1x128xi32, #tpu.memory_space<vmem>> -> memref<128xi32, #tpu.memory_space<vmem>>
        %dma_start3A_49 = arith.constant 0 : i32
        %dma_start3A_50 = arith.constant 0 : i32
        %dma_start3A_51 = tpu.memref_slice %arg2[%dma_start3A_49, %dma_start3A_50] : memref<700000x128xf32, #tpu.memory_space<hbm>> -> memref<700000x128xf32, #tpu.memory_space<hbm>>
        tpu.enqueue_indirect_dma source(%dma_start3A_51 : memref<700000x128xf32, #tpu.memory_space<hbm>>) target(%arg12 : memref<128x128xf32, #tpu.memory_space<vmem>>) offsets(%dma_start3A_48 : memref<128xi32, #tpu.memory_space<vmem>>) semaphore(%arg14 : memref<!tpu.dma_semaphore, #tpu.memory_space<semaphore_mem>>)
        %dma_wait3A = arith.constant 0 : i32
        %dma_wait3A_52 = arith.constant 0 : i32
        %dma_wait3A_53 = tpu.memref_slice %arg10[%dma_wait3A, %dma_wait3A_52] : memref<8x128xi32, #tpu.memory_space<vmem>> -> memref<1x128xi32, #tpu.memory_space<vmem>>
        %dma_wait3A_54 = tpu.memref_squeeze %dma_wait3A_53 : memref<1x128xi32, #tpu.memory_space<vmem>> -> memref<128xi32, #tpu.memory_space<vmem>>
        %dma_wait3A_55 = arith.constant 0 : i32
        %dma_wait3A_56 = arith.constant 0 : i32
        %dma_wait3A_57 = tpu.memref_slice %arg2[%dma_wait3A_55, %dma_wait3A_56] : memref<700000x128xf32, #tpu.memory_space<hbm>> -> memref<700000x128xf32, #tpu.memory_space<hbm>>
        tpu.wait_indirect_dma semaphore(%arg14 : memref<!tpu.dma_semaphore, #tpu.memory_space<semaphore_mem>>) src(%dma_wait3A_57 : memref<700000x128xf32, #tpu.memory_space<hbm>>) dst(%arg12 : memref<128x128xf32, #tpu.memory_space<vmem>>)
        %run_scoped3A = arith.constant 0 : i32
        "tpu.region"() ({
          %run_scoped3A_163 = tpu.sem_alloc : memref<!tpu.dma_semaphore, #tpu.memory_space<semaphore_mem>>
          %dma_start3A_164 = arith.constant 0 : i32
          %dma_start3A_165 = tpu.memref_slice %arg11[%run_scoped3A, %dma_start3A_164] : memref<8x128xi32, #tpu.memory_space<vmem>> -> memref<1x128xi32, #tpu.memory_space<vmem>>
          %dma_start3A_166 = tpu.memref_squeeze %dma_start3A_165 : memref<1x128xi32, #tpu.memory_space<vmem>> -> memref<128xi32, #tpu.memory_space<vmem>>
          %dma_start3A_167 = arith.constant 0 : i32
          %dma_start3A_168 = arith.constant 0 : i32
          %dma_start3A_169 = tpu.memref_slice %arg13[%dma_start3A_167, %dma_start3A_168] : memref<12672x128xf32, #tpu.memory_space<vmem_shared>> -> memref<12672x128xf32, #tpu.memory_space<vmem_shared>>
          tpu.enqueue_indirect_dma source(%arg12 : memref<128x128xf32, #tpu.memory_space<vmem>>) target(%dma_start3A_169 : memref<12672x128xf32, #tpu.memory_space<vmem_shared>>) offsets(%dma_start3A_166 : memref<128xi32, #tpu.memory_space<vmem>>) semaphore(%run_scoped3A_163 : memref<!tpu.dma_semaphore, #tpu.memory_space<semaphore_mem>>) {add = true}
          %dma_wait3A_170 = arith.constant 0 : i32
          %dma_wait3A_171 = tpu.memref_slice %arg11[%run_scoped3A, %dma_wait3A_170] : memref<8x128xi32, #tpu.memory_space<vmem>> -> memref<1x128xi32, #tpu.memory_space<vmem>>
          %dma_wait3A_172 = tpu.memref_squeeze %dma_wait3A_171 : memref<1x128xi32, #tpu.memory_space<vmem>> -> memref<128xi32, #tpu.memory_space<vmem>>
          %dma_wait3A_173 = arith.constant 0 : i32
          %dma_wait3A_174 = arith.constant 0 : i32
          %dma_wait3A_175 = tpu.memref_slice %arg13[%dma_wait3A_173, %dma_wait3A_174] : memref<12672x128xf32, #tpu.memory_space<vmem_shared>> -> memref<12672x128xf32, #tpu.memory_space<vmem_shared>>
          tpu.wait_indirect_dma semaphore(%run_scoped3A_163 : memref<!tpu.dma_semaphore, #tpu.memory_space<semaphore_mem>>) src(%arg12 : memref<128x128xf32, #tpu.memory_space<vmem>>) dst(%dma_wait3A_175 : memref<12672x128xf32, #tpu.memory_space<vmem_shared>>)
          tpu.yield
        }) : () -> ()
        %dma_start3A_58 = arith.constant 1 : i32
        %dma_start3A_59 = arith.constant 0 : i32
        %dma_start3A_60 = tpu.memref_slice %arg10[%dma_start3A_58, %dma_start3A_59] : memref<8x128xi32, #tpu.memory_space<vmem>> -> memref<1x128xi32, #tpu.memory_space<vmem>>
        %dma_start3A_61 = tpu.memref_squeeze %dma_start3A_60 : memref<1x128xi32, #tpu.memory_space<vmem>> -> memref<128xi32, #tpu.memory_space<vmem>>
        %dma_start3A_62 = arith.constant 0 : i32
        %dma_start3A_63 = arith.constant 0 : i32
        %dma_start3A_64 = tpu.memref_slice %arg2[%dma_start3A_62, %dma_start3A_63] : memref<700000x128xf32, #tpu.memory_space<hbm>> -> memref<700000x128xf32, #tpu.memory_space<hbm>>
        tpu.enqueue_indirect_dma source(%dma_start3A_64 : memref<700000x128xf32, #tpu.memory_space<hbm>>) target(%arg12 : memref<128x128xf32, #tpu.memory_space<vmem>>) offsets(%dma_start3A_61 : memref<128xi32, #tpu.memory_space<vmem>>) semaphore(%arg14 : memref<!tpu.dma_semaphore, #tpu.memory_space<semaphore_mem>>)
        %dma_wait3A_65 = arith.constant 1 : i32
        %dma_wait3A_66 = arith.constant 0 : i32
        %dma_wait3A_67 = tpu.memref_slice %arg10[%dma_wait3A_65, %dma_wait3A_66] : memref<8x128xi32, #tpu.memory_space<vmem>> -> memref<1x128xi32, #tpu.memory_space<vmem>>
        %dma_wait3A_68 = tpu.memref_squeeze %dma_wait3A_67 : memref<1x128xi32, #tpu.memory_space<vmem>> -> memref<128xi32, #tpu.memory_space<vmem>>
        %dma_wait3A_69 = arith.constant 0 : i32
        %dma_wait3A_70 = arith.constant 0 : i32
        %dma_wait3A_71 = tpu.memref_slice %arg2[%dma_wait3A_69, %dma_wait3A_70] : memref<700000x128xf32, #tpu.memory_space<hbm>> -> memref<700000x128xf32, #tpu.memory_space<hbm>>
        tpu.wait_indirect_dma semaphore(%arg14 : memref<!tpu.dma_semaphore, #tpu.memory_space<semaphore_mem>>) src(%dma_wait3A_71 : memref<700000x128xf32, #tpu.memory_space<hbm>>) dst(%arg12 : memref<128x128xf32, #tpu.memory_space<vmem>>)
        %run_scoped3A_72 = arith.constant 1 : i32
        "tpu.region"() ({
          %run_scoped3A_163 = tpu.sem_alloc : memref<!tpu.dma_semaphore, #tpu.memory_space<semaphore_mem>>
          %dma_start3A_164 = arith.constant 0 : i32
          %dma_start3A_165 = tpu.memref_slice %arg11[%run_scoped3A_72, %dma_start3A_164] : memref<8x128xi32, #tpu.memory_space<vmem>> -> memref<1x128xi32, #tpu.memory_space<vmem>>
          %dma_start3A_166 = tpu.memref_squeeze %dma_start3A_165 : memref<1x128xi32, #tpu.memory_space<vmem>> -> memref<128xi32, #tpu.memory_space<vmem>>
          %dma_start3A_167 = arith.constant 0 : i32
          %dma_start3A_168 = arith.constant 0 : i32
          %dma_start3A_169 = tpu.memref_slice %arg13[%dma_start3A_167, %dma_start3A_168] : memref<12672x128xf32, #tpu.memory_space<vmem_shared>> -> memref<12672x128xf32, #tpu.memory_space<vmem_shared>>
          tpu.enqueue_indirect_dma source(%arg12 : memref<128x128xf32, #tpu.memory_space<vmem>>) target(%dma_start3A_169 : memref<12672x128xf32, #tpu.memory_space<vmem_shared>>) offsets(%dma_start3A_166 : memref<128xi32, #tpu.memory_space<vmem>>) semaphore(%run_scoped3A_163 : memref<!tpu.dma_semaphore, #tpu.memory_space<semaphore_mem>>) {add = true}
          %dma_wait3A_170 = arith.constant 0 : i32
          %dma_wait3A_171 = tpu.memref_slice %arg11[%run_scoped3A_72, %dma_wait3A_170] : memref<8x128xi32, #tpu.memory_space<vmem>> -> memref<1x128xi32, #tpu.memory_space<vmem>>
          %dma_wait3A_172 = tpu.memref_squeeze %dma_wait3A_171 : memref<1x128xi32, #tpu.memory_space<vmem>> -> memref<128xi32, #tpu.memory_space<vmem>>
          %dma_wait3A_173 = arith.constant 0 : i32
          %dma_wait3A_174 = arith.constant 0 : i32
          %dma_wait3A_175 = tpu.memref_slice %arg13[%dma_wait3A_173, %dma_wait3A_174] : memref<12672x128xf32, #tpu.memory_space<vmem_shared>> -> memref<12672x128xf32, #tpu.memory_space<vmem_shared>>
          tpu.wait_indirect_dma semaphore(%run_scoped3A_163 : memref<!tpu.dma_semaphore, #tpu.memory_space<semaphore_mem>>) src(%arg12 : memref<128x128xf32, #tpu.memory_space<vmem>>) dst(%dma_wait3A_175 : memref<12672x128xf32, #tpu.memory_space<vmem_shared>>)
          tpu.yield
        }) : () -> ()
        %dma_start3A_73 = arith.constant 2 : i32
        %dma_start3A_74 = arith.constant 0 : i32
        %dma_start3A_75 = tpu.memref_slice %arg10[%dma_start3A_73, %dma_start3A_74] : memref<8x128xi32, #tpu.memory_space<vmem>> -> memref<1x128xi32, #tpu.memory_space<vmem>>
        %dma_start3A_76 = tpu.memref_squeeze %dma_start3A_75 : memref<1x128xi32, #tpu.memory_space<vmem>> -> memref<128xi32, #tpu.memory_space<vmem>>
        %dma_start3A_77 = arith.constant 0 : i32
        %dma_start3A_78 = arith.constant 0 : i32
        %dma_start3A_79 = tpu.memref_slice %arg2[%dma_start3A_77, %dma_start3A_78] : memref<700000x128xf32, #tpu.memory_space<hbm>> -> memref<700000x128xf32, #tpu.memory_space<hbm>>
        tpu.enqueue_indirect_dma source(%dma_start3A_79 : memref<700000x128xf32, #tpu.memory_space<hbm>>) target(%arg12 : memref<128x128xf32, #tpu.memory_space<vmem>>) offsets(%dma_start3A_76 : memref<128xi32, #tpu.memory_space<vmem>>) semaphore(%arg14 : memref<!tpu.dma_semaphore, #tpu.memory_space<semaphore_mem>>)
        %dma_wait3A_80 = arith.constant 2 : i32
        %dma_wait3A_81 = arith.constant 0 : i32
        %dma_wait3A_82 = tpu.memref_slice %arg10[%dma_wait3A_80, %dma_wait3A_81] : memref<8x128xi32, #tpu.memory_space<vmem>> -> memref<1x128xi32, #tpu.memory_space<vmem>>
        %dma_wait3A_83 = tpu.memref_squeeze %dma_wait3A_82 : memref<1x128xi32, #tpu.memory_space<vmem>> -> memref<128xi32, #tpu.memory_space<vmem>>
        %dma_wait3A_84 = arith.constant 0 : i32
        %dma_wait3A_85 = arith.constant 0 : i32
        %dma_wait3A_86 = tpu.memref_slice %arg2[%dma_wait3A_84, %dma_wait3A_85] : memref<700000x128xf32, #tpu.memory_space<hbm>> -> memref<700000x128xf32, #tpu.memory_space<hbm>>
        tpu.wait_indirect_dma semaphore(%arg14 : memref<!tpu.dma_semaphore, #tpu.memory_space<semaphore_mem>>) src(%dma_wait3A_86 : memref<700000x128xf32, #tpu.memory_space<hbm>>) dst(%arg12 : memref<128x128xf32, #tpu.memory_space<vmem>>)
        %run_scoped3A_87 = arith.constant 2 : i32
        "tpu.region"() ({
          %run_scoped3A_163 = tpu.sem_alloc : memref<!tpu.dma_semaphore, #tpu.memory_space<semaphore_mem>>
          %dma_start3A_164 = arith.constant 0 : i32
          %dma_start3A_165 = tpu.memref_slice %arg11[%run_scoped3A_87, %dma_start3A_164] : memref<8x128xi32, #tpu.memory_space<vmem>> -> memref<1x128xi32, #tpu.memory_space<vmem>>
          %dma_start3A_166 = tpu.memref_squeeze %dma_start3A_165 : memref<1x128xi32, #tpu.memory_space<vmem>> -> memref<128xi32, #tpu.memory_space<vmem>>
          %dma_start3A_167 = arith.constant 0 : i32
          %dma_start3A_168 = arith.constant 0 : i32
          %dma_start3A_169 = tpu.memref_slice %arg13[%dma_start3A_167, %dma_start3A_168] : memref<12672x128xf32, #tpu.memory_space<vmem_shared>> -> memref<12672x128xf32, #tpu.memory_space<vmem_shared>>
          tpu.enqueue_indirect_dma source(%arg12 : memref<128x128xf32, #tpu.memory_space<vmem>>) target(%dma_start3A_169 : memref<12672x128xf32, #tpu.memory_space<vmem_shared>>) offsets(%dma_start3A_166 : memref<128xi32, #tpu.memory_space<vmem>>) semaphore(%run_scoped3A_163 : memref<!tpu.dma_semaphore, #tpu.memory_space<semaphore_mem>>) {add = true}
          %dma_wait3A_170 = arith.constant 0 : i32
          %dma_wait3A_171 = tpu.memref_slice %arg11[%run_scoped3A_87, %dma_wait3A_170] : memref<8x128xi32, #tpu.memory_space<vmem>> -> memref<1x128xi32, #tpu.memory_space<vmem>>
          %dma_wait3A_172 = tpu.memref_squeeze %dma_wait3A_171 : memref<1x128xi32, #tpu.memory_space<vmem>> -> memref<128xi32, #tpu.memory_space<vmem>>
          %dma_wait3A_173 = arith.constant 0 : i32
          %dma_wait3A_174 = arith.constant 0 : i32
          %dma_wait3A_175 = tpu.memref_slice %arg13[%dma_wait3A_173, %dma_wait3A_174] : memref<12672x128xf32, #tpu.memory_space<vmem_shared>> -> memref<12672x128xf32, #tpu.memory_space<vmem_shared>>
          tpu.wait_indirect_dma semaphore(%run_scoped3A_163 : memref<!tpu.dma_semaphore, #tpu.memory_space<semaphore_mem>>) src(%arg12 : memref<128x128xf32, #tpu.memory_space<vmem>>) dst(%dma_wait3A_175 : memref<12672x128xf32, #tpu.memory_space<vmem_shared>>)
          tpu.yield
        }) : () -> ()
        %dma_start3A_88 = arith.constant 3 : i32
        %dma_start3A_89 = arith.constant 0 : i32
        %dma_start3A_90 = tpu.memref_slice %arg10[%dma_start3A_88, %dma_start3A_89] : memref<8x128xi32, #tpu.memory_space<vmem>> -> memref<1x128xi32, #tpu.memory_space<vmem>>
        %dma_start3A_91 = tpu.memref_squeeze %dma_start3A_90 : memref<1x128xi32, #tpu.memory_space<vmem>> -> memref<128xi32, #tpu.memory_space<vmem>>
        %dma_start3A_92 = arith.constant 0 : i32
        %dma_start3A_93 = arith.constant 0 : i32
        %dma_start3A_94 = tpu.memref_slice %arg2[%dma_start3A_92, %dma_start3A_93] : memref<700000x128xf32, #tpu.memory_space<hbm>> -> memref<700000x128xf32, #tpu.memory_space<hbm>>
        tpu.enqueue_indirect_dma source(%dma_start3A_94 : memref<700000x128xf32, #tpu.memory_space<hbm>>) target(%arg12 : memref<128x128xf32, #tpu.memory_space<vmem>>) offsets(%dma_start3A_91 : memref<128xi32, #tpu.memory_space<vmem>>) semaphore(%arg14 : memref<!tpu.dma_semaphore, #tpu.memory_space<semaphore_mem>>)
        %dma_wait3A_95 = arith.constant 3 : i32
        %dma_wait3A_96 = arith.constant 0 : i32
        %dma_wait3A_97 = tpu.memref_slice %arg10[%dma_wait3A_95, %dma_wait3A_96] : memref<8x128xi32, #tpu.memory_space<vmem>> -> memref<1x128xi32, #tpu.memory_space<vmem>>
        %dma_wait3A_98 = tpu.memref_squeeze %dma_wait3A_97 : memref<1x128xi32, #tpu.memory_space<vmem>> -> memref<128xi32, #tpu.memory_space<vmem>>
        %dma_wait3A_99 = arith.constant 0 : i32
        %dma_wait3A_100 = arith.constant 0 : i32
        %dma_wait3A_101 = tpu.memref_slice %arg2[%dma_wait3A_99, %dma_wait3A_100] : memref<700000x128xf32, #tpu.memory_space<hbm>> -> memref<700000x128xf32, #tpu.memory_space<hbm>>
        tpu.wait_indirect_dma semaphore(%arg14 : memref<!tpu.dma_semaphore, #tpu.memory_space<semaphore_mem>>) src(%dma_wait3A_101 : memref<700000x128xf32, #tpu.memory_space<hbm>>) dst(%arg12 : memref<128x128xf32, #tpu.memory_space<vmem>>)
        %run_scoped3A_102 = arith.constant 3 : i32
        "tpu.region"() ({
          %run_scoped3A_163 = tpu.sem_alloc : memref<!tpu.dma_semaphore, #tpu.memory_space<semaphore_mem>>
          %dma_start3A_164 = arith.constant 0 : i32
          %dma_start3A_165 = tpu.memref_slice %arg11[%run_scoped3A_102, %dma_start3A_164] : memref<8x128xi32, #tpu.memory_space<vmem>> -> memref<1x128xi32, #tpu.memory_space<vmem>>
          %dma_start3A_166 = tpu.memref_squeeze %dma_start3A_165 : memref<1x128xi32, #tpu.memory_space<vmem>> -> memref<128xi32, #tpu.memory_space<vmem>>
          %dma_start3A_167 = arith.constant 0 : i32
          %dma_start3A_168 = arith.constant 0 : i32
          %dma_start3A_169 = tpu.memref_slice %arg13[%dma_start3A_167, %dma_start3A_168] : memref<12672x128xf32, #tpu.memory_space<vmem_shared>> -> memref<12672x128xf32, #tpu.memory_space<vmem_shared>>
          tpu.enqueue_indirect_dma source(%arg12 : memref<128x128xf32, #tpu.memory_space<vmem>>) target(%dma_start3A_169 : memref<12672x128xf32, #tpu.memory_space<vmem_shared>>) offsets(%dma_start3A_166 : memref<128xi32, #tpu.memory_space<vmem>>) semaphore(%run_scoped3A_163 : memref<!tpu.dma_semaphore, #tpu.memory_space<semaphore_mem>>) {add = true}
          %dma_wait3A_170 = arith.constant 0 : i32
          %dma_wait3A_171 = tpu.memref_slice %arg11[%run_scoped3A_102, %dma_wait3A_170] : memref<8x128xi32, #tpu.memory_space<vmem>> -> memref<1x128xi32, #tpu.memory_space<vmem>>
          %dma_wait3A_172 = tpu.memref_squeeze %dma_wait3A_171 : memref<1x128xi32, #tpu.memory_space<vmem>> -> memref<128xi32, #tpu.memory_space<vmem>>
          %dma_wait3A_173 = arith.constant 0 : i32
          %dma_wait3A_174 = arith.constant 0 : i32
          %dma_wait3A_175 = tpu.memref_slice %arg13[%dma_wait3A_173, %dma_wait3A_174] : memref<12672x128xf32, #tpu.memory_space<vmem_shared>> -> memref<12672x128xf32, #tpu.memory_space<vmem_shared>>
          tpu.wait_indirect_dma semaphore(%run_scoped3A_163 : memref<!tpu.dma_semaphore, #tpu.memory_space<semaphore_mem>>) src(%arg12 : memref<128x128xf32, #tpu.memory_space<vmem>>) dst(%dma_wait3A_175 : memref<12672x128xf32, #tpu.memory_space<vmem_shared>>)
          tpu.yield
        }) : () -> ()
        %dma_start3A_103 = arith.constant 4 : i32
        %dma_start3A_104 = arith.constant 0 : i32
        %dma_start3A_105 = tpu.memref_slice %arg10[%dma_start3A_103, %dma_start3A_104] : memref<8x128xi32, #tpu.memory_space<vmem>> -> memref<1x128xi32, #tpu.memory_space<vmem>>
        %dma_start3A_106 = tpu.memref_squeeze %dma_start3A_105 : memref<1x128xi32, #tpu.memory_space<vmem>> -> memref<128xi32, #tpu.memory_space<vmem>>
        %dma_start3A_107 = arith.constant 0 : i32
        %dma_start3A_108 = arith.constant 0 : i32
        %dma_start3A_109 = tpu.memref_slice %arg2[%dma_start3A_107, %dma_start3A_108] : memref<700000x128xf32, #tpu.memory_space<hbm>> -> memref<700000x128xf32, #tpu.memory_space<hbm>>
        tpu.enqueue_indirect_dma source(%dma_start3A_109 : memref<700000x128xf32, #tpu.memory_space<hbm>>) target(%arg12 : memref<128x128xf32, #tpu.memory_space<vmem>>) offsets(%dma_start3A_106 : memref<128xi32, #tpu.memory_space<vmem>>) semaphore(%arg14 : memref<!tpu.dma_semaphore, #tpu.memory_space<semaphore_mem>>)
        %dma_wait3A_110 = arith.constant 4 : i32
        %dma_wait3A_111 = arith.constant 0 : i32
        %dma_wait3A_112 = tpu.memref_slice %arg10[%dma_wait3A_110, %dma_wait3A_111] : memref<8x128xi32, #tpu.memory_space<vmem>> -> memref<1x128xi32, #tpu.memory_space<vmem>>
        %dma_wait3A_113 = tpu.memref_squeeze %dma_wait3A_112 : memref<1x128xi32, #tpu.memory_space<vmem>> -> memref<128xi32, #tpu.memory_space<vmem>>
        %dma_wait3A_114 = arith.constant 0 : i32
        %dma_wait3A_115 = arith.constant 0 : i32
        %dma_wait3A_116 = tpu.memref_slice %arg2[%dma_wait3A_114, %dma_wait3A_115] : memref<700000x128xf32, #tpu.memory_space<hbm>> -> memref<700000x128xf32, #tpu.memory_space<hbm>>
        tpu.wait_indirect_dma semaphore(%arg14 : memref<!tpu.dma_semaphore, #tpu.memory_space<semaphore_mem>>) src(%dma_wait3A_116 : memref<700000x128xf32, #tpu.memory_space<hbm>>) dst(%arg12 : memref<128x128xf32, #tpu.memory_space<vmem>>)
        %run_scoped3A_117 = arith.constant 4 : i32
        "tpu.region"() ({
          %run_scoped3A_163 = tpu.sem_alloc : memref<!tpu.dma_semaphore, #tpu.memory_space<semaphore_mem>>
          %dma_start3A_164 = arith.constant 0 : i32
          %dma_start3A_165 = tpu.memref_slice %arg11[%run_scoped3A_117, %dma_start3A_164] : memref<8x128xi32, #tpu.memory_space<vmem>> -> memref<1x128xi32, #tpu.memory_space<vmem>>
          %dma_start3A_166 = tpu.memref_squeeze %dma_start3A_165 : memref<1x128xi32, #tpu.memory_space<vmem>> -> memref<128xi32, #tpu.memory_space<vmem>>
          %dma_start3A_167 = arith.constant 0 : i32
          %dma_start3A_168 = arith.constant 0 : i32
          %dma_start3A_169 = tpu.memref_slice %arg13[%dma_start3A_167, %dma_start3A_168] : memref<12672x128xf32, #tpu.memory_space<vmem_shared>> -> memref<12672x128xf32, #tpu.memory_space<vmem_shared>>
          tpu.enqueue_indirect_dma source(%arg12 : memref<128x128xf32, #tpu.memory_space<vmem>>) target(%dma_start3A_169 : memref<12672x128xf32, #tpu.memory_space<vmem_shared>>) offsets(%dma_start3A_166 : memref<128xi32, #tpu.memory_space<vmem>>) semaphore(%run_scoped3A_163 : memref<!tpu.dma_semaphore, #tpu.memory_space<semaphore_mem>>) {add = true}
          %dma_wait3A_170 = arith.constant 0 : i32
          %dma_wait3A_171 = tpu.memref_slice %arg11[%run_scoped3A_117, %dma_wait3A_170] : memref<8x128xi32, #tpu.memory_space<vmem>> -> memref<1x128xi32, #tpu.memory_space<vmem>>
          %dma_wait3A_172 = tpu.memref_squeeze %dma_wait3A_171 : memref<1x128xi32, #tpu.memory_space<vmem>> -> memref<128xi32, #tpu.memory_space<vmem>>
          %dma_wait3A_173 = arith.constant 0 : i32
          %dma_wait3A_174 = arith.constant 0 : i32
          %dma_wait3A_175 = tpu.memref_slice %arg13[%dma_wait3A_173, %dma_wait3A_174] : memref<12672x128xf32, #tpu.memory_space<vmem_shared>> -> memref<12672x128xf32, #tpu.memory_space<vmem_shared>>
          tpu.wait_indirect_dma semaphore(%run_scoped3A_163 : memref<!tpu.dma_semaphore, #tpu.memory_space<semaphore_mem>>) src(%arg12 : memref<128x128xf32, #tpu.memory_space<vmem>>) dst(%dma_wait3A_175 : memref<12672x128xf32, #tpu.memory_space<vmem_shared>>)
          tpu.yield
        }) : () -> ()
        %dma_start3A_118 = arith.constant 5 : i32
        %dma_start3A_119 = arith.constant 0 : i32
        %dma_start3A_120 = tpu.memref_slice %arg10[%dma_start3A_118, %dma_start3A_119] : memref<8x128xi32, #tpu.memory_space<vmem>> -> memref<1x128xi32, #tpu.memory_space<vmem>>
        %dma_start3A_121 = tpu.memref_squeeze %dma_start3A_120 : memref<1x128xi32, #tpu.memory_space<vmem>> -> memref<128xi32, #tpu.memory_space<vmem>>
        %dma_start3A_122 = arith.constant 0 : i32
        %dma_start3A_123 = arith.constant 0 : i32
        %dma_start3A_124 = tpu.memref_slice %arg2[%dma_start3A_122, %dma_start3A_123] : memref<700000x128xf32, #tpu.memory_space<hbm>> -> memref<700000x128xf32, #tpu.memory_space<hbm>>
        tpu.enqueue_indirect_dma source(%dma_start3A_124 : memref<700000x128xf32, #tpu.memory_space<hbm>>) target(%arg12 : memref<128x128xf32, #tpu.memory_space<vmem>>) offsets(%dma_start3A_121 : memref<128xi32, #tpu.memory_space<vmem>>) semaphore(%arg14 : memref<!tpu.dma_semaphore, #tpu.memory_space<semaphore_mem>>)
        %dma_wait3A_125 = arith.constant 5 : i32
        %dma_wait3A_126 = arith.constant 0 : i32
        %dma_wait3A_127 = tpu.memref_slice %arg10[%dma_wait3A_125, %dma_wait3A_126] : memref<8x128xi32, #tpu.memory_space<vmem>> -> memref<1x128xi32, #tpu.memory_space<vmem>>
        %dma_wait3A_128 = tpu.memref_squeeze %dma_wait3A_127 : memref<1x128xi32, #tpu.memory_space<vmem>> -> memref<128xi32, #tpu.memory_space<vmem>>
        %dma_wait3A_129 = arith.constant 0 : i32
        %dma_wait3A_130 = arith.constant 0 : i32
        %dma_wait3A_131 = tpu.memref_slice %arg2[%dma_wait3A_129, %dma_wait3A_130] : memref<700000x128xf32, #tpu.memory_space<hbm>> -> memref<700000x128xf32, #tpu.memory_space<hbm>>
        tpu.wait_indirect_dma semaphore(%arg14 : memref<!tpu.dma_semaphore, #tpu.memory_space<semaphore_mem>>) src(%dma_wait3A_131 : memref<700000x128xf32, #tpu.memory_space<hbm>>) dst(%arg12 : memref<128x128xf32, #tpu.memory_space<vmem>>)
        %run_scoped3A_132 = arith.constant 5 : i32
        "tpu.region"() ({
          %run_scoped3A_163 = tpu.sem_alloc : memref<!tpu.dma_semaphore, #tpu.memory_space<semaphore_mem>>
          %dma_start3A_164 = arith.constant 0 : i32
          %dma_start3A_165 = tpu.memref_slice %arg11[%run_scoped3A_132, %dma_start3A_164] : memref<8x128xi32, #tpu.memory_space<vmem>> -> memref<1x128xi32, #tpu.memory_space<vmem>>
          %dma_start3A_166 = tpu.memref_squeeze %dma_start3A_165 : memref<1x128xi32, #tpu.memory_space<vmem>> -> memref<128xi32, #tpu.memory_space<vmem>>
          %dma_start3A_167 = arith.constant 0 : i32
          %dma_start3A_168 = arith.constant 0 : i32
          %dma_start3A_169 = tpu.memref_slice %arg13[%dma_start3A_167, %dma_start3A_168] : memref<12672x128xf32, #tpu.memory_space<vmem_shared>> -> memref<12672x128xf32, #tpu.memory_space<vmem_shared>>
          tpu.enqueue_indirect_dma source(%arg12 : memref<128x128xf32, #tpu.memory_space<vmem>>) target(%dma_start3A_169 : memref<12672x128xf32, #tpu.memory_space<vmem_shared>>) offsets(%dma_start3A_166 : memref<128xi32, #tpu.memory_space<vmem>>) semaphore(%run_scoped3A_163 : memref<!tpu.dma_semaphore, #tpu.memory_space<semaphore_mem>>) {add = true}
          %dma_wait3A_170 = arith.constant 0 : i32
          %dma_wait3A_171 = tpu.memref_slice %arg11[%run_scoped3A_132, %dma_wait3A_170] : memref<8x128xi32, #tpu.memory_space<vmem>> -> memref<1x128xi32, #tpu.memory_space<vmem>>
          %dma_wait3A_172 = tpu.memref_squeeze %dma_wait3A_171 : memref<1x128xi32, #tpu.memory_space<vmem>> -> memref<128xi32, #tpu.memory_space<vmem>>
          %dma_wait3A_173 = arith.constant 0 : i32
          %dma_wait3A_174 = arith.constant 0 : i32
          %dma_wait3A_175 = tpu.memref_slice %arg13[%dma_wait3A_173, %dma_wait3A_174] : memref<12672x128xf32, #tpu.memory_space<vmem_shared>> -> memref<12672x128xf32, #tpu.memory_space<vmem_shared>>
          tpu.wait_indirect_dma semaphore(%run_scoped3A_163 : memref<!tpu.dma_semaphore, #tpu.memory_space<semaphore_mem>>) src(%arg12 : memref<128x128xf32, #tpu.memory_space<vmem>>) dst(%dma_wait3A_175 : memref<12672x128xf32, #tpu.memory_space<vmem_shared>>)
          tpu.yield
        }) : () -> ()
        %dma_start3A_133 = arith.constant 6 : i32
        %dma_start3A_134 = arith.constant 0 : i32
        %dma_start3A_135 = tpu.memref_slice %arg10[%dma_start3A_133, %dma_start3A_134] : memref<8x128xi32, #tpu.memory_space<vmem>> -> memref<1x128xi32, #tpu.memory_space<vmem>>
        %dma_start3A_136 = tpu.memref_squeeze %dma_start3A_135 : memref<1x128xi32, #tpu.memory_space<vmem>> -> memref<128xi32, #tpu.memory_space<vmem>>
        %dma_start3A_137 = arith.constant 0 : i32
        %dma_start3A_138 = arith.constant 0 : i32
        %dma_start3A_139 = tpu.memref_slice %arg2[%dma_start3A_137, %dma_start3A_138] : memref<700000x128xf32, #tpu.memory_space<hbm>> -> memref<700000x128xf32, #tpu.memory_space<hbm>>
        tpu.enqueue_indirect_dma source(%dma_start3A_139 : memref<700000x128xf32, #tpu.memory_space<hbm>>) target(%arg12 : memref<128x128xf32, #tpu.memory_space<vmem>>) offsets(%dma_start3A_136 : memref<128xi32, #tpu.memory_space<vmem>>) semaphore(%arg14 : memref<!tpu.dma_semaphore, #tpu.memory_space<semaphore_mem>>)
        %dma_wait3A_140 = arith.constant 6 : i32
        %dma_wait3A_141 = arith.constant 0 : i32
        %dma_wait3A_142 = tpu.memref_slice %arg10[%dma_wait3A_140, %dma_wait3A_141] : memref<8x128xi32, #tpu.memory_space<vmem>> -> memref<1x128xi32, #tpu.memory_space<vmem>>
        %dma_wait3A_143 = tpu.memref_squeeze %dma_wait3A_142 : memref<1x128xi32, #tpu.memory_space<vmem>> -> memref<128xi32, #tpu.memory_space<vmem>>
        %dma_wait3A_144 = arith.constant 0 : i32
        %dma_wait3A_145 = arith.constant 0 : i32
        %dma_wait3A_146 = tpu.memref_slice %arg2[%dma_wait3A_144, %dma_wait3A_145] : memref<700000x128xf32, #tpu.memory_space<hbm>> -> memref<700000x128xf32, #tpu.memory_space<hbm>>
        tpu.wait_indirect_dma semaphore(%arg14 : memref<!tpu.dma_semaphore, #tpu.memory_space<semaphore_mem>>) src(%dma_wait3A_146 : memref<700000x128xf32, #tpu.memory_space<hbm>>) dst(%arg12 : memref<128x128xf32, #tpu.memory_space<vmem>>)
        %run_scoped3A_147 = arith.constant 6 : i32
        "tpu.region"() ({
          %run_scoped3A_163 = tpu.sem_alloc : memref<!tpu.dma_semaphore, #tpu.memory_space<semaphore_mem>>
          %dma_start3A_164 = arith.constant 0 : i32
          %dma_start3A_165 = tpu.memref_slice %arg11[%run_scoped3A_147, %dma_start3A_164] : memref<8x128xi32, #tpu.memory_space<vmem>> -> memref<1x128xi32, #tpu.memory_space<vmem>>
          %dma_start3A_166 = tpu.memref_squeeze %dma_start3A_165 : memref<1x128xi32, #tpu.memory_space<vmem>> -> memref<128xi32, #tpu.memory_space<vmem>>
          %dma_start3A_167 = arith.constant 0 : i32
          %dma_start3A_168 = arith.constant 0 : i32
          %dma_start3A_169 = tpu.memref_slice %arg13[%dma_start3A_167, %dma_start3A_168] : memref<12672x128xf32, #tpu.memory_space<vmem_shared>> -> memref<12672x128xf32, #tpu.memory_space<vmem_shared>>
          tpu.enqueue_indirect_dma source(%arg12 : memref<128x128xf32, #tpu.memory_space<vmem>>) target(%dma_start3A_169 : memref<12672x128xf32, #tpu.memory_space<vmem_shared>>) offsets(%dma_start3A_166 : memref<128xi32, #tpu.memory_space<vmem>>) semaphore(%run_scoped3A_163 : memref<!tpu.dma_semaphore, #tpu.memory_space<semaphore_mem>>) {add = true}
          %dma_wait3A_170 = arith.constant 0 : i32
          %dma_wait3A_171 = tpu.memref_slice %arg11[%run_scoped3A_147, %dma_wait3A_170] : memref<8x128xi32, #tpu.memory_space<vmem>> -> memref<1x128xi32, #tpu.memory_space<vmem>>
          %dma_wait3A_172 = tpu.memref_squeeze %dma_wait3A_171 : memref<1x128xi32, #tpu.memory_space<vmem>> -> memref<128xi32, #tpu.memory_space<vmem>>
          %dma_wait3A_173 = arith.constant 0 : i32
          %dma_wait3A_174 = arith.constant 0 : i32
          %dma_wait3A_175 = tpu.memref_slice %arg13[%dma_wait3A_173, %dma_wait3A_174] : memref<12672x128xf32, #tpu.memory_space<vmem_shared>> -> memref<12672x128xf32, #tpu.memory_space<vmem_shared>>
          tpu.wait_indirect_dma semaphore(%run_scoped3A_163 : memref<!tpu.dma_semaphore, #tpu.memory_space<semaphore_mem>>) src(%arg12 : memref<128x128xf32, #tpu.memory_space<vmem>>) dst(%dma_wait3A_175 : memref<12672x128xf32, #tpu.memory_space<vmem_shared>>)
          tpu.yield
        }) : () -> ()
        %dma_start3A_148 = arith.constant 7 : i32
        %dma_start3A_149 = arith.constant 0 : i32
        %dma_start3A_150 = tpu.memref_slice %arg10[%dma_start3A_148, %dma_start3A_149] : memref<8x128xi32, #tpu.memory_space<vmem>> -> memref<1x128xi32, #tpu.memory_space<vmem>>
        %dma_start3A_151 = tpu.memref_squeeze %dma_start3A_150 : memref<1x128xi32, #tpu.memory_space<vmem>> -> memref<128xi32, #tpu.memory_space<vmem>>
        %dma_start3A_152 = arith.constant 0 : i32
        %dma_start3A_153 = arith.constant 0 : i32
        %dma_start3A_154 = tpu.memref_slice %arg2[%dma_start3A_152, %dma_start3A_153] : memref<700000x128xf32, #tpu.memory_space<hbm>> -> memref<700000x128xf32, #tpu.memory_space<hbm>>
        tpu.enqueue_indirect_dma source(%dma_start3A_154 : memref<700000x128xf32, #tpu.memory_space<hbm>>) target(%arg12 : memref<128x128xf32, #tpu.memory_space<vmem>>) offsets(%dma_start3A_151 : memref<128xi32, #tpu.memory_space<vmem>>) semaphore(%arg14 : memref<!tpu.dma_semaphore, #tpu.memory_space<semaphore_mem>>)
        %dma_wait3A_155 = arith.constant 7 : i32
        %dma_wait3A_156 = arith.constant 0 : i32
        %dma_wait3A_157 = tpu.memref_slice %arg10[%dma_wait3A_155, %dma_wait3A_156] : memref<8x128xi32, #tpu.memory_space<vmem>> -> memref<1x128xi32, #tpu.memory_space<vmem>>
        %dma_wait3A_158 = tpu.memref_squeeze %dma_wait3A_157 : memref<1x128xi32, #tpu.memory_space<vmem>> -> memref<128xi32, #tpu.memory_space<vmem>>
        %dma_wait3A_159 = arith.constant 0 : i32
        %dma_wait3A_160 = arith.constant 0 : i32
        %dma_wait3A_161 = tpu.memref_slice %arg2[%dma_wait3A_159, %dma_wait3A_160] : memref<700000x128xf32, #tpu.memory_space<hbm>> -> memref<700000x128xf32, #tpu.memory_space<hbm>>
        tpu.wait_indirect_dma semaphore(%arg14 : memref<!tpu.dma_semaphore, #tpu.memory_space<semaphore_mem>>) src(%dma_wait3A_161 : memref<700000x128xf32, #tpu.memory_space<hbm>>) dst(%arg12 : memref<128x128xf32, #tpu.memory_space<vmem>>)
        %run_scoped3A_162 = arith.constant 7 : i32
        "tpu.region"() ({
          %run_scoped3A_163 = tpu.sem_alloc : memref<!tpu.dma_semaphore, #tpu.memory_space<semaphore_mem>>
          %dma_start3A_164 = arith.constant 0 : i32
          %dma_start3A_165 = tpu.memref_slice %arg11[%run_scoped3A_162, %dma_start3A_164] : memref<8x128xi32, #tpu.memory_space<vmem>> -> memref<1x128xi32, #tpu.memory_space<vmem>>
          %dma_start3A_166 = tpu.memref_squeeze %dma_start3A_165 : memref<1x128xi32, #tpu.memory_space<vmem>> -> memref<128xi32, #tpu.memory_space<vmem>>
          %dma_start3A_167 = arith.constant 0 : i32
          %dma_start3A_168 = arith.constant 0 : i32
          %dma_start3A_169 = tpu.memref_slice %arg13[%dma_start3A_167, %dma_start3A_168] : memref<12672x128xf32, #tpu.memory_space<vmem_shared>> -> memref<12672x128xf32, #tpu.memory_space<vmem_shared>>
          tpu.enqueue_indirect_dma source(%arg12 : memref<128x128xf32, #tpu.memory_space<vmem>>) target(%dma_start3A_169 : memref<12672x128xf32, #tpu.memory_space<vmem_shared>>) offsets(%dma_start3A_166 : memref<128xi32, #tpu.memory_space<vmem>>) semaphore(%run_scoped3A_163 : memref<!tpu.dma_semaphore, #tpu.memory_space<semaphore_mem>>) {add = true}
          %dma_wait3A_170 = arith.constant 0 : i32
          %dma_wait3A_171 = tpu.memref_slice %arg11[%run_scoped3A_162, %dma_wait3A_170] : memref<8x128xi32, #tpu.memory_space<vmem>> -> memref<1x128xi32, #tpu.memory_space<vmem>>
          %dma_wait3A_172 = tpu.memref_squeeze %dma_wait3A_171 : memref<1x128xi32, #tpu.memory_space<vmem>> -> memref<128xi32, #tpu.memory_space<vmem>>
          %dma_wait3A_173 = arith.constant 0 : i32
          %dma_wait3A_174 = arith.constant 0 : i32
          %dma_wait3A_175 = tpu.memref_slice %arg13[%dma_wait3A_173, %dma_wait3A_174] : memref<12672x128xf32, #tpu.memory_space<vmem_shared>> -> memref<12672x128xf32, #tpu.memory_space<vmem_shared>>
          tpu.wait_indirect_dma semaphore(%run_scoped3A_163 : memref<!tpu.dma_semaphore, #tpu.memory_space<semaphore_mem>>) src(%arg12 : memref<128x128xf32, #tpu.memory_space<vmem>>) dst(%dma_wait3A_175 : memref<12672x128xf32, #tpu.memory_space<vmem_shared>>)
          tpu.yield
        }) : () -> ()
      }
      %scan3A_28 = arith.constant 98 : i32
      %barrier3A_29 = arith.constant 0 : index
      tpu.barrier barrier_id(%barrier3A_29)
      %mul3A_30 = arith.constant 784 : i32
      %mul3A_31 = arith.muli %arg1, %mul3A_30 : i32
      %add3A_32 = arith.addi %mul3A_10, %mul3A_31 : i32
      "tpu.region"() ({
        %run_scoped3A = tpu.sem_alloc : memref<!tpu.dma_semaphore, #tpu.memory_space<semaphore_mem>>
        %dma_start3A = arith.constant 0 : i32
        %dma_start3A_34 = tpu.memref_slice %arg6[%add3A_32, %dma_start3A] : memref<100352x128xf32, #tpu.memory_space<hbm>> -> memref<784x128xf32, #tpu.memory_space<hbm>>
        %dma_start3A_35 = arith.constant 0 : i32
        %dma_start3A_36 = tpu.memref_slice %arg13[%mul3A_31, %dma_start3A_35] : memref<12672x128xf32, #tpu.memory_space<vmem_shared>> -> memref<784x128xf32, #tpu.memory_space<vmem_shared>>
        tpu.enqueue_dma source(%dma_start3A_36 : memref<784x128xf32, #tpu.memory_space<vmem_shared>>) target(%dma_start3A_34 : memref<784x128xf32, #tpu.memory_space<hbm>>) target_semaphore(%run_scoped3A : memref<!tpu.dma_semaphore, #tpu.memory_space<semaphore_mem>>)
        %dma_wait3A = arith.constant 0 : i32
        %dma_wait3A_37 = tpu.memref_slice %arg6[%add3A_32, %dma_wait3A] : memref<100352x128xf32, #tpu.memory_space<hbm>> -> memref<784x128xf32, #tpu.memory_space<hbm>>
        %dma_wait3A_38 = arith.constant 0 : i32
        %dma_wait3A_39 = tpu.memref_slice %arg13[%mul3A_31, %dma_wait3A_38] : memref<12672x128xf32, #tpu.memory_space<vmem_shared>> -> memref<784x128xf32, #tpu.memory_space<vmem_shared>>
        tpu.wait_dma2 semaphore(%run_scoped3A : memref<!tpu.dma_semaphore, #tpu.memory_space<semaphore_mem>>) src(%dma_wait3A_39 : memref<784x128xf32, #tpu.memory_space<vmem_shared>>) dst(%dma_wait3A_37 : memref<784x128xf32, #tpu.memory_space<hbm>>)
        tpu.yield
      }) : () -> ()
      %barrier3A_33 = arith.constant 0 : index
      tpu.barrier barrier_id(%barrier3A_33)
    }
    %scan3A_5 = arith.constant 4 : i32
    return
  }
}

module attributes {stable_mosaic.version = 14 : i64} {
  func.func @body(%arg0: i32, %arg1: i32, %arg2: memref<1000x4xf32, #tpu.memory_space<vmem>>, %arg3: memref<1x4x128xf32, #tpu.memory_space<vmem>>, %arg4: memref<1000x128xf32, #tpu.memory_space<vmem>>) attributes {dimension_semantics = [#tpu.dimension_semantics<arbitrary>, #tpu.dimension_semantics<arbitrary>], iteration_bounds = array<i64: 7, 100>, scalar_prefetch = 0 : i64, scratch_operands = 0 : i64, tpu.core_type = #tpu.core_type<tc>, window_params = [{transform_indices = @transform_0, window_bounds = array<i64: 1000, 4>}, {transform_indices = @transform_1, window_bounds = array<i64: 1, 4, 128>}, {transform_indices = @transform_2, window_bounds = array<i64: 1000, 128>}]} {
    %get3A = arith.constant 0 : index
    %get3A_0 = arith.constant 0 : index
    %get3A_1 = vector.load %arg2[%get3A, %get3A_0] : memref<1000x4xf32, #tpu.memory_space<vmem>>, vector<1000x4xf32>
    %get3A_2 = arith.constant 0 : index
    %get3A_3 = arith.constant 0 : index
    %get3A_4 = arith.constant 0 : index
    %get3A_5 = vector.load %arg3[%get3A_2, %get3A_3, %get3A_4] : memref<1x4x128xf32, #tpu.memory_space<vmem>>, vector<1x4x128xf32>
    %get3A_6 = vector.shape_cast %get3A_5 : vector<1x4x128xf32> to vector<4x128xf32>
    %dot_general3A = arith.constant dense<0.000000e+00> : vector<1000x128xf32>
    %dot_general3A_7 = tpu.matmul %get3A_1, %get3A_6, %dot_general3A {dimension_numbers = #tpu.dot_dimension_numbers<[1], [0], [0], [1], [0, 0, 1, 1], [], []>, transpose_lhs_hint = false} : vector<1000x4xf32>, vector<4x128xf32>, vector<1000x128xf32> -> vector<1000x128xf32>
    %swap3A = arith.constant 0 : index
    %swap3A_8 = arith.constant 0 : index
    %swap3A_9 = vector.load %arg4[%swap3A, %swap3A_8] : memref<1000x128xf32, #tpu.memory_space<vmem>>, vector<1000x128xf32>
    tpu.vector_store %arg4[%swap3A, %swap3A_8], %dot_general3A_7 {strides = array<i32>} : memref<1000x128xf32, #tpu.memory_space<vmem>>, vector<1000x128xf32>,
    return
  }
  func.func @transform_0(%arg0: i32, %arg1: i32) -> (i32, i32) {
    %c0_i32 = arith.constant 0 : i32
    %c0_i32_0 = arith.constant 0 : i32
    return %arg1, %c0_i32 : i32, i32
  }
  func.func @transform_1(%arg0: i32, %arg1: i32) -> (i32, i32, i32) {
    %c0_i32 = arith.constant 0 : i32
    %c0_i32_0 = arith.constant 0 : i32
    %c0_i32_1 = arith.constant 0 : i32
    return %arg0, %c0_i32, %c0_i32_0 : i32, i32, i32
  }
  func.func @transform_2(%arg0: i32, %arg1: i32) -> (i32, i32) {
    %mul3A = arith.constant 100 : i32
    %mul3A_0 = arith.muli %arg0, %mul3A : i32
    %add3A = arith.addi %mul3A_0, %arg1 : i32
    %c0_i32 = arith.constant 0 : i32
    %c0_i32_1 = arith.constant 0 : i32
    return %add3A, %c0_i32 : i32, i32
  }
}

module attributes {stable_mosaic.version = 14 : i64} {
  func.func @body(%arg0: i32, %arg1: memref<2000x32xf32, #tpu.memory_space<vmem>>, %arg2: memref<1x32xf32, #tpu.memory_space<vmem>>, %arg3: memref<2000x32xf32, #tpu.memory_space<vmem>>) attributes {dimension_semantics = [#tpu.dimension_semantics<arbitrary>], iteration_bounds = array<i64: 50>, scalar_prefetch = 0 : i64, scratch_operands = 0 : i64, tpu.core_type = #tpu.core_type<tc>, window_params = [{transform_indices = @transform_0, window_bounds = array<i64: 2000, 32>}, {pipeline_mode = #tpu.pipeline_mode<synchronous>, transform_indices = @transform_1, window_bounds = array<i64: 1, 32>}, {transform_indices = @transform_2, window_bounds = array<i64: 2000, 32>}]} {
    %get3A = arith.constant 0 : index
    %get3A_0 = arith.constant 0 : index
    %get3A_1 = vector.load %arg1[%get3A, %get3A_0] : memref<2000x32xf32, #tpu.memory_space<vmem>>, vector<2000x32xf32>
    %get3A_2 = arith.constant 0 : index
    %get3A_3 = arith.constant 0 : index
    %get3A_4 = vector.load %arg2[%get3A_2, %get3A_3] : memref<1x32xf32, #tpu.memory_space<vmem>>, vector<1x32xf32>
    %add3A = vector.broadcast %get3A_4 : vector<1x32xf32> to vector<2000x32xf32>
    %add3A_5 = arith.addf %get3A_1, %add3A : vector<2000x32xf32>
    %integer_pow3A = arith.mulf %add3A_5, %add3A_5 : vector<2000x32xf32>
    %integer_pow3A_6 = arith.mulf %add3A_5, %integer_pow3A : vector<2000x32xf32>
    %mul3A = arith.constant 4.471500e-02 : f32
    %mul3A_7 = vector.broadcast %mul3A : f32 to vector<2000x32xf32>
    %mul3A_8 = arith.mulf %mul3A_7, %integer_pow3A_6 : vector<2000x32xf32>
    %add3A_9 = arith.addf %add3A_5, %mul3A_8 : vector<2000x32xf32>
    %mul3A_10 = arith.constant 0.797884583 : f32
    %mul3A_11 = vector.broadcast %mul3A_10 : f32 to vector<2000x32xf32>
    %mul3A_12 = arith.mulf %mul3A_11, %add3A_9 : vector<2000x32xf32>
    %tanh3A = math.tanh %mul3A_12 : vector<2000x32xf32>
    %add3A_13 = arith.constant 1.000000e+00 : f32
    %add3A_14 = vector.broadcast %add3A_13 : f32 to vector<2000x32xf32>
    %add3A_15 = arith.addf %add3A_14, %tanh3A : vector<2000x32xf32>
    %mul3A_16 = arith.constant 5.000000e-01 : f32
    %mul3A_17 = vector.broadcast %mul3A_16 : f32 to vector<2000x32xf32>
    %mul3A_18 = arith.mulf %mul3A_17, %add3A_15 : vector<2000x32xf32>
    %mul3A_19 = arith.mulf %add3A_5, %mul3A_18 : vector<2000x32xf32>
    %swap3A = arith.constant 0 : index
    %swap3A_20 = arith.constant 0 : index
    %swap3A_21 = vector.load %arg3[%swap3A, %swap3A_20] : memref<2000x32xf32, #tpu.memory_space<vmem>>, vector<2000x32xf32>
    tpu.vector_store %arg3[%swap3A, %swap3A_20], %mul3A_19 {strides = array<i32>} : memref<2000x32xf32, #tpu.memory_space<vmem>>, vector<2000x32xf32>,
    return
  }
  func.func @transform_0(%arg0: i32) -> (i32, i32) {
    %c0_i32 = arith.constant 0 : i32
    %c0_i32_0 = arith.constant 0 : i32
    return %arg0, %c0_i32 : i32, i32
  }
  func.func @transform_1(%arg0: i32) -> (i32, i32) {
    %c0_i32 = arith.constant 0 : i32
    %c0_i32_0 = arith.constant 0 : i32
    %c0_i32_1 = arith.constant 0 : i32
    return %c0_i32, %c0_i32_0 : i32, i32
  }
  func.func @transform_2(%arg0: i32) -> (i32, i32) {
    %c0_i32 = arith.constant 0 : i32
    %c0_i32_0 = arith.constant 0 : i32
    return %arg0, %c0_i32 : i32, i32
  }
}

module attributes {stable_mosaic.version = 14 : i64} {
  func.func @body(%arg0: i32, %arg1: i32, %arg2: memref<1000x32xf32, #tpu.memory_space<vmem>>, %arg3: memref<1x32x128xf32, #tpu.memory_space<vmem>>, %arg4: memref<1000x128xf32, #tpu.memory_space<vmem>>) attributes {dimension_semantics = [#tpu.dimension_semantics<arbitrary>, #tpu.dimension_semantics<arbitrary>], iteration_bounds = array<i64: 7, 100>, scalar_prefetch = 0 : i64, scratch_operands = 0 : i64, tpu.core_type = #tpu.core_type<tc>, window_params = [{transform_indices = @transform_0, window_bounds = array<i64: 1000, 32>}, {transform_indices = @transform_1, window_bounds = array<i64: 1, 32, 128>}, {transform_indices = @transform_2, window_bounds = array<i64: 1000, 128>}]} {
    %get3A = arith.constant 0 : index
    %get3A_0 = arith.constant 0 : index
    %get3A_1 = vector.load %arg2[%get3A, %get3A_0] : memref<1000x32xf32, #tpu.memory_space<vmem>>, vector<1000x32xf32>
    %get3A_2 = arith.constant 0 : index
    %get3A_3 = arith.constant 0 : index
    %get3A_4 = arith.constant 0 : index
    %get3A_5 = vector.load %arg3[%get3A_2, %get3A_3, %get3A_4] : memref<1x32x128xf32, #tpu.memory_space<vmem>>, vector<1x32x128xf32>
    %get3A_6 = vector.shape_cast %get3A_5 : vector<1x32x128xf32> to vector<32x128xf32>
    %dot_general3A = arith.constant dense<0.000000e+00> : vector<1000x128xf32>
    %dot_general3A_7 = tpu.matmul %get3A_1, %get3A_6, %dot_general3A {dimension_numbers = #tpu.dot_dimension_numbers<[1], [0], [0], [1], [0, 0, 1, 1], [], []>, transpose_lhs_hint = false} : vector<1000x32xf32>, vector<32x128xf32>, vector<1000x128xf32> -> vector<1000x128xf32>
    %swap3A = arith.constant 0 : index
    %swap3A_8 = arith.constant 0 : index
    %swap3A_9 = vector.load %arg4[%swap3A, %swap3A_8] : memref<1000x128xf32, #tpu.memory_space<vmem>>, vector<1000x128xf32>
    tpu.vector_store %arg4[%swap3A, %swap3A_8], %dot_general3A_7 {strides = array<i32>} : memref<1000x128xf32, #tpu.memory_space<vmem>>, vector<1000x128xf32>,
    return
  }
  func.func @transform_0(%arg0: i32, %arg1: i32) -> (i32, i32) {
    %c0_i32 = arith.constant 0 : i32
    %c0_i32_0 = arith.constant 0 : i32
    return %arg1, %c0_i32 : i32, i32
  }
  func.func @transform_1(%arg0: i32, %arg1: i32) -> (i32, i32, i32) {
    %c0_i32 = arith.constant 0 : i32
    %c0_i32_0 = arith.constant 0 : i32
    %c0_i32_1 = arith.constant 0 : i32
    return %arg0, %c0_i32, %c0_i32_0 : i32, i32, i32
  }
  func.func @transform_2(%arg0: i32, %arg1: i32) -> (i32, i32) {
    %mul3A = arith.constant 100 : i32
    %mul3A_0 = arith.muli %arg0, %mul3A : i32
    %add3A = arith.addi %mul3A_0, %arg1 : i32
    %c0_i32 = arith.constant 0 : i32
    %c0_i32_1 = arith.constant 0 : i32
    return %add3A, %c0_i32 : i32, i32
  }
}

module attributes {stable_mosaic.version = 14 : i64} {
  func.func @body(%arg0: i32, %arg1: memref<2000x32xf32, #tpu.memory_space<vmem>>, %arg2: memref<2000x32xf32, #tpu.memory_space<vmem>>, %arg3: memref<1x32xf32, #tpu.memory_space<vmem>>, %arg4: memref<2000x32xf32, #tpu.memory_space<vmem>>) attributes {dimension_semantics = [#tpu.dimension_semantics<arbitrary>], iteration_bounds = array<i64: 50>, scalar_prefetch = 0 : i64, scratch_operands = 0 : i64, tpu.core_type = #tpu.core_type<tc>, window_params = [{transform_indices = @transform_0, window_bounds = array<i64: 2000, 32>}, {transform_indices = @transform_1, window_bounds = array<i64: 2000, 32>}, {pipeline_mode = #tpu.pipeline_mode<synchronous>, transform_indices = @transform_2, window_bounds = array<i64: 1, 32>}, {transform_indices = @transform_3, window_bounds = array<i64: 2000, 32>}]} {
    %get3A = arith.constant 0 : index
    %get3A_0 = arith.constant 0 : index
    %get3A_1 = vector.load %arg1[%get3A, %get3A_0] : memref<2000x32xf32, #tpu.memory_space<vmem>>, vector<2000x32xf32>
    %get3A_2 = arith.constant 0 : index
    %get3A_3 = arith.constant 0 : index
    %get3A_4 = vector.load %arg2[%get3A_2, %get3A_3] : memref<2000x32xf32, #tpu.memory_space<vmem>>, vector<2000x32xf32>
    %add3A = arith.addf %get3A_1, %get3A_4 : vector<2000x32xf32>
    %get3A_5 = arith.constant 0 : index
    %get3A_6 = arith.constant 0 : index
    %get3A_7 = vector.load %arg3[%get3A_5, %get3A_6] : memref<1x32xf32, #tpu.memory_space<vmem>>, vector<1x32xf32>
    %add3A_8 = vector.broadcast %get3A_7 : vector<1x32xf32> to vector<2000x32xf32>
    %add3A_9 = arith.addf %add3A, %add3A_8 : vector<2000x32xf32>
    %integer_pow3A = arith.mulf %add3A_9, %add3A_9 : vector<2000x32xf32>
    %integer_pow3A_10 = arith.mulf %add3A_9, %integer_pow3A : vector<2000x32xf32>
    %mul3A = arith.constant 4.471500e-02 : f32
    %mul3A_11 = vector.broadcast %mul3A : f32 to vector<2000x32xf32>
    %mul3A_12 = arith.mulf %mul3A_11, %integer_pow3A_10 : vector<2000x32xf32>
    %add3A_13 = arith.addf %add3A_9, %mul3A_12 : vector<2000x32xf32>
    %mul3A_14 = arith.constant 0.797884583 : f32
    %mul3A_15 = vector.broadcast %mul3A_14 : f32 to vector<2000x32xf32>
    %mul3A_16 = arith.mulf %mul3A_15, %add3A_13 : vector<2000x32xf32>
    %tanh3A = math.tanh %mul3A_16 : vector<2000x32xf32>
    %add3A_17 = arith.constant 1.000000e+00 : f32
    %add3A_18 = vector.broadcast %add3A_17 : f32 to vector<2000x32xf32>
    %add3A_19 = arith.addf %add3A_18, %tanh3A : vector<2000x32xf32>
    %mul3A_20 = arith.constant 5.000000e-01 : f32
    %mul3A_21 = vector.broadcast %mul3A_20 : f32 to vector<2000x32xf32>
    %mul3A_22 = arith.mulf %mul3A_21, %add3A_19 : vector<2000x32xf32>
    %mul3A_23 = arith.mulf %add3A_9, %mul3A_22 : vector<2000x32xf32>
    %swap3A = arith.constant 0 : index
    %swap3A_24 = arith.constant 0 : index
    %swap3A_25 = vector.load %arg4[%swap3A, %swap3A_24] : memref<2000x32xf32, #tpu.memory_space<vmem>>, vector<2000x32xf32>
    tpu.vector_store %arg4[%swap3A, %swap3A_24], %mul3A_23 {strides = array<i32>} : memref<2000x32xf32, #tpu.memory_space<vmem>>, vector<2000x32xf32>,
    return
  }
  func.func @transform_0(%arg0: i32) -> (i32, i32) {
    %c0_i32 = arith.constant 0 : i32
    %c0_i32_0 = arith.constant 0 : i32
    return %arg0, %c0_i32 : i32, i32
  }
  func.func @transform_1(%arg0: i32) -> (i32, i32) {
    %c0_i32 = arith.constant 0 : i32
    %c0_i32_0 = arith.constant 0 : i32
    return %arg0, %c0_i32 : i32, i32
  }
  func.func @transform_2(%arg0: i32) -> (i32, i32) {
    %c0_i32 = arith.constant 0 : i32
    %c0_i32_0 = arith.constant 0 : i32
    %c0_i32_1 = arith.constant 0 : i32
    return %c0_i32, %c0_i32_0 : i32, i32
  }
  func.func @transform_3(%arg0: i32) -> (i32, i32) {
    %c0_i32 = arith.constant 0 : i32
    %c0_i32_0 = arith.constant 0 : i32
    return %arg0, %c0_i32 : i32, i32
  }
}

module attributes {stable_mosaic.version = 14 : i64} {
  func.func @body(%arg0: i32, %arg1: memref<2000x32xf32, #tpu.memory_space<vmem>>, %arg2: memref<32x32xf32, #tpu.memory_space<vmem>>, %arg3: memref<1x32xf32, #tpu.memory_space<vmem>>, %arg4: memref<32x2xf32, #tpu.memory_space<vmem>>, %arg5: memref<1x2xf32, #tpu.memory_space<vmem>>, %arg6: memref<32x32xf32, #tpu.memory_space<vmem>>, %arg7: memref<1x32xf32, #tpu.memory_space<vmem>>, %arg8: memref<32x4xf32, #tpu.memory_space<vmem>>, %arg9: memref<1x4xf32, #tpu.memory_space<vmem>>, %arg10: memref<2000x6xf32, #tpu.memory_space<vmem>>) attributes {dimension_semantics = [#tpu.dimension_semantics<arbitrary>], iteration_bounds = array<i64: 50>, scalar_prefetch = 0 : i64, scratch_operands = 0 : i64, tpu.core_type = #tpu.core_type<tc>, window_params = [{transform_indices = @transform_0, window_bounds = array<i64: 2000, 32>}, {pipeline_mode = #tpu.pipeline_mode<synchronous>, transform_indices = @transform_1, window_bounds = array<i64: 32, 32>}, {pipeline_mode = #tpu.pipeline_mode<synchronous>, transform_indices = @transform_2, window_bounds = array<i64: 1, 32>}, {pipeline_mode = #tpu.pipeline_mode<synchronous>, transform_indices = @transform_3, window_bounds = array<i64: 32, 2>}, {pipeline_mode = #tpu.pipeline_mode<synchronous>, transform_indices = @transform_4, window_bounds = array<i64: 1, 2>}, {pipeline_mode = #tpu.pipeline_mode<synchronous>, transform_indices = @transform_5, window_bounds = array<i64: 32, 32>}, {pipeline_mode = #tpu.pipeline_mode<synchronous>, transform_indices = @transform_6, window_bounds = array<i64: 1, 32>}, {pipeline_mode = #tpu.pipeline_mode<synchronous>, transform_indices = @transform_7, window_bounds = array<i64: 32, 4>}, {pipeline_mode = #tpu.pipeline_mode<synchronous>, transform_indices = @transform_8, window_bounds = array<i64: 1, 4>}, {transform_indices = @transform_9, window_bounds = array<i64: 2000, 6>}]} {
    %get3A = arith.constant 0 : index
    %get3A_0 = arith.constant 0 : index
    %get3A_1 = vector.load %arg1[%get3A, %get3A_0] : memref<2000x32xf32, #tpu.memory_space<vmem>>, vector<2000x32xf32>
    %get3A_2 = arith.constant 0 : index
    %get3A_3 = arith.constant 0 : index
    %get3A_4 = vector.load %arg2[%get3A_2, %get3A_3] : memref<32x32xf32, #tpu.memory_space<vmem>>, vector<32x32xf32>
    %dot_general3A = arith.constant dense<0.000000e+00> : vector<2000x32xf32>
    %dot_general3A_5 = tpu.matmul %get3A_1, %get3A_4, %dot_general3A {dimension_numbers = #tpu.dot_dimension_numbers<[1], [0], [0], [1], [0, 0, 1, 1], [], []>, transpose_lhs_hint = false} : vector<2000x32xf32>, vector<32x32xf32>, vector<2000x32xf32> -> vector<2000x32xf32>
    %get3A_6 = arith.constant 0 : index
    %get3A_7 = arith.constant 0 : index
    %get3A_8 = vector.load %arg3[%get3A_6, %get3A_7] : memref<1x32xf32, #tpu.memory_space<vmem>>, vector<1x32xf32>
    %add3A = vector.broadcast %get3A_8 : vector<1x32xf32> to vector<2000x32xf32>
    %add3A_9 = arith.addf %dot_general3A_5, %add3A : vector<2000x32xf32>
    %integer_pow3A = arith.mulf %add3A_9, %add3A_9 : vector<2000x32xf32>
    %integer_pow3A_10 = arith.mulf %add3A_9, %integer_pow3A : vector<2000x32xf32>
    %mul3A = arith.constant 4.471500e-02 : f32
    %mul3A_11 = vector.broadcast %mul3A : f32 to vector<2000x32xf32>
    %mul3A_12 = arith.mulf %mul3A_11, %integer_pow3A_10 : vector<2000x32xf32>
    %add3A_13 = arith.addf %add3A_9, %mul3A_12 : vector<2000x32xf32>
    %mul3A_14 = arith.constant 0.797884583 : f32
    %mul3A_15 = vector.broadcast %mul3A_14 : f32 to vector<2000x32xf32>
    %mul3A_16 = arith.mulf %mul3A_15, %add3A_13 : vector<2000x32xf32>
    %tanh3A = math.tanh %mul3A_16 : vector<2000x32xf32>
    %add3A_17 = arith.constant 1.000000e+00 : f32
    %add3A_18 = vector.broadcast %add3A_17 : f32 to vector<2000x32xf32>
    %add3A_19 = arith.addf %add3A_18, %tanh3A : vector<2000x32xf32>
    %mul3A_20 = arith.constant 5.000000e-01 : f32
    %mul3A_21 = vector.broadcast %mul3A_20 : f32 to vector<2000x32xf32>
    %mul3A_22 = arith.mulf %mul3A_21, %add3A_19 : vector<2000x32xf32>
    %mul3A_23 = arith.mulf %add3A_9, %mul3A_22 : vector<2000x32xf32>
    %get3A_24 = arith.constant 0 : index
    %get3A_25 = arith.constant 0 : index
    %get3A_26 = vector.load %arg4[%get3A_24, %get3A_25] : memref<32x2xf32, #tpu.memory_space<vmem>>, vector<32x2xf32>
    %dot_general3A_27 = arith.constant dense<0.000000e+00> : vector<2000x2xf32>
    %dot_general3A_28 = tpu.matmul %mul3A_23, %get3A_26, %dot_general3A_27 {dimension_numbers = #tpu.dot_dimension_numbers<[1], [0], [0], [1], [0, 0, 1, 1], [], []>, transpose_lhs_hint = false} : vector<2000x32xf32>, vector<32x2xf32>, vector<2000x2xf32> -> vector<2000x2xf32>
    %get3A_29 = arith.constant 0 : index
    %get3A_30 = arith.constant 0 : index
    %get3A_31 = vector.load %arg5[%get3A_29, %get3A_30] : memref<1x2xf32, #tpu.memory_space<vmem>>, vector<1x2xf32>
    %add3A_32 = vector.broadcast %get3A_31 : vector<1x2xf32> to vector<2000x2xf32>
    %add3A_33 = arith.addf %dot_general3A_28, %add3A_32 : vector<2000x2xf32>
    %get3A_34 = arith.constant 0 : index
    %get3A_35 = arith.constant 0 : index
    %get3A_36 = vector.load %arg6[%get3A_34, %get3A_35] : memref<32x32xf32, #tpu.memory_space<vmem>>, vector<32x32xf32>
    %dot_general3A_37 = arith.constant dense<0.000000e+00> : vector<2000x32xf32>
    %dot_general3A_38 = tpu.matmul %get3A_1, %get3A_36, %dot_general3A_37 {dimension_numbers = #tpu.dot_dimension_numbers<[1], [0], [0], [1], [0, 0, 1, 1], [], []>, transpose_lhs_hint = false} : vector<2000x32xf32>, vector<32x32xf32>, vector<2000x32xf32> -> vector<2000x32xf32>
    %get3A_39 = arith.constant 0 : index
    %get3A_40 = arith.constant 0 : index
    %get3A_41 = vector.load %arg7[%get3A_39, %get3A_40] : memref<1x32xf32, #tpu.memory_space<vmem>>, vector<1x32xf32>
    %add3A_42 = vector.broadcast %get3A_41 : vector<1x32xf32> to vector<2000x32xf32>
    %add3A_43 = arith.addf %dot_general3A_38, %add3A_42 : vector<2000x32xf32>
    %integer_pow3A_44 = arith.mulf %add3A_43, %add3A_43 : vector<2000x32xf32>
    %integer_pow3A_45 = arith.mulf %add3A_43, %integer_pow3A_44 : vector<2000x32xf32>
    %mul3A_46 = arith.constant 4.471500e-02 : f32
    %mul3A_47 = vector.broadcast %mul3A_46 : f32 to vector<2000x32xf32>
    %mul3A_48 = arith.mulf %mul3A_47, %integer_pow3A_45 : vector<2000x32xf32>
    %add3A_49 = arith.addf %add3A_43, %mul3A_48 : vector<2000x32xf32>
    %mul3A_50 = arith.constant 0.797884583 : f32
    %mul3A_51 = vector.broadcast %mul3A_50 : f32 to vector<2000x32xf32>
    %mul3A_52 = arith.mulf %mul3A_51, %add3A_49 : vector<2000x32xf32>
    %tanh3A_53 = math.tanh %mul3A_52 : vector<2000x32xf32>
    %add3A_54 = arith.constant 1.000000e+00 : f32
    %add3A_55 = vector.broadcast %add3A_54 : f32 to vector<2000x32xf32>
    %add3A_56 = arith.addf %add3A_55, %tanh3A_53 : vector<2000x32xf32>
    %mul3A_57 = arith.constant 5.000000e-01 : f32
    %mul3A_58 = vector.broadcast %mul3A_57 : f32 to vector<2000x32xf32>
    %mul3A_59 = arith.mulf %mul3A_58, %add3A_56 : vector<2000x32xf32>
    %mul3A_60 = arith.mulf %add3A_43, %mul3A_59 : vector<2000x32xf32>
    %get3A_61 = arith.constant 0 : index
    %get3A_62 = arith.constant 0 : index
    %get3A_63 = vector.load %arg8[%get3A_61, %get3A_62] : memref<32x4xf32, #tpu.memory_space<vmem>>, vector<32x4xf32>
    %dot_general3A_64 = arith.constant dense<0.000000e+00> : vector<2000x4xf32>
    %dot_general3A_65 = tpu.matmul %mul3A_60, %get3A_63, %dot_general3A_64 {dimension_numbers = #tpu.dot_dimension_numbers<[1], [0], [0], [1], [0, 0, 1, 1], [], []>, transpose_lhs_hint = false} : vector<2000x32xf32>, vector<32x4xf32>, vector<2000x4xf32> -> vector<2000x4xf32>
    %get3A_66 = arith.constant 0 : index
    %get3A_67 = arith.constant 0 : index
    %get3A_68 = vector.load %arg9[%get3A_66, %get3A_67] : memref<1x4xf32, #tpu.memory_space<vmem>>, vector<1x4xf32>
    %add3A_69 = vector.broadcast %get3A_68 : vector<1x4xf32> to vector<2000x4xf32>
    %add3A_70 = arith.addf %dot_general3A_65, %add3A_69 : vector<2000x4xf32>
    %concatenate3A = tpu.concatenate %add3A_33, %add3A_70 in 1 : vector<2000x2xf32>, vector<2000x4xf32> -> vector<2000x6xf32>
    %swap3A = arith.constant 0 : index
    %swap3A_71 = arith.constant 0 : index
    %swap3A_72 = vector.load %arg10[%swap3A, %swap3A_71] : memref<2000x6xf32, #tpu.memory_space<vmem>>, vector<2000x6xf32>
    tpu.vector_store %arg10[%swap3A, %swap3A_71], %concatenate3A {strides = array<i32>} : memref<2000x6xf32, #tpu.memory_space<vmem>>, vector<2000x6xf32>,
    return
  }
  func.func @transform_0(%arg0: i32) -> (i32, i32) {
    %c0_i32 = arith.constant 0 : i32
    %c0_i32_0 = arith.constant 0 : i32
    return %arg0, %c0_i32 : i32, i32
  }
  func.func @transform_1(%arg0: i32) -> (i32, i32) {
    %c0_i32 = arith.constant 0 : i32
    %c0_i32_0 = arith.constant 0 : i32
    %c0_i32_1 = arith.constant 0 : i32
    return %c0_i32, %c0_i32_0 : i32, i32
  }
  func.func @transform_2(%arg0: i32) -> (i32, i32) {
    %c0_i32 = arith.constant 0 : i32
    %c0_i32_0 = arith.constant 0 : i32
    %c0_i32_1 = arith.constant 0 : i32
    return %c0_i32, %c0_i32_0 : i32, i32
  }
  func.func @transform_3(%arg0: i32) -> (i32, i32) {
    %c0_i32 = arith.constant 0 : i32
    %c0_i32_0 = arith.constant 0 : i32
    %c0_i32_1 = arith.constant 0 : i32
    return %c0_i32, %c0_i32_0 : i32, i32
  }
  func.func @transform_4(%arg0: i32) -> (i32, i32) {
    %c0_i32 = arith.constant 0 : i32
    %c0_i32_0 = arith.constant 0 : i32
    %c0_i32_1 = arith.constant 0 : i32
    return %c0_i32, %c0_i32_0 : i32, i32
  }
  func.func @transform_5(%arg0: i32) -> (i32, i32) {
    %c0_i32 = arith.constant 0 : i32
    %c0_i32_0 = arith.constant 0 : i32
    %c0_i32_1 = arith.constant 0 : i32
    return %c0_i32, %c0_i32_0 : i32, i32
  }
  func.func @transform_6(%arg0: i32) -> (i32, i32) {
    %c0_i32 = arith.constant 0 : i32
    %c0_i32_0 = arith.constant 0 : i32
    %c0_i32_1 = arith.constant 0 : i32
    return %c0_i32, %c0_i32_0 : i32, i32
  }
  func.func @transform_7(%arg0: i32) -> (i32, i32) {
    %c0_i32 = arith.constant 0 : i32
    %c0_i32_0 = arith.constant 0 : i32
    %c0_i32_1 = arith.constant 0 : i32
    return %c0_i32, %c0_i32_0 : i32, i32
  }
  func.func @transform_8(%arg0: i32) -> (i32, i32) {
    %c0_i32 = arith.constant 0 : i32
    %c0_i32_0 = arith.constant 0 : i32
    %c0_i32_1 = arith.constant 0 : i32
    return %c0_i32, %c0_i32_0 : i32, i32
  }
  func.func @transform_9(%arg0: i32) -> (i32, i32) {
    %c0_i32 = arith.constant 0 : i32
    %c0_i32_0 = arith.constant 0 : i32
    return %arg0, %c0_i32 : i32, i32
  }
}

</mosaic_0001>

<sc_bundles>
// kernel: kernel.12.cloned.1.call-start
scs
__scs_entry_jumppad:
0x0: {  	(pc) =	sbr.rel $0x88, $3  }
0x1: {  	(tag) =	ssettag $0x0;
	lr =	simm.s32 $0x1  }
0x2: {  	[smem:$0x3F90] =	sst lr;
	_ =	strace $0xD0000000  }
0x3: {  	_ = 	snop  }
0x4: {  	_ = 	snop  }
0x5: {  	_ = 	snop  }
0x6: {  	_ = 	snop  }
0x7: {  	_ = 	snop  }
__scs_overlays_trampoline_lowered:
0x8: {  	[smem:$0x3F9F] =	sst s0  }
0x9: {  	[smem:$0x3FA0] =	sst s1  }
0xa: {  	[smem:$0x3FA1] =	sst s2  }
0xb: {  	[smem:$0x3FA2] =	sst s3  }
0xc: {  	[smem:$0x3FA3] =	sst s4  }
0xd: {  	[smem:$0x3FA4] =	sst s5  }
0xe: {  	[smem:$0x3FA5] =	sst s6  }
0xf: {  	[smem:$0x3FA6] =	sst s7  }
0x10: {  	[smem:$0x3FA7] =	sst s8  }
0x11: {  	[smem:$0x3FA8] =	sst s9;
	s0 =	simm.s32 @!p0 $0x0  }
0x12: {  	s1 =	sld [smem:$0x3F8E];
	s0 =	simm.s32 @p0 $0x1  }
0x13: {  	[smem:$0x3FA9] =	sst s0;
	s0 =	simm.s32 @!p1 $0x0  }
0x14: {  	s2 =	sld [smem:$0x3F8D];
	s0 =	simm.s32 @p1 $0x1  }
0x15: {  	[smem:$0x3FAA] =	sst s0;
	s0 =	simm.s32 @!p2 $0x0  }
0x16: {  	s3 =	sld [smem:$0x3FDB];
	s0 =	simm.s32 @p2 $0x1  }
0x17: {  	s4 =	simm.s32 $0x1BF5;
	[smem:$0x3FAC] =	sst s0  }
0x18: {  	s0 =	sld [smem:$0x3F8F];
	_ =	swait.ge [sflag:s4], $0x0  }
0x19: {  	s7 =	sld [smem:$0x3F90]  }
0x1a: {  	s8 =	sadd.s32 $0xFFFFE003, lr  }
0x1b: {  	s9 =	sadd.s32 $0xFFFFFEF7, lr;
	s5 =	simm.s32 $0xFFFFFFFF;
	p2 =	slt.u32 s8, $0xFFFFF086  }
0x1c: {  	p1 =	slt.u32 s9, $0xF7A;
	s5 =	simm.s32 @!p2 $0x0  }
0x1d: {  	s5 =	simm.s32 @p1 $0x1;
	p0 =	seq.s32 s7, s2  }
0x1e: {  	s7 =	smul.u32 @!p0 $0xF7A, s2;
	p2 =	seq.s32 @!p0 s5, $0x0  }
0x1f: {  	s9 =	smul.u32 $0xF7A, s1;
	s8 =	simm.s32 @!p0 $0x1BF5;
	p2 =	por !p2, p0  }
0x20: {  	[sflag:s8] =	ssyncset.s32 @!p0 $0xFFFFF086;
	s6 =	sadd.s32 @!p0 s3, s7;
	s7 =	simm.s32 @!p0 $0x108  }
0x21: {  	s3 =	sadd.s32 s3, s9;
	s6 =	sadd.s32 @!p0 $0x88, s6;
	s7 =	simm.s32 @p2 $0x1082  }
0x22: {  	[simem:s7], [sflag:s8] =	dma.local @!p0 [hbm:s6], $0xF7A  }
0x23: {  	s9 =	sor.u32 $0xD0000000, s2;
	s6 =	simm.s32 $0x108;
	_ =	swait.ge @!p0 [sflag:s8], $0x0  }
0x24: {  	s3 =	sadd.s32 $0x88, s3;
	s6 =	simm.s32 @!p1 $0x1082;
	[sflag:s4] =	ssyncset.s32 $0xFFFFF086  }
0x25: {  	[simem:s6], [sflag:s4] =	dma.local [hbm:s3], $0xF7A  }
0x26: {  	[smem:$0x3F90] =	sst s1;
	(tag) =	ssettag s2;
	_ =	strace s9  }
0x27: {  	s1 =	sld [smem:$0x3FA0]  }
0x28: {  	s2 =	sld [smem:$0x3FA1]  }
0x29: {  	s4 =	sld [smem:$0x3FA3]  }
0x2a: {  	p0 =	seq.s32 s5, $0x0;
	s5 =	sld [smem:$0x3FA4]  }
0x2b: {  	s6 =	sld [smem:$0x3FA5]  }
0x2c: {  	s7 =	sld [smem:$0x3FA6]  }
0x2d: {  	s3 =	simm.s32 $0x108;
	s8 =	sld [smem:$0x3FA7]  }
0x2e: {  	s3 =	simm.s32 @!p0 $0x1082;
	s9 =	sld [smem:$0x3FA8]  }
0x2f: {  	lr =	sadd.s32 s0, s3;
	s0 =	sld [smem:$0x3F9F]  }
0x30: {  	s3 =	sld [smem:$0x3FA2]  }
0x31: {  	[smem:$0x3FAB] =	sst s10  }
0x32: {  	s10 =	sld [smem:$0x3FA9];
	_ =	sdelay $0x3  }
0x33: {  	p0 =	seq.s32 s10, $0x1;
	s10 =	sld [smem:$0x3FAB];
	_ =	sdelay $0x3  }
0x34: {  	[smem:$0x3FAB] =	sst s10  }
0x35: {  	s10 =	sld [smem:$0x3FAA];
	_ =	sdelay $0x3  }
0x36: {  	p1 =	seq.s32 s10, $0x1;
	s10 =	sld [smem:$0x3FAB];
	_ =	sdelay $0x3  }
0x37: {  	[smem:$0x3FAB] =	sst s10  }
0x38: {  	s10 =	sld [smem:$0x3FAC]  }
0x39: {  	_ = 	snop;
	(pc) =	sbr.ind lr, $3  }
0x3a: {  	_ = 	snop  }
0x3b: {  	_ = 	snop  }
0x3c: {  	p2 =	seq.s32 s10, $0x1;
	s10 =	sld [smem:$0x3FAB]  }
0x3d: {  	_ =	shalt  }
0x3e: {  	_ =	shalt  }
0x3f: {  	_ =	shalt  }
0x40: {  	_ =	shalt  }
0x41: {  	_ =	shalt  }
0x42: {  	_ =	shalt  }
0x43: {  	_ =	shalt  }
0x44: {  	_ =	shalt  }
0x45: {  	_ =	shalt  }
0x46: {  	_ =	shalt  }
0x47: {  	_ =	shalt  }
0x48: {  	_ =	shalt  }
0x49: {  	_ =	shalt  }
0x4a: {  	_ =	shalt  }
0x4b: {  	_ =	shalt  }
0x4c: {  	_ =	shalt  }
0x4d: {  	_ =	shalt  }
0x4e: {  	_ =	shalt  }
0x4f: {  	_ =	shalt  }
0x50: {  	_ =	shalt  }
0x51: {  	_ =	shalt  }
0x52: {  	_ =	shalt  }
0x53: {  	_ =	shalt  }
0x54: {  	_ =	shalt  }
0x55: {  	_ =	shalt  }
0x56: {  	_ =	shalt  }
0x57: {  	_ =	shalt  }
0x58: {  	_ =	shalt  }
0x59: {  	_ =	shalt  }
0x5a: {  	_ =	shalt  }
0x5b: {  	_ =	shalt  }
0x5c: {  	_ =	shalt  }
0x5d: {  	_ =	shalt  }
0x5e: {  	_ =	shalt  }
0x5f: {  	_ =	shalt  }
0x60: {  	_ =	shalt  }
0x61: {  	_ =	shalt  }
0x62: {  	_ =	shalt  }
0x63: {  	_ =	shalt  }
0x64: {  	_ =	shalt  }
0x65: {  	_ =	shalt  }
0x66: {  	_ =	shalt  }
0x67: {  	_ =	shalt  }
0x68: {  	_ =	shalt  }
0x69: {  	_ =	shalt  }
0x6a: {  	_ =	shalt  }
0x6b: {  	_ =	shalt  }
0x6c: {  	_ =	shalt  }
0x6d: {  	_ =	shalt  }
0x6e: {  	_ =	shalt  }
0x6f: {  	_ =	shalt  }
0x70: {  	_ =	shalt  }
0x71: {  	_ =	shalt  }
0x72: {  	_ =	shalt  }
0x73: {  	_ =	shalt  }
0x74: {  	_ =	shalt  }
0x75: {  	_ =	shalt  }
0x76: {  	_ =	shalt  }
0x77: {  	_ =	shalt  }
0x78: {  	_ =	shalt  }
0x79: {  	_ =	shalt  }
0x7a: {  	_ =	shalt  }
0x7b: {  	_ =	shalt  }
0x7c: {  	_ =	shalt  }
0x7d: {  	_ =	shalt  }
0x7e: {  	_ =	shalt  }
0x7f: {  	_ =	shalt  }
0x80: {  	_ =	shalt  }
0x81: {  	_ =	shalt  }
0x82: {  	_ =	shalt  }
0x83: {  	_ =	shalt  }
0x84: {  	_ =	shalt  }
0x85: {  	_ =	shalt  }
0x86: {  	_ =	shalt  }
0x87: {  	_ =	shalt  }
.Lfunc_end0:
.L_simem_size_0:
called_computation_lowered:
.L_overlay_start_0:
0x88: {  	s2 =	sld [smem:$0x3FD9]  }
0x89: {  	s3 =	sld [smem:$0x3FFE];
	_ =	sdelay $0x1  }
0x8a: {  	s1 =	srdreg.scid  }
0x8b: {  	s0 =	sand.u32 $0x1, s1  }
0x8c: {  	s16 =	sshll.u32 s0, $0xA;
	s2 =	sadd.s32 s3, s2  }
0x8d: {  	s2 =	sadd.s32 s2, s16  }
0x8e: {  	[smem:$0x3FB7] =	sst s2  }
0x8f: {  	_ = 	snop  }
0x90: {  	(tm) =	ssettm $0x1  }
0x91: {  	s17 =	sld [smem:$0x3FFB];
	_ =	sdelay $0x3  }
0x92: {  	_ =	strace s17  }
0x93: {  	s2 =	sld [smem:$0x3FFC];
	_ =	sdelay $0x3  }
0x94: {  	_ =	strace s2  }
0x95: {  	s2 =	sld [smem:$0x3FFD];
	_ =	sdelay $0x3  }
0x96: {  	_ =	strace s2  }
0x97: {  	_ =	strace $0x8FFFFFFF  }
0x98: {  	s18 =	sld [smem:$0x3FDB];
	_ =	sdelay $0x1  }
0x99: {  	s19 =	simm.s32 $_scs_section_size  }
0x9a: {  	s4 =	simm.s32 $_size__tile_overlayer_lowered;
	s5 =	simm.s32 $_tile_overlayer_lowered  }
0x9b: {  	s22 =	simm.s32 $0x1BFF;
	s21 =	sshll.u32 s5, $0x1;
	s2 =	sadd.s32 s19, s18  }
0x9c: {  	s6 =	simm.s32 $0x0;
	s20 =	sshll.u32 s4, $0x1;
	s4 =	sadd.s32 s21, s2  }
0x9d: {  	[timem:s6], [sflag:s22] =	dma.local [hbm:s4], s20  }
0x9e: {  	_ =	swait.ge [sflag:s22], s20  }
0x9f: {  	s3 =	ssub.s32 $0x0, s20;
	[sflag:s22] =	ssyncset.done $0x0  }
0xa0: {  	[sflag:s22] =	ssyncadd.s32 s3;
	_ =	sdelay $0x1  }
0xa1: {  	s23 =	simm.s32 $0x1B8B  }
0xa2: {  	_ =	swait.ge [sflag:s23], $0x1  }
0xa3: {  	[sflag:s23] =	ssyncset.done $0x0  }
0xa4: {  	s25 =	simm.s32 $0x1B8E;
	s24 =	sld [smem:$0x3FFE];
	[sflag:s23] =	ssyncadd.s32 $0xFFFFFFFF  }
0xa5: {  	s26 =	simm.s32 $execute0_lowered;
	[smem:$0x3FD2] =	sst s25  }
0xa6: {  	s4 =	sshll.u32 s26, $0x1;
	_ =	strace $0x80000046;
	[dreg:$0x1] =	wrdreg $0xFFFFFFFF  }
0xa7: {  	s28 =	simm.s32 $_size_execute0_lowered;
	s2 =	sadd.s32 s2, s4;
	[dreg:$0x0] =	wrdreg $0x0  }
0xa8: {  	s4 =	sshll.u32 s28, $0x1;
	[dreg:$0x2] =	wrdreg s2  }
0xa9: {  	[dreg:$0x3] =	wrdreg s4  }
0xaa: {  	[dreg:$0x4] =	wrdreg $0xC0  }
0xab: {  	_ =	task [dreg:s6], $0x5FFFF  }
0xac: {  	[dreg:$0x1] =	wrdreg $0xFFFFFFFF  }
0xad: {  	[dreg:$0x0] =	wrdreg $0x60  }
0xae: {  	[dreg:$0x2] =	wrdreg s24  }
0xaf: {  	[dreg:$0x3] =	wrdreg $0x54000  }
0xb0: {  	[dreg:$0x4] =	wrdreg $0x9  }
0xb1: {  	_ =	task.clear_ibuf [dreg:s6], $0x5FFFF;
	_ =	strace $0x90000046  }
0xb2: {  	s29 =	simm.s32 $0x9;
	_ =	strace $0x80000048  }
0xb3: {  	_ =	swait.ge [sflag:s29], $0x1  }
0xb4: {  	[sflag:s29] =	ssyncadd.s32 $0xFFFFFFFF  }
0xb5: {  	_ =	strace $0x90000048  }
0xb6: {  	_ =	sfence  }
0xb7: {  	s30 =	sld [smem:$0x0];
	_ =	sdelay $0x2  }
0xb8: {  	s31 =	sshll.u32 s1, $0xD;
	s1 =	sshrl.u32 s1, $0x2  }
0xb9: {  	s3 =	sand.u32 $0x4000, s31;
	s1 =	sadd.s32 s1, s30  }
0xba: {  	s0 =	sor.u32 s3, s0;
	s1 =	sshll.u32 s1, $0x11  }
0xbb: {  	s0 =	sor.u32 s1, s0  }
0xbc: {  	s0 =	sadd.s32 $0x8F2B, s0  }
0xbd: {  	[sflag:s0] =	ssyncadd.remote.s32 $0x1  }
0xbe: {  	_ =	sfence.sel $0xFFFF  }
0xbf: {  	[dreg:$0x0] =	wrdreg $0xFFFFFFFF;
	(pc) =	sbr.abs _section_cstart, $3  }
0xc0: {  	[dreg:$0x1] =	wrdreg $0xFFFFFFFF  }
0xc1: {  	_ =	task.clear_ibuf [dreg:s6], $0x2FFFF;
	_ =	strace $0x9FFFFFFF  }
0xc2: {  	(tm) =	ssettm $0x7FFFFFFF  }
0xc3: {  	_ =	shalt  }
tec
execute0_lowered:
.L_overlay_start_1:
0x0: {  	(tag) =	ssettag $0x1  }
0x1: {  	s0 =	rddreg [dreg:$0x0]  }
0x2: {  	s1 =	rddreg [dreg:$0x1]  }
0x3: {  	s18 =	simm.s32 $0x0;
	s2 =	srdreg.scid;
	s9 =	stileid.u32  }
0x4: {  	s28 =	simm.s32 $0x1;
	s30 =	simm.s32 $0xC80;
	s31 =	simm.s32 $0x1080  }
0x5: {  	s13 =	simm.s32 $0x1100;
	s11 =	simm.s32 $0xE80;
	s12 =	simm.s32 $0x1280  }
0x6: {  	s14 =	simm.s32 $0xF00;
	s15 =	simm.s32 $0x1300;
	[smem:$0x7FF] =	sst s18  }
0x7: {  	s4 =	sadd.s32 $0x21BE00, s0;
	s2 =	sand.u32 $0x1, s2;
	s6 =	sadd.s32 $0x2A00, s0  }
0x8: {  	s7 =	sadd.s32 $0x33800, s0;
	s5 =	smul.u32 $0x62000, s9;
	s8 =	sadd.s32 $0x64600, s0  }
0x9: {  	s0 =	sadd.s32 $0xCCA400, s0;
	s10 =	smul.u32 $0x186A0, s9;
	s19 =	sshll.u32 s9, $0xE  }
0xa: {  	s20 =	smul.u32 $0x310, s9;
	s23 =	sor.u32 $0x60, s9;
	s9 =	simm.s32 $0x1200  }
0xb: {  	_ =	strace $0x80000047;
	[dreg:$0x4] =	wrdreg s2;
	s2 =	ssub.s32 $0x2, s2  }
0xc: {  	[dreg:$0x5] =	wrdreg s0;
	s21 =	sadd.s32 s19, s1;
	s25 =	sshll.u32 s23, $0xE  }
0xd: {  	p0 =	sgt.u32 s23, $0x62;
	s3 =	sshrl.u32 s2, $0x1;
	[dreg:$0x6] =	wrdreg s20  }
0xe: {  	s17 =	sshrl.u32 s5, $0x2;
	s22 =	sadd.s32 $0x40000, s21;
	[dreg:$0x7] =	wrdreg s21  }
0xf: {  	s24 =	sadd.s32 $0xC0000, s21;
	s26 =	sadd.s32 $0x100000, s21;
	[dreg:$0x9] =	wrdreg s22  }
0x10: {  	s5 =	sadd.s32 $0x140000, s21;
	s20 =	simm.s32 $0x1400;
	[dreg:$0xb] =	wrdreg s24  }
0x11: {  	s16 =	ssub.s32 s2, s3;
	s2 =	sadd.s32 s17, s1;
	[dreg:$0xc] =	wrdreg s26  }
0x12: {  	s3 =	sadd.s32 $0x80000, s21;
	[dreg:$0xd] =	wrdreg s5;
	s21 =	simm.s32 $0x2  }
0x13: {  	s24 =	simm.s32 $0x80;
	s5 =	simm.s32 $0xE00;
	s17 =	simm.s32 $0x1380  }
0x14: {  	s0 =	smax.u32 s16, $0x1;
	[dreg:$0xa] =	wrdreg s3;
	s3 =	sadd.s32 s25, s1  }
0x15: {  	s29 =	sshrl.u32 s2, $0x3;
	s2 =	simm.s32 $0xD80;
	[dreg:$0x8] =	wrdreg s0  }
0x16: {  	s16 =	simm.s32 $0xF80;
	s25 =	simm.s32 $0x0;
	[dreg:$0xe] =	wrdreg s3  }
0x17: {  	v0 =	vimm.f32 $0.0e+00;
	[dreg:$0xf] =	wrdreg s29;
	s0 =	simm.s32 $0xD00;
	s3 =	simm.s32 $0x1180  }
.LBB2_1:
0x18: {  	[dreg:$0x3] =	wrdreg s18;
	s22 =	simm.s32 $0x0  }
.LBB2_2:
0x19: {  	s18 =	simm.s32 $0x0;
	s19 =	simm.s32 $0x200  }
.LBB2_3:
0x1a: {  	p1 =	sne.s32 s19, $0xFE00;
	[tilespmem:s18+$0x1470] =	vst v0  }
0x1b: {  	[tilespmem:s18+$0x1400] =	vst v0  }
0x1c: {  	[tilespmem:s18+$0x1410] =	vst v0  }
.Ltmp0:
0x1d: {  	[tilespmem:s18+$0x1420] =	vst v0;
	(pc) =	sbr.rel @p1 .LBB2_3-.Ltmp0, $4  }
0x1e: {  	[tilespmem:s18+$0x1430] =	vst v0  }
0x1f: {  	[tilespmem:s18+$0x1440] =	vst v0  }
0x20: {  	[tilespmem:s18+$0x1450] =	vst v0  }
0x21: {  	[tilespmem:s18+$0x1460] =	vst v0;
	s18 =	sshra.s32 s19, $0x2;
	s19 =	sadd.s32 $0x200, s19  }
0x22: {  	[tilespmem:s18+$0x1470] =	vst v0  }
0x23: {  	[tilespmem:s18+$0x1400] =	vst v0  }
0x24: {  	[tilespmem:s18+$0x1410] =	vst v0  }
0x25: {  	[tilespmem:s18+$0x1420] =	vst v0  }
0x26: {  	[tilespmem:s18+$0x1430] =	vst v0  }
0x27: {  	[tilespmem:s18+$0x1440] =	vst v0  }
0x28: {  	[tilespmem:s18+$0x1450] =	vst v0  }
0x29: {  	[tilespmem:s18+$0x1460] =	vst v0;
	s29 =	rddreg [dreg:$0x7]  }
0x2a: {  	[spmem:s29] =	stream.linear.scatter [tilespmem:s20], [sflag:$0x2], $0x4000, $0x38;
	[tilespmem:$0x1E000] =	vst v63  }
0x2b: {  	_ =	swait.ge [sflag:s21], $0x4000  }
0x2c: {  	[sflag:s21] =	ssyncset.done $0x0  }
0x2d: {  	s19 =	rddreg [dreg:$0x9];
	[sflag:s21] =	ssyncadd.s32 $0xFFFFC000  }
0x2e: {  	[spmem:s19] =	stream.linear.scatter [tilespmem:s20], [sflag:$0x2], $0x4000, $0x38;
	[tilespmem:$0x1E000] =	vst v63  }
0x2f: {  	_ =	swait.ge [sflag:s21], $0x4000  }
0x30: {  	[sflag:s21] =	ssyncset.done $0x0  }
0x31: {  	s23 =	rddreg [dreg:$0xa];
	[sflag:s21] =	ssyncadd.s32 $0xFFFFC000  }
0x32: {  	[spmem:s23] =	stream.linear.scatter [tilespmem:s20], [sflag:$0x2], $0x4000, $0x38;
	[tilespmem:$0x1E000] =	vst v63  }
0x33: {  	_ =	swait.ge [sflag:s21], $0x4000  }
0x34: {  	[sflag:s21] =	ssyncset.done $0x0  }
0x35: {  	s26 =	rddreg [dreg:$0xb];
	[sflag:s21] =	ssyncadd.s32 $0xFFFFC000  }
0x36: {  	[spmem:s26] =	stream.linear.scatter [tilespmem:s20], [sflag:$0x2], $0x4000, $0x38;
	[tilespmem:$0x1E000] =	vst v63  }
0x37: {  	_ =	swait.ge [sflag:s21], $0x4000  }
0x38: {  	[sflag:s21] =	ssyncset.done $0x0  }
0x39: {  	s29 =	rddreg [dreg:$0xc];
	[sflag:s21] =	ssyncadd.s32 $0xFFFFC000  }
0x3a: {  	[spmem:s29] =	stream.linear.scatter [tilespmem:s20], [sflag:$0x2], $0x4000, $0x38;
	[tilespmem:$0x1E000] =	vst v63  }
0x3b: {  	_ =	swait.ge [sflag:s21], $0x4000  }
0x3c: {  	[sflag:s21] =	ssyncset.done $0x0  }
0x3d: {  	s19 =	rddreg [dreg:$0xd];
	[sflag:s21] =	ssyncadd.s32 $0xFFFFC000  }
0x3e: {  	[spmem:s19] =	stream.linear.scatter [tilespmem:s20], [sflag:$0x2], $0x4000, $0x38;
	[tilespmem:$0x1E000] =	vst v63  }
0x3f: {  	_ =	swait.ge [sflag:s21], $0x4000  }
0x40: {  	[sflag:s21] =	ssyncset.done $0x0  }
0x41: {  	s18 =	simm.s32 @!p0 $0x1400;
	s19 =	rddreg [dreg:$0xe];
	[sflag:s21] =	ssyncadd.s32 $0xFFFFC000  }
0x42: {  	[spmem:s19] =	stream.linear.scatter @!p0 [tilespmem:s18], [sflag:$0x2], $0x4000, $0x38;
	[tilespmem:$0x1E000] =	vst v63  }
0x43: {  	s18 =	simm.s32 @!p0 $0x2  }
0x44: {  	_ =	swait.ge @!p0 [sflag:s18], $0x4000  }
0x45: {  	s23 =	sshll.u32 s22, $0x1;
	s26 =	rddreg [dreg:$0x4]  }
0x46: {  	[sflag:s18] =	ssyncset.done @!p0 $0x0;
	s19 =	sor.u32 s26, s23  }
0x47: {  	[dreg:$0x10] =	wrdreg s22;
	[sflag:s18] =	ssyncadd.s32 @!p0 $0xFFFFC000;
	s29 =	smul.u32 $0x3100, s19  }
0x48: {  	[bflag:$0x0] =	sbarrier.arrive $0xFFFF  }
0x49: {  	s23 =	simm.s32 $0x0;
	s18 =	simm.s32 $0x0;
	[dreg:$0x11] =	wrdreg s29;
	v1 =	vmov s29  }
.LBB2_5:
0x4a: {  	s19 =	sshll.u32 s18, $0xA  }
0x4b: {  	s19 =	sadd.s32 s10, s19  }
0x4c: {  	s19 =	sshrl.u32 s19, $0x3  }
0x4d: {  	s22 =	sadd.s32 s6, s19  }
0x4e: {  	[tilespmem:s25], [sflag:$0x2] =	stream.linear.gather [hbm4b:s22+s25], $0x400, $0x38;
	[tilespmem:$0x1E000] =	vst v63  }
0x4f: {  	_ =	swait.ge [sflag:s21], $0x400  }
0x50: {  	[sflag:s21] =	ssyncset.done $0x0  }
0x51: {  	s26 =	simm.s32 $0x400;
	s29 =	sadd.s32 s7, s19;
	[sflag:s21] =	ssyncadd.s32 $0xFFFFFC00  }
0x52: {  	[tilespmem:s26], [sflag:$0x2] =	stream.linear.gather [hbm4b:s29+s25], $0x400, $0x38;
	[tilespmem:$0x1E000] =	vst v63  }
0x53: {  	_ =	swait.ge [sflag:s21], $0x400  }
0x54: {  	[sflag:s21] =	ssyncset.done $0x0  }
0x55: {  	s19 =	sadd.s32 s8, s19;
	s29 =	simm.s32 $0x800;
	[sflag:s21] =	ssyncadd.s32 $0xFFFFFC00  }
0x56: {  	[tilespmem:s29], [sflag:$0x2] =	stream.linear.gather [hbm4b:s19+s25], $0x400, $0x38;
	[tilespmem:$0x1E000] =	vst v63  }
0x57: {  	_ =	swait.ge [sflag:s21], $0x400  }
0x58: {  	[sflag:s21] =	ssyncset.done $0x0  }
0x59: {  	s22 =	simm.s32 $0x0;
	[sflag:s21] =	ssyncadd.s32 $0xFFFFFC00  }
0x5a: {  	v3 =	vld [tilespmem:s22+$0x400]  }
0x5b: {  	v4 =	vld [tilespmem:s22+$0x800];
	_ =	sdelay $0x1  }
0x5c: {  	v2 =	vld [tilespmem:s22+$0x0]  }
0x5d: {  	s26 =	simm.s32 $0x40;
	s19 =	smov.u32 s23  }
.LBB2_6:
0x5e: {  	s29 =	sshra.s32 s26, $0x2;
	p1 =	sne.s32 s26, $0xFC0;
	s26 =	sadd.s32 $0x40, s26;
	v5 =	vsub.s32 v3, v1  }
.Ltmp1:
0x5f: {  	p2 =	slt.u32 s19, $0x186A0;
	v3 =	vld [tilespmem:s29+$0x400];
	v6 =	vmul.u32 $0x186A0, v4;
	v5 =	vmin.u32 v5, $0x3100;
	(pc) =	sbr.rel @p1 .LBB2_6-.Ltmp1, $4  }
0x60: {  	v4 =	vld [tilespmem:s29+$0x800];
	v5 =	vpsel !p2, $0x3100, v5  }
0x61: {  	v6 =	vadd.s32 v2, v6;
	v2 =	vld [tilespmem:s29+$0x0];
	[tilespmem:s22+$0x1000] =	vst v5  }
0x62: {  	[tilespmem:s22+$0xC00] =	vst v6;
	s22 =	smov.u32 s29  }
0x63: {  	s19 =	sadd.s32 $0x10, s19  }
0x64: {  	v3 =	vsub.s32 v3, v1  }
0x65: {  	p1 =	slt.u32 s19, $0x186A0;
	v4 =	vmul.u32 $0x186A0, v4;
	v3 =	vmin.u32 v3, $0x3100  }
0x66: {  	v3 =	vpsel !p1, $0x3100, v3  }
0x67: {  	v2 =	vadd.s32 v2, v4;
	[tilespmem:s22+$0x1000] =	vst v3  }
0x68: {  	s26 =	simm.s32 $0xC00;
	[tilespmem:s22+$0xC00] =	vst v2  }
0x69: {  	[tilespmem:s20], [sflag:$0x1] =	stream.indirect.gather [hbm4b:s4+s24], $0x80, s26, s24, $0xb8;
	[tilespmem:$0x1E000] =	vst v63  }
0x6a: {  	_ =	swait.ge [sflag:s28], $0x4000  }
0x6b: {  	[sflag:s28] =	ssyncset.done $0x0  }
0x6c: {  	s29 =	simm.s32 $0x1000;
	[sflag:s28] =	ssyncadd.s32 $0xFFFFC000  }
0x6d: {  	[spmem:s1] =	stream.indirect.scatter.add.f32 [tilespmem:s20], [sflag:$0x2], $0x80, s29, s24, $0xb8;
	[tilespmem:$0x1E000] =	vst v63  }
0x6e: {  	_ =	swait.ge [sflag:s21], $0x4000  }
0x6f: {  	[sflag:s21] =	ssyncset.done $0x0  }
0x70: {  	[sflag:s21] =	ssyncadd.s32 $0xFFFFC000  }
0x71: {  	[tilespmem:s20], [sflag:$0x1] =	stream.indirect.gather [hbm4b:s4+s24], $0x80, s30, s24, $0xb8;
	[tilespmem:$0x1E000] =	vst v63  }
0x72: {  	_ =	swait.ge [sflag:s28], $0x4000  }
0x73: {  	[sflag:s28] =	ssyncset.done $0x0  }
0x74: {  	[sflag:s28] =	ssyncadd.s32 $0xFFFFC000  }
0x75: {  	[spmem:s1] =	stream.indirect.scatter.add.f32 [tilespmem:s20], [sflag:$0x2], $0x80, s31, s24, $0xb8;
	[tilespmem:$0x1E000] =	vst v63  }
0x76: {  	_ =	swait.ge [sflag:s21], $0x4000  }
0x77: {  	[sflag:s21] =	ssyncset.done $0x0  }
0x78: {  	[sflag:s21] =	ssyncadd.s32 $0xFFFFC000  }
0x79: {  	[tilespmem:s20], [sflag:$0x1] =	stream.indirect.gather [hbm4b:s4+s24], $0x80, s0, s24, $0xb8;
	[tilespmem:$0x1E000] =	vst v63  }
0x7a: {  	_ =	swait.ge [sflag:s28], $0x4000  }
0x7b: {  	[sflag:s28] =	ssyncset.done $0x0  }
0x7c: {  	[sflag:s28] =	ssyncadd.s32 $0xFFFFC000  }
0x7d: {  	[spmem:s1] =	stream.indirect.scatter.add.f32 [tilespmem:s20], [sflag:$0x2], $0x80, s13, s24, $0xb8;
	[tilespmem:$0x1E000] =	vst v63  }
0x7e: {  	_ =	swait.ge [sflag:s21], $0x4000  }
0x7f: {  	[sflag:s21] =	ssyncset.done $0x0  }
0x80: {  	[sflag:s21] =	ssyncadd.s32 $0xFFFFC000  }
0x81: {  	[tilespmem:s20], [sflag:$0x1] =	stream.indirect.gather [hbm4b:s4+s24], $0x80, s2, s24, $0xb8;
	[tilespmem:$0x1E000] =	vst v63  }
0x82: {  	_ =	swait.ge [sflag:s28], $0x4000  }
0x83: {  	[sflag:s28] =	ssyncset.done $0x0  }
0x84: {  	[sflag:s28] =	ssyncadd.s32 $0xFFFFC000  }
0x85: {  	[spmem:s1] =	stream.indirect.scatter.add.f32 [tilespmem:s20], [sflag:$0x2], $0x80, s3, s24, $0xb8;
	[tilespmem:$0x1E000] =	vst v63  }
0x86: {  	_ =	swait.ge [sflag:s21], $0x4000  }
0x87: {  	[sflag:s21] =	ssyncset.done $0x0  }
0x88: {  	[sflag:s21] =	ssyncadd.s32 $0xFFFFC000  }
0x89: {  	[tilespmem:s20], [sflag:$0x1] =	stream.indirect.gather [hbm4b:s4+s24], $0x80, s5, s24, $0xb8;
	[tilespmem:$0x1E000] =	vst v63  }
0x8a: {  	_ =	swait.ge [sflag:s28], $0x4000  }
0x8b: {  	[sflag:s28] =	ssyncset.done $0x0  }
0x8c: {  	[sflag:s28] =	ssyncadd.s32 $0xFFFFC000  }
0x8d: {  	[spmem:s1] =	stream.indirect.scatter.add.f32 [tilespmem:s20], [sflag:$0x2], $0x80, s9, s24, $0xb8;
	[tilespmem:$0x1E000] =	vst v63  }
0x8e: {  	_ =	swait.ge [sflag:s21], $0x4000  }
0x8f: {  	[sflag:s21] =	ssyncset.done $0x0  }
0x90: {  	[sflag:s21] =	ssyncadd.s32 $0xFFFFC000  }
0x91: {  	[tilespmem:s20], [sflag:$0x1] =	stream.indirect.gather [hbm4b:s4+s24], $0x80, s11, s24, $0xb8;
	[tilespmem:$0x1E000] =	vst v63  }
0x92: {  	_ =	swait.ge [sflag:s28], $0x4000  }
0x93: {  	[sflag:s28] =	ssyncset.done $0x0  }
0x94: {  	[sflag:s28] =	ssyncadd.s32 $0xFFFFC000  }
0x95: {  	[spmem:s1] =	stream.indirect.scatter.add.f32 [tilespmem:s20], [sflag:$0x2], $0x80, s12, s24, $0xb8;
	[tilespmem:$0x1E000] =	vst v63  }
0x96: {  	_ =	swait.ge [sflag:s21], $0x4000  }
0x97: {  	[sflag:s21] =	ssyncset.done $0x0  }
0x98: {  	[sflag:s21] =	ssyncadd.s32 $0xFFFFC000  }
0x99: {  	[tilespmem:s20], [sflag:$0x1] =	stream.indirect.gather [hbm4b:s4+s24], $0x80, s14, s24, $0xb8;
	[tilespmem:$0x1E000] =	vst v63  }
0x9a: {  	_ =	swait.ge [sflag:s28], $0x4000  }
0x9b: {  	[sflag:s28] =	ssyncset.done $0x0  }
0x9c: {  	[sflag:s28] =	ssyncadd.s32 $0xFFFFC000  }
0x9d: {  	[spmem:s1] =	stream.indirect.scatter.add.f32 [tilespmem:s20], [sflag:$0x2], $0x80, s15, s24, $0xb8;
	[tilespmem:$0x1E000] =	vst v63  }
0x9e: {  	_ =	swait.ge [sflag:s21], $0x4000  }
0x9f: {  	[sflag:s21] =	ssyncset.done $0x0  }
0xa0: {  	[sflag:s21] =	ssyncadd.s32 $0xFFFFC000  }
0xa1: {  	[tilespmem:s20], [sflag:$0x1] =	stream.indirect.gather [hbm4b:s4+s24], $0x80, s16, s24, $0xb8;
	[tilespmem:$0x1E000] =	vst v63  }
0xa2: {  	s18 =	sadd.s32 $0x1, s18;
	_ =	swait.ge [sflag:s28], $0x4000  }
0xa3: {  	p1 =	sne.s32 s18, $0x62;
	[sflag:s28] =	ssyncset.done $0x0  }
.Ltmp2:
0xa4: {  	[sflag:s28] =	ssyncadd.s32 $0xFFFFC000;
	(pc) =	sbr.rel @p1 .LBB2_5-.Ltmp2, $4  }
0xa5: {  	[spmem:s1] =	stream.indirect.scatter.add.f32 [tilespmem:s20], [sflag:$0x2], $0x80, s17, s24, $0xb8;
	[tilespmem:$0x1E000] =	vst v63  }
0xa6: {  	_ =	swait.ge [sflag:s21], $0x4000  }
0xa7: {  	[sflag:s21] =	ssyncset.done $0x0  }
0xa8: {  	s23 =	sadd.s32 $0x400, s23;
	[sflag:s21] =	ssyncadd.s32 $0xFFFFC000  }
0xa9: {  	s18 =	rddreg [dreg:$0x6]  }
0xaa: {  	s19 =	rddreg [dreg:$0x11]  }
0xab: {  	s23 =	stileid.u32;
	[bflag:$0x0] =	sbarrier.arrive $0xFFFF;
	s18 =	sadd.s32 s18, s19  }
0xac: {  	s19 =	sshll.u32 s23, $0x6;
	s22 =	rddreg [dreg:$0x5];
	s18 =	sshll.u32 s18, $0x4  }
0xad: {  	s26 =	rddreg [dreg:$0xf];
	s19 =	sor.u32 $0x1C02, s19;
	s18 =	sadd.s32 s22, s18  }
0xae: {  	[hbm:s18], [sflag:s19] =	dma.local [spmem:s26], $0x3100  }
0xaf: {  	_ =	swait.ge [sflag:s21], $0x3100  }
0xb0: {  	s29 =	rddreg [dreg:$0x10]  }
0xb1: {  	s22 =	sadd.s32 $0x1, s29  }
0xb2: {  	p1 =	sne.s32 s22, $0x4  }
.Ltmp3:
0xb3: {  	_ = 	snop;
	(pc) =	sbr.rel @p1 .LBB2_2-.Ltmp3, $3  }
0xb4: {  	[sflag:s21] =	ssyncset.done $0x0  }
0xb5: {  	[sflag:s21] =	ssyncadd.s32 $0xFFFFCF00  }
0xb6: {  	[bflag:$0x0] =	sbarrier.arrive $0xFFFF;
	_ =	sdelay $0x1  }
0xb7: {  	s18 =	rddreg [dreg:$0x3]  }
0xb8: {  	s19 =	rddreg [dreg:$0x8];
	s18 =	sadd.s32 $0x1, s18  }
0xb9: {  	p1 =	sne.s32 s18, s19  }
.Ltmp4:
0xba: {  	_ = 	snop;
	(pc) =	sbr.rel @p1 .LBB2_1-.Ltmp4, $1  }
0xbb: {  	_ =	sdelay $0x3  }
0xbc: {  	_ =	sfence.sel $0x180000  }
0xbd: {  	[bflag:$0x0] =	sbarrier.arrive $0xFFFF  }
0xbe: {  	_ =	strace $0x90000047  }
0xbf: {  	s0 =	stileid.u32;
	[bflag:$0x2] =	sbarrier.arrive $0xFFFF  }
0xc0: {  	p0 =	sne.s32 s0, $0x0;
	s0 =	rddreg [dreg:$0x2]  }
0xc1: {  	s0 =	sadd.s32 @!p0 $0x100000, s0  }
0xc2: {  	[sflag:s0] =	ssyncadd.tile.s32 @!p0 $0x1;
	_ =	shalt  }
.Lfunc_end2:
_tile_overlayer_lowered:
.L_overlay_start_2:
0xc3: {  	(tag) =	ssettag $0x2  }
0xc4: {  	s0 =	rddreg [dreg:$0x0];
	s2 =	stileid.u32  }
0xc5: {  	s1 =	rddreg [dreg:$0x1];
	p0 =	sne.s32 s2, $0x0  }
0xc6: {  	s3 =	rddreg [dreg:$0x2];
	[bflag:$0x3] =	sbarrier.arrive $0xFFFF;
	s2 =	simm.s32 @!p0 $0x1C02  }
0xc7: {  	[timem:s3], [sflag:s2] =	dma.local @!p0 [hbm:s0], s1  }
0xc8: {  	s0 =	simm.s32 @!p0 $0x2  }
0xc9: {  	_ =	swait.ge @!p0 [sflag:s0], s1  }
0xca: {  	s1 =	ssub.s32 @!p0 $0x0, s1;
	[sflag:s0] =	ssyncset.done @!p0 $0x0  }
0xcb: {  	[sflag:s0] =	ssyncadd.s32 @!p0 s1  }
0xcc: {  	[bflag:$0x3] =	sbarrier.arrive $0xFFFF  }
0xcd: {  	_ =	shalt  }

// kernel: kernel.15.cloned.1.call-start
scs
__scs_entry_jumppad:
0x0: {  	(pc) =	sbr.rel $0x88, $3  }
0x1: {  	(tag) =	ssettag $0x0;
	lr =	simm.s32 $0x1  }
0x2: {  	[smem:$0x3F90] =	sst lr;
	_ =	strace $0xD0000000  }
0x3: {  	_ = 	snop  }
0x4: {  	_ = 	snop  }
0x5: {  	_ = 	snop  }
0x6: {  	_ = 	snop  }
0x7: {  	_ = 	snop  }
__scs_overlays_trampoline_lowered:
0x8: {  	[smem:$0x3F9F] =	sst s0  }
0x9: {  	[smem:$0x3FA0] =	sst s1  }
0xa: {  	[smem:$0x3FA1] =	sst s2  }
0xb: {  	[smem:$0x3FA2] =	sst s3  }
0xc: {  	[smem:$0x3FA3] =	sst s4  }
0xd: {  	[smem:$0x3FA4] =	sst s5  }
0xe: {  	[smem:$0x3FA5] =	sst s6  }
0xf: {  	[smem:$0x3FA6] =	sst s7  }
0x10: {  	[smem:$0x3FA7] =	sst s8  }
0x11: {  	[smem:$0x3FA8] =	sst s9;
	s0 =	simm.s32 @!p0 $0x0  }
0x12: {  	s1 =	sld [smem:$0x3F8E];
	s0 =	simm.s32 @p0 $0x1  }
0x13: {  	[smem:$0x3FA9] =	sst s0;
	s0 =	simm.s32 @!p1 $0x0  }
0x14: {  	s2 =	sld [smem:$0x3F8D];
	s0 =	simm.s32 @p1 $0x1  }
0x15: {  	[smem:$0x3FAA] =	sst s0;
	s0 =	simm.s32 @!p2 $0x0  }
0x16: {  	s3 =	sld [smem:$0x3FDB];
	s0 =	simm.s32 @p2 $0x1  }
0x17: {  	s4 =	simm.s32 $0x1BF5;
	[smem:$0x3FAC] =	sst s0  }
0x18: {  	s0 =	sld [smem:$0x3F8F];
	_ =	swait.ge [sflag:s4], $0x0  }
0x19: {  	s7 =	sld [smem:$0x3F90]  }
0x1a: {  	s8 =	sadd.s32 $0xFFFFE003, lr  }
0x1b: {  	s9 =	sadd.s32 $0xFFFFFEF7, lr;
	s5 =	simm.s32 $0xFFFFFFFF;
	p2 =	slt.u32 s8, $0xFFFFF086  }
0x1c: {  	p1 =	slt.u32 s9, $0xF7A;
	s5 =	simm.s32 @!p2 $0x0  }
0x1d: {  	s5 =	simm.s32 @p1 $0x1;
	p0 =	seq.s32 s7, s2  }
0x1e: {  	s7 =	smul.u32 @!p0 $0xF7A, s2;
	p2 =	seq.s32 @!p0 s5, $0x0  }
0x1f: {  	s9 =	smul.u32 $0xF7A, s1;
	s8 =	simm.s32 @!p0 $0x1BF5;
	p2 =	por !p2, p0  }
0x20: {  	[sflag:s8] =	ssyncset.s32 @!p0 $0xFFFFF086;
	s6 =	sadd.s32 @!p0 s3, s7;
	s7 =	simm.s32 @!p0 $0x108  }
0x21: {  	s3 =	sadd.s32 s3, s9;
	s6 =	sadd.s32 @!p0 $0x88, s6;
	s7 =	simm.s32 @p2 $0x1082  }
0x22: {  	[simem:s7], [sflag:s8] =	dma.local @!p0 [hbm:s6], $0xF7A  }
0x23: {  	s9 =	sor.u32 $0xD0000000, s2;
	s6 =	simm.s32 $0x108;
	_ =	swait.ge @!p0 [sflag:s8], $0x0  }
0x24: {  	s3 =	sadd.s32 $0x88, s3;
	s6 =	simm.s32 @!p1 $0x1082;
	[sflag:s4] =	ssyncset.s32 $0xFFFFF086  }
0x25: {  	[simem:s6], [sflag:s4] =	dma.local [hbm:s3], $0xF7A  }
0x26: {  	[smem:$0x3F90] =	sst s1;
	(tag) =	ssettag s2;
	_ =	strace s9  }
0x27: {  	s1 =	sld [smem:$0x3FA0]  }
0x28: {  	s2 =	sld [smem:$0x3FA1]  }
0x29: {  	s4 =	sld [smem:$0x3FA3]  }
0x2a: {  	p0 =	seq.s32 s5, $0x0;
	s5 =	sld [smem:$0x3FA4]  }
0x2b: {  	s6 =	sld [smem:$0x3FA5]  }
0x2c: {  	s7 =	sld [smem:$0x3FA6]  }
0x2d: {  	s3 =	simm.s32 $0x108;
	s8 =	sld [smem:$0x3FA7]  }
0x2e: {  	s3 =	simm.s32 @!p0 $0x1082;
	s9 =	sld [smem:$0x3FA8]  }
0x2f: {  	lr =	sadd.s32 s0, s3;
	s0 =	sld [smem:$0x3F9F]  }
0x30: {  	s3 =	sld [smem:$0x3FA2]  }
0x31: {  	[smem:$0x3FAB] =	sst s10  }
0x32: {  	s10 =	sld [smem:$0x3FA9];
	_ =	sdelay $0x3  }
0x33: {  	p0 =	seq.s32 s10, $0x1;
	s10 =	sld [smem:$0x3FAB];
	_ =	sdelay $0x3  }
0x34: {  	[smem:$0x3FAB] =	sst s10  }
0x35: {  	s10 =	sld [smem:$0x3FAA];
	_ =	sdelay $0x3  }
0x36: {  	p1 =	seq.s32 s10, $0x1;
	s10 =	sld [smem:$0x3FAB];
	_ =	sdelay $0x3  }
0x37: {  	[smem:$0x3FAB] =	sst s10  }
0x38: {  	s10 =	sld [smem:$0x3FAC]  }
0x39: {  	_ = 	snop;
	(pc) =	sbr.ind lr, $3  }
0x3a: {  	_ = 	snop  }
0x3b: {  	_ = 	snop  }
0x3c: {  	p2 =	seq.s32 s10, $0x1;
	s10 =	sld [smem:$0x3FAB]  }
0x3d: {  	_ =	shalt  }
0x3e: {  	_ =	shalt  }
0x3f: {  	_ =	shalt  }
0x40: {  	_ =	shalt  }
0x41: {  	_ =	shalt  }
0x42: {  	_ =	shalt  }
0x43: {  	_ =	shalt  }
0x44: {  	_ =	shalt  }
0x45: {  	_ =	shalt  }
0x46: {  	_ =	shalt  }
0x47: {  	_ =	shalt  }
0x48: {  	_ =	shalt  }
0x49: {  	_ =	shalt  }
0x4a: {  	_ =	shalt  }
0x4b: {  	_ =	shalt  }
0x4c: {  	_ =	shalt  }
0x4d: {  	_ =	shalt  }
0x4e: {  	_ =	shalt  }
0x4f: {  	_ =	shalt  }
0x50: {  	_ =	shalt  }
0x51: {  	_ =	shalt  }
0x52: {  	_ =	shalt  }
0x53: {  	_ =	shalt  }
0x54: {  	_ =	shalt  }
0x55: {  	_ =	shalt  }
0x56: {  	_ =	shalt  }
0x57: {  	_ =	shalt  }
0x58: {  	_ =	shalt  }
0x59: {  	_ =	shalt  }
0x5a: {  	_ =	shalt  }
0x5b: {  	_ =	shalt  }
0x5c: {  	_ =	shalt  }
0x5d: {  	_ =	shalt  }
0x5e: {  	_ =	shalt  }
0x5f: {  	_ =	shalt  }
0x60: {  	_ =	shalt  }
0x61: {  	_ =	shalt  }
0x62: {  	_ =	shalt  }
0x63: {  	_ =	shalt  }
0x64: {  	_ =	shalt  }
0x65: {  	_ =	shalt  }
0x66: {  	_ =	shalt  }
0x67: {  	_ =	shalt  }
0x68: {  	_ =	shalt  }
0x69: {  	_ =	shalt  }
0x6a: {  	_ =	shalt  }
0x6b: {  	_ =	shalt  }
0x6c: {  	_ =	shalt  }
0x6d: {  	_ =	shalt  }
0x6e: {  	_ =	shalt  }
0x6f: {  	_ =	shalt  }
0x70: {  	_ =	shalt  }
0x71: {  	_ =	shalt  }
0x72: {  	_ =	shalt  }
0x73: {  	_ =	shalt  }
0x74: {  	_ =	shalt  }
0x75: {  	_ =	shalt  }
0x76: {  	_ =	shalt  }
0x77: {  	_ =	shalt  }
0x78: {  	_ =	shalt  }
0x79: {  	_ =	shalt  }
0x7a: {  	_ =	shalt  }
0x7b: {  	_ =	shalt  }
0x7c: {  	_ =	shalt  }
0x7d: {  	_ =	shalt  }
0x7e: {  	_ =	shalt  }
0x7f: {  	_ =	shalt  }
0x80: {  	_ =	shalt  }
0x81: {  	_ =	shalt  }
0x82: {  	_ =	shalt  }
0x83: {  	_ =	shalt  }
0x84: {  	_ =	shalt  }
0x85: {  	_ =	shalt  }
0x86: {  	_ =	shalt  }
0x87: {  	_ =	shalt  }
.Lfunc_end0:
.L_simem_size_0:
called_computation.1_lowered:
.L_overlay_start_0:
0x88: {  	s2 =	sld [smem:$0x3FD9]  }
0x89: {  	s3 =	sld [smem:$0x3FFE];
	_ =	sdelay $0x1  }
0x8a: {  	s1 =	srdreg.scid  }
0x8b: {  	s0 =	sand.u32 $0x1, s1  }
0x8c: {  	s16 =	sshll.u32 s0, $0xA;
	s2 =	sadd.s32 s3, s2  }
0x8d: {  	s2 =	sadd.s32 s2, s16  }
0x8e: {  	[smem:$0x3FB7] =	sst s2  }
0x8f: {  	_ = 	snop  }
0x90: {  	(tm) =	ssettm $0x1  }
0x91: {  	s17 =	sld [smem:$0x3FFB];
	_ =	sdelay $0x3  }
0x92: {  	_ =	strace s17  }
0x93: {  	s2 =	sld [smem:$0x3FFC];
	_ =	sdelay $0x3  }
0x94: {  	_ =	strace s2  }
0x95: {  	s2 =	sld [smem:$0x3FFD];
	_ =	sdelay $0x3  }
0x96: {  	_ =	strace s2  }
0x97: {  	_ =	strace $0x8FFFFFFF  }
0x98: {  	s18 =	sld [smem:$0x3FDB];
	_ =	sdelay $0x1  }
0x99: {  	s19 =	simm.s32 $_scs_section_size  }
0x9a: {  	s4 =	simm.s32 $_size__tile_overlayer_lowered;
	s5 =	simm.s32 $_tile_overlayer_lowered  }
0x9b: {  	s22 =	simm.s32 $0x1BFF;
	s21 =	sshll.u32 s5, $0x1;
	s2 =	sadd.s32 s19, s18  }
0x9c: {  	s6 =	simm.s32 $0x0;
	s20 =	sshll.u32 s4, $0x1;
	s4 =	sadd.s32 s21, s2  }
0x9d: {  	[timem:s6], [sflag:s22] =	dma.local [hbm:s4], s20  }
0x9e: {  	_ =	swait.ge [sflag:s22], s20  }
0x9f: {  	s3 =	ssub.s32 $0x0, s20;
	[sflag:s22] =	ssyncset.done $0x0  }
0xa0: {  	[sflag:s22] =	ssyncadd.s32 s3;
	_ =	sdelay $0x1  }
0xa1: {  	s23 =	simm.s32 $0x1B8B  }
0xa2: {  	_ =	swait.ge [sflag:s23], $0x1  }
0xa3: {  	[sflag:s23] =	ssyncset.done $0x0  }
0xa4: {  	s25 =	simm.s32 $0x1B8E;
	s24 =	sld [smem:$0x3FFE];
	[sflag:s23] =	ssyncadd.s32 $0xFFFFFFFF  }
0xa5: {  	s26 =	simm.s32 $execute0_lowered;
	[smem:$0x3FD2] =	sst s25  }
0xa6: {  	s4 =	sshll.u32 s26, $0x1;
	_ =	strace $0x80000049;
	[dreg:$0x1] =	wrdreg $0xFFFFFFFF  }
0xa7: {  	s28 =	simm.s32 $_size_execute0_lowered;
	s2 =	sadd.s32 s2, s4;
	[dreg:$0x0] =	wrdreg $0x0  }
0xa8: {  	s4 =	sshll.u32 s28, $0x1;
	[dreg:$0x2] =	wrdreg s2  }
0xa9: {  	[dreg:$0x3] =	wrdreg s4  }
0xaa: {  	[dreg:$0x4] =	wrdreg $0xC0  }
0xab: {  	_ =	task [dreg:s6], $0x5FFFF  }
0xac: {  	[dreg:$0x1] =	wrdreg $0xFFFFFFFF  }
0xad: {  	[dreg:$0x0] =	wrdreg $0x60  }
0xae: {  	[dreg:$0x2] =	wrdreg s24  }
0xaf: {  	[dreg:$0x3] =	wrdreg $0x54000  }
0xb0: {  	[dreg:$0x4] =	wrdreg $0x9  }
0xb1: {  	_ =	task.clear_ibuf [dreg:s6], $0x5FFFF;
	_ =	strace $0x90000049  }
0xb2: {  	s29 =	simm.s32 $0x9;
	_ =	strace $0x8000004B  }
0xb3: {  	_ =	swait.ge [sflag:s29], $0x1  }
0xb4: {  	[sflag:s29] =	ssyncadd.s32 $0xFFFFFFFF  }
0xb5: {  	_ =	strace $0x9000004B  }
0xb6: {  	_ =	sfence  }
0xb7: {  	s30 =	sld [smem:$0x0];
	_ =	sdelay $0x2  }
0xb8: {  	s31 =	sshll.u32 s1, $0xD;
	s1 =	sshrl.u32 s1, $0x2  }
0xb9: {  	s3 =	sand.u32 $0x4000, s31;
	s1 =	sadd.s32 s1, s30  }
0xba: {  	s0 =	sor.u32 s3, s0;
	s1 =	sshll.u32 s1, $0x11  }
0xbb: {  	s0 =	sor.u32 s1, s0  }
0xbc: {  	s0 =	sadd.s32 $0x8F2B, s0  }
0xbd: {  	[sflag:s0] =	ssyncadd.remote.s32 $0x1  }
0xbe: {  	_ =	sfence.sel $0xFFFF  }
0xbf: {  	[dreg:$0x0] =	wrdreg $0xFFFFFFFF;
	(pc) =	sbr.abs _section_cstart, $3  }
0xc0: {  	[dreg:$0x1] =	wrdreg $0xFFFFFFFF  }
0xc1: {  	_ =	task.clear_ibuf [dreg:s6], $0x2FFFF;
	_ =	strace $0x9FFFFFFF  }
0xc2: {  	(tm) =	ssettm $0x7FFFFFFF  }
0xc3: {  	_ =	shalt  }
tec
execute0_lowered:
.L_overlay_start_1:
0x0: {  	(tag) =	ssettag $0x1  }
0x1: {  	s0 =	rddreg [dreg:$0x0]  }
0x2: {  	s1 =	rddreg [dreg:$0x1]  }
0x3: {  	s18 =	simm.s32 $0x0;
	s2 =	srdreg.scid;
	s9 =	stileid.u32  }
0x4: {  	s28 =	simm.s32 $0x1;
	s30 =	simm.s32 $0xC80;
	s31 =	simm.s32 $0x1080  }
0x5: {  	s13 =	simm.s32 $0x1100;
	s11 =	simm.s32 $0xE80;
	s12 =	simm.s32 $0x1280  }
0x6: {  	s14 =	simm.s32 $0xF00;
	s15 =	simm.s32 $0x1300;
	[smem:$0x7FF] =	sst s18  }
0x7: {  	s4 =	sadd.s32 $0x3A2800, s0;
	s2 =	sand.u32 $0x1, s2;
	s6 =	sadd.s32 $0x2A00, s0  }
0x8: {  	s7 =	sadd.s32 $0x33800, s0;
	s5 =	smul.u32 $0x62000, s9;
	s8 =	sadd.s32 $0x64600, s0  }
0x9: {  	s0 =	sadd.s32 $0xE50E00, s0;
	s10 =	smul.u32 $0x186A0, s9;
	s19 =	sshll.u32 s9, $0xE  }
0xa: {  	s20 =	smul.u32 $0x310, s9;
	s23 =	sor.u32 $0x60, s9;
	s9 =	simm.s32 $0x1200  }
0xb: {  	_ =	strace $0x8000004A;
	[dreg:$0x4] =	wrdreg s2;
	s2 =	ssub.s32 $0x2, s2  }
0xc: {  	[dreg:$0x5] =	wrdreg s0;
	s21 =	sadd.s32 s19, s1;
	s25 =	sshll.u32 s23, $0xE  }
0xd: {  	p0 =	sgt.u32 s23, $0x62;
	s3 =	sshrl.u32 s2, $0x1;
	[dreg:$0x6] =	wrdreg s20  }
0xe: {  	s17 =	sshrl.u32 s5, $0x2;
	s22 =	sadd.s32 $0x40000, s21;
	[dreg:$0x7] =	wrdreg s21  }
0xf: {  	s24 =	sadd.s32 $0xC0000, s21;
	s26 =	sadd.s32 $0x100000, s21;
	[dreg:$0x9] =	wrdreg s22  }
0x10: {  	s5 =	sadd.s32 $0x140000, s21;
	s20 =	simm.s32 $0x1400;
	[dreg:$0xb] =	wrdreg s24  }
0x11: {  	s16 =	ssub.s32 s2, s3;
	s2 =	sadd.s32 s17, s1;
	[dreg:$0xc] =	wrdreg s26  }
0x12: {  	s3 =	sadd.s32 $0x80000, s21;
	[dreg:$0xd] =	wrdreg s5;
	s21 =	simm.s32 $0x2  }
0x13: {  	s24 =	simm.s32 $0x80;
	s5 =	simm.s32 $0xE00;
	s17 =	simm.s32 $0x1380  }
0x14: {  	s0 =	smax.u32 s16, $0x1;
	[dreg:$0xa] =	wrdreg s3;
	s3 =	sadd.s32 s25, s1  }
0x15: {  	s29 =	sshrl.u32 s2, $0x3;
	s2 =	simm.s32 $0xD80;
	[dreg:$0x8] =	wrdreg s0  }
0x16: {  	s16 =	simm.s32 $0xF80;
	s25 =	simm.s32 $0x0;
	[dreg:$0xe] =	wrdreg s3  }
0x17: {  	v0 =	vimm.f32 $0.0e+00;
	[dreg:$0xf] =	wrdreg s29;
	s0 =	simm.s32 $0xD00;
	s3 =	simm.s32 $0x1180  }
.LBB2_1:
0x18: {  	[dreg:$0x3] =	wrdreg s18;
	s22 =	simm.s32 $0x0  }
.LBB2_2:
0x19: {  	s18 =	simm.s32 $0x0;
	s19 =	simm.s32 $0x200  }
.LBB2_3:
0x1a: {  	p1 =	sne.s32 s19, $0xFE00;
	[tilespmem:s18+$0x1470] =	vst v0  }
0x1b: {  	[tilespmem:s18+$0x1400] =	vst v0  }
0x1c: {  	[tilespmem:s18+$0x1410] =	vst v0  }
.Ltmp0:
0x1d: {  	[tilespmem:s18+$0x1420] =	vst v0;
	(pc) =	sbr.rel @p1 .LBB2_3-.Ltmp0, $4  }
0x1e: {  	[tilespmem:s18+$0x1430] =	vst v0  }
0x1f: {  	[tilespmem:s18+$0x1440] =	vst v0  }
0x20: {  	[tilespmem:s18+$0x1450] =	vst v0  }
0x21: {  	[tilespmem:s18+$0x1460] =	vst v0;
	s18 =	sshra.s32 s19, $0x2;
	s19 =	sadd.s32 $0x200, s19  }
0x22: {  	[tilespmem:s18+$0x1470] =	vst v0  }
0x23: {  	[tilespmem:s18+$0x1400] =	vst v0  }
0x24: {  	[tilespmem:s18+$0x1410] =	vst v0  }
0x25: {  	[tilespmem:s18+$0x1420] =	vst v0  }
0x26: {  	[tilespmem:s18+$0x1430] =	vst v0  }
0x27: {  	[tilespmem:s18+$0x1440] =	vst v0  }
0x28: {  	[tilespmem:s18+$0x1450] =	vst v0  }
0x29: {  	[tilespmem:s18+$0x1460] =	vst v0;
	s29 =	rddreg [dreg:$0x7]  }
0x2a: {  	[spmem:s29] =	stream.linear.scatter [tilespmem:s20], [sflag:$0x2], $0x4000, $0x38;
	[tilespmem:$0x1E000] =	vst v63  }
0x2b: {  	_ =	swait.ge [sflag:s21], $0x4000  }
0x2c: {  	[sflag:s21] =	ssyncset.done $0x0  }
0x2d: {  	s19 =	rddreg [dreg:$0x9];
	[sflag:s21] =	ssyncadd.s32 $0xFFFFC000  }
0x2e: {  	[spmem:s19] =	stream.linear.scatter [tilespmem:s20], [sflag:$0x2], $0x4000, $0x38;
	[tilespmem:$0x1E000] =	vst v63  }
0x2f: {  	_ =	swait.ge [sflag:s21], $0x4000  }
0x30: {  	[sflag:s21] =	ssyncset.done $0x0  }
0x31: {  	s23 =	rddreg [dreg:$0xa];
	[sflag:s21] =	ssyncadd.s32 $0xFFFFC000  }
0x32: {  	[spmem:s23] =	stream.linear.scatter [tilespmem:s20], [sflag:$0x2], $0x4000, $0x38;
	[tilespmem:$0x1E000] =	vst v63  }
0x33: {  	_ =	swait.ge [sflag:s21], $0x4000  }
0x34: {  	[sflag:s21] =	ssyncset.done $0x0  }
0x35: {  	s26 =	rddreg [dreg:$0xb];
	[sflag:s21] =	ssyncadd.s32 $0xFFFFC000  }
0x36: {  	[spmem:s26] =	stream.linear.scatter [tilespmem:s20], [sflag:$0x2], $0x4000, $0x38;
	[tilespmem:$0x1E000] =	vst v63  }
0x37: {  	_ =	swait.ge [sflag:s21], $0x4000  }
0x38: {  	[sflag:s21] =	ssyncset.done $0x0  }
0x39: {  	s29 =	rddreg [dreg:$0xc];
	[sflag:s21] =	ssyncadd.s32 $0xFFFFC000  }
0x3a: {  	[spmem:s29] =	stream.linear.scatter [tilespmem:s20], [sflag:$0x2], $0x4000, $0x38;
	[tilespmem:$0x1E000] =	vst v63  }
0x3b: {  	_ =	swait.ge [sflag:s21], $0x4000  }
0x3c: {  	[sflag:s21] =	ssyncset.done $0x0  }
0x3d: {  	s19 =	rddreg [dreg:$0xd];
	[sflag:s21] =	ssyncadd.s32 $0xFFFFC000  }
0x3e: {  	[spmem:s19] =	stream.linear.scatter [tilespmem:s20], [sflag:$0x2], $0x4000, $0x38;
	[tilespmem:$0x1E000] =	vst v63  }
0x3f: {  	_ =	swait.ge [sflag:s21], $0x4000  }
0x40: {  	[sflag:s21] =	ssyncset.done $0x0  }
0x41: {  	s18 =	simm.s32 @!p0 $0x1400;
	s19 =	rddreg [dreg:$0xe];
	[sflag:s21] =	ssyncadd.s32 $0xFFFFC000  }
0x42: {  	[spmem:s19] =	stream.linear.scatter @!p0 [tilespmem:s18], [sflag:$0x2], $0x4000, $0x38;
	[tilespmem:$0x1E000] =	vst v63  }
0x43: {  	s18 =	simm.s32 @!p0 $0x2  }
0x44: {  	_ =	swait.ge @!p0 [sflag:s18], $0x4000  }
0x45: {  	s23 =	sshll.u32 s22, $0x1;
	s26 =	rddreg [dreg:$0x4]  }
0x46: {  	[sflag:s18] =	ssyncset.done @!p0 $0x0;
	s19 =	sor.u32 s26, s23  }
0x47: {  	[dreg:$0x10] =	wrdreg s22;
	[sflag:s18] =	ssyncadd.s32 @!p0 $0xFFFFC000;
	s29 =	smul.u32 $0x3100, s19  }
0x48: {  	[bflag:$0x0] =	sbarrier.arrive $0xFFFF  }
0x49: {  	s23 =	simm.s32 $0x0;
	s18 =	simm.s32 $0x0;
	[dreg:$0x11] =	wrdreg s29;
	v1 =	vmov s29  }
.LBB2_5:
0x4a: {  	s19 =	sshll.u32 s18, $0xA  }
0x4b: {  	s19 =	sadd.s32 s10, s19  }
0x4c: {  	s19 =	sshrl.u32 s19, $0x3  }
0x4d: {  	s22 =	sadd.s32 s6, s19  }
0x4e: {  	[tilespmem:s25], [sflag:$0x2] =	stream.linear.gather [hbm4b:s22+s25], $0x400, $0x38;
	[tilespmem:$0x1E000] =	vst v63  }
0x4f: {  	_ =	swait.ge [sflag:s21], $0x400  }
0x50: {  	[sflag:s21] =	ssyncset.done $0x0  }
0x51: {  	s26 =	simm.s32 $0x400;
	s29 =	sadd.s32 s7, s19;
	[sflag:s21] =	ssyncadd.s32 $0xFFFFFC00  }
0x52: {  	[tilespmem:s26], [sflag:$0x2] =	stream.linear.gather [hbm4b:s29+s25], $0x400, $0x38;
	[tilespmem:$0x1E000] =	vst v63  }
0x53: {  	_ =	swait.ge [sflag:s21], $0x400  }
0x54: {  	[sflag:s21] =	ssyncset.done $0x0  }
0x55: {  	s19 =	sadd.s32 s8, s19;
	s29 =	simm.s32 $0x800;
	[sflag:s21] =	ssyncadd.s32 $0xFFFFFC00  }
0x56: {  	[tilespmem:s29], [sflag:$0x2] =	stream.linear.gather [hbm4b:s19+s25], $0x400, $0x38;
	[tilespmem:$0x1E000] =	vst v63  }
0x57: {  	_ =	swait.ge [sflag:s21], $0x400  }
0x58: {  	[sflag:s21] =	ssyncset.done $0x0  }
0x59: {  	s22 =	simm.s32 $0x0;
	[sflag:s21] =	ssyncadd.s32 $0xFFFFFC00  }
0x5a: {  	v3 =	vld [tilespmem:s22+$0x400]  }
0x5b: {  	v4 =	vld [tilespmem:s22+$0x800];
	_ =	sdelay $0x1  }
0x5c: {  	v2 =	vld [tilespmem:s22+$0x0]  }
0x5d: {  	s26 =	simm.s32 $0x40;
	s19 =	smov.u32 s23  }
.LBB2_6:
0x5e: {  	s29 =	sshra.s32 s26, $0x2;
	p1 =	sne.s32 s26, $0xFC0;
	s26 =	sadd.s32 $0x40, s26;
	v5 =	vsub.s32 v3, v1  }
.Ltmp1:
0x5f: {  	p2 =	slt.u32 s19, $0x186A0;
	v3 =	vld [tilespmem:s29+$0x400];
	v6 =	vmul.u32 $0x186A0, v4;
	v5 =	vmin.u32 v5, $0x3100;
	(pc) =	sbr.rel @p1 .LBB2_6-.Ltmp1, $4  }
0x60: {  	v4 =	vld [tilespmem:s29+$0x800];
	v5 =	vpsel !p2, $0x3100, v5  }
0x61: {  	v6 =	vadd.s32 v2, v6;
	v2 =	vld [tilespmem:s29+$0x0];
	[tilespmem:s22+$0x1000] =	vst v5  }
0x62: {  	[tilespmem:s22+$0xC00] =	vst v6;
	s22 =	smov.u32 s29  }
0x63: {  	s19 =	sadd.s32 $0x10, s19  }
0x64: {  	v3 =	vsub.s32 v3, v1  }
0x65: {  	p1 =	slt.u32 s19, $0x186A0;
	v4 =	vmul.u32 $0x186A0, v4;
	v3 =	vmin.u32 v3, $0x3100  }
0x66: {  	v3 =	vpsel !p1, $0x3100, v3  }
0x67: {  	v2 =	vadd.s32 v2, v4;
	[tilespmem:s22+$0x1000] =	vst v3  }
0x68: {  	s26 =	simm.s32 $0xC00;
	[tilespmem:s22+$0xC00] =	vst v2  }
0x69: {  	[tilespmem:s20], [sflag:$0x1] =	stream.indirect.gather [hbm4b:s4+s24], $0x80, s26, s24, $0xb8;
	[tilespmem:$0x1E000] =	vst v63  }
0x6a: {  	_ =	swait.ge [sflag:s28], $0x4000  }
0x6b: {  	[sflag:s28] =	ssyncset.done $0x0  }
0x6c: {  	s29 =	simm.s32 $0x1000;
	[sflag:s28] =	ssyncadd.s32 $0xFFFFC000  }
0x6d: {  	[spmem:s1] =	stream.indirect.scatter.add.f32 [tilespmem:s20], [sflag:$0x2], $0x80, s29, s24, $0xb8;
	[tilespmem:$0x1E000] =	vst v63  }
0x6e: {  	_ =	swait.ge [sflag:s21], $0x4000  }
0x6f: {  	[sflag:s21] =	ssyncset.done $0x0  }
0x70: {  	[sflag:s21] =	ssyncadd.s32 $0xFFFFC000  }
0x71: {  	[tilespmem:s20], [sflag:$0x1] =	stream.indirect.gather [hbm4b:s4+s24], $0x80, s30, s24, $0xb8;
	[tilespmem:$0x1E000] =	vst v63  }
0x72: {  	_ =	swait.ge [sflag:s28], $0x4000  }
0x73: {  	[sflag:s28] =	ssyncset.done $0x0  }
0x74: {  	[sflag:s28] =	ssyncadd.s32 $0xFFFFC000  }
0x75: {  	[spmem:s1] =	stream.indirect.scatter.add.f32 [tilespmem:s20], [sflag:$0x2], $0x80, s31, s24, $0xb8;
	[tilespmem:$0x1E000] =	vst v63  }
0x76: {  	_ =	swait.ge [sflag:s21], $0x4000  }
0x77: {  	[sflag:s21] =	ssyncset.done $0x0  }
0x78: {  	[sflag:s21] =	ssyncadd.s32 $0xFFFFC000  }
0x79: {  	[tilespmem:s20], [sflag:$0x1] =	stream.indirect.gather [hbm4b:s4+s24], $0x80, s0, s24, $0xb8;
	[tilespmem:$0x1E000] =	vst v63  }
0x7a: {  	_ =	swait.ge [sflag:s28], $0x4000  }
0x7b: {  	[sflag:s28] =	ssyncset.done $0x0  }
0x7c: {  	[sflag:s28] =	ssyncadd.s32 $0xFFFFC000  }
0x7d: {  	[spmem:s1] =	stream.indirect.scatter.add.f32 [tilespmem:s20], [sflag:$0x2], $0x80, s13, s24, $0xb8;
	[tilespmem:$0x1E000] =	vst v63  }
0x7e: {  	_ =	swait.ge [sflag:s21], $0x4000  }
0x7f: {  	[sflag:s21] =	ssyncset.done $0x0  }
0x80: {  	[sflag:s21] =	ssyncadd.s32 $0xFFFFC000  }
0x81: {  	[tilespmem:s20], [sflag:$0x1] =	stream.indirect.gather [hbm4b:s4+s24], $0x80, s2, s24, $0xb8;
	[tilespmem:$0x1E000] =	vst v63  }
0x82: {  	_ =	swait.ge [sflag:s28], $0x4000  }
0x83: {  	[sflag:s28] =	ssyncset.done $0x0  }
0x84: {  	[sflag:s28] =	ssyncadd.s32 $0xFFFFC000  }
0x85: {  	[spmem:s1] =	stream.indirect.scatter.add.f32 [tilespmem:s20], [sflag:$0x2], $0x80, s3, s24, $0xb8;
	[tilespmem:$0x1E000] =	vst v63  }
0x86: {  	_ =	swait.ge [sflag:s21], $0x4000  }
0x87: {  	[sflag:s21] =	ssyncset.done $0x0  }
0x88: {  	[sflag:s21] =	ssyncadd.s32 $0xFFFFC000  }
0x89: {  	[tilespmem:s20], [sflag:$0x1] =	stream.indirect.gather [hbm4b:s4+s24], $0x80, s5, s24, $0xb8;
	[tilespmem:$0x1E000] =	vst v63  }
0x8a: {  	_ =	swait.ge [sflag:s28], $0x4000  }
0x8b: {  	[sflag:s28] =	ssyncset.done $0x0  }
0x8c: {  	[sflag:s28] =	ssyncadd.s32 $0xFFFFC000  }
0x8d: {  	[spmem:s1] =	stream.indirect.scatter.add.f32 [tilespmem:s20], [sflag:$0x2], $0x80, s9, s24, $0xb8;
	[tilespmem:$0x1E000] =	vst v63  }
0x8e: {  	_ =	swait.ge [sflag:s21], $0x4000  }
0x8f: {  	[sflag:s21] =	ssyncset.done $0x0  }
0x90: {  	[sflag:s21] =	ssyncadd.s32 $0xFFFFC000  }
0x91: {  	[tilespmem:s20], [sflag:$0x1] =	stream.indirect.gather [hbm4b:s4+s24], $0x80, s11, s24, $0xb8;
	[tilespmem:$0x1E000] =	vst v63  }
0x92: {  	_ =	swait.ge [sflag:s28], $0x4000  }
0x93: {  	[sflag:s28] =	ssyncset.done $0x0  }
0x94: {  	[sflag:s28] =	ssyncadd.s32 $0xFFFFC000  }
0x95: {  	[spmem:s1] =	stream.indirect.scatter.add.f32 [tilespmem:s20], [sflag:$0x2], $0x80, s12, s24, $0xb8;
	[tilespmem:$0x1E000] =	vst v63  }
0x96: {  	_ =	swait.ge [sflag:s21], $0x4000  }
0x97: {  	[sflag:s21] =	ssyncset.done $0x0  }
0x98: {  	[sflag:s21] =	ssyncadd.s32 $0xFFFFC000  }
0x99: {  	[tilespmem:s20], [sflag:$0x1] =	stream.indirect.gather [hbm4b:s4+s24], $0x80, s14, s24, $0xb8;
	[tilespmem:$0x1E000] =	vst v63  }
0x9a: {  	_ =	swait.ge [sflag:s28], $0x4000  }
0x9b: {  	[sflag:s28] =	ssyncset.done $0x0  }
0x9c: {  	[sflag:s28] =	ssyncadd.s32 $0xFFFFC000  }
0x9d: {  	[spmem:s1] =	stream.indirect.scatter.add.f32 [tilespmem:s20], [sflag:$0x2], $0x80, s15, s24, $0xb8;
	[tilespmem:$0x1E000] =	vst v63  }
0x9e: {  	_ =	swait.ge [sflag:s21], $0x4000  }
0x9f: {  	[sflag:s21] =	ssyncset.done $0x0  }
0xa0: {  	[sflag:s21] =	ssyncadd.s32 $0xFFFFC000  }
0xa1: {  	[tilespmem:s20], [sflag:$0x1] =	stream.indirect.gather [hbm4b:s4+s24], $0x80, s16, s24, $0xb8;
	[tilespmem:$0x1E000] =	vst v63  }
0xa2: {  	s18 =	sadd.s32 $0x1, s18;
	_ =	swait.ge [sflag:s28], $0x4000  }
0xa3: {  	p1 =	sne.s32 s18, $0x62;
	[sflag:s28] =	ssyncset.done $0x0  }
.Ltmp2:
0xa4: {  	[sflag:s28] =	ssyncadd.s32 $0xFFFFC000;
	(pc) =	sbr.rel @p1 .LBB2_5-.Ltmp2, $4  }
0xa5: {  	[spmem:s1] =	stream.indirect.scatter.add.f32 [tilespmem:s20], [sflag:$0x2], $0x80, s17, s24, $0xb8;
	[tilespmem:$0x1E000] =	vst v63  }
0xa6: {  	_ =	swait.ge [sflag:s21], $0x4000  }
0xa7: {  	[sflag:s21] =	ssyncset.done $0x0  }
0xa8: {  	s23 =	sadd.s32 $0x400, s23;
	[sflag:s21] =	ssyncadd.s32 $0xFFFFC000  }
0xa9: {  	s18 =	rddreg [dreg:$0x6]  }
0xaa: {  	s19 =	rddreg [dreg:$0x11]  }
0xab: {  	s23 =	stileid.u32;
	[bflag:$0x0] =	sbarrier.arrive $0xFFFF;
	s18 =	sadd.s32 s18, s19  }
0xac: {  	s19 =	sshll.u32 s23, $0x6;
	s22 =	rddreg [dreg:$0x5];
	s18 =	sshll.u32 s18, $0x4  }
0xad: {  	s26 =	rddreg [dreg:$0xf];
	s19 =	sor.u32 $0x1C02, s19;
	s18 =	sadd.s32 s22, s18  }
0xae: {  	[hbm:s18], [sflag:s19] =	dma.local [spmem:s26], $0x3100  }
0xaf: {  	_ =	swait.ge [sflag:s21], $0x3100  }
0xb0: {  	s29 =	rddreg [dreg:$0x10]  }
0xb1: {  	s22 =	sadd.s32 $0x1, s29  }
0xb2: {  	p1 =	sne.s32 s22, $0x4  }
.Ltmp3:
0xb3: {  	_ = 	snop;
	(pc) =	sbr.rel @p1 .LBB2_2-.Ltmp3, $3  }
0xb4: {  	[sflag:s21] =	ssyncset.done $0x0  }
0xb5: {  	[sflag:s21] =	ssyncadd.s32 $0xFFFFCF00  }
0xb6: {  	[bflag:$0x0] =	sbarrier.arrive $0xFFFF;
	_ =	sdelay $0x1  }
0xb7: {  	s18 =	rddreg [dreg:$0x3]  }
0xb8: {  	s19 =	rddreg [dreg:$0x8];
	s18 =	sadd.s32 $0x1, s18  }
0xb9: {  	p1 =	sne.s32 s18, s19  }
.Ltmp4:
0xba: {  	_ = 	snop;
	(pc) =	sbr.rel @p1 .LBB2_1-.Ltmp4, $1  }
0xbb: {  	_ =	sdelay $0x3  }
0xbc: {  	_ =	sfence.sel $0x180000  }
0xbd: {  	[bflag:$0x0] =	sbarrier.arrive $0xFFFF  }
0xbe: {  	_ =	strace $0x9000004A  }
0xbf: {  	s0 =	stileid.u32;
	[bflag:$0x2] =	sbarrier.arrive $0xFFFF  }
0xc0: {  	p0 =	sne.s32 s0, $0x0;
	s0 =	rddreg [dreg:$0x2]  }
0xc1: {  	s0 =	sadd.s32 @!p0 $0x100000, s0  }
0xc2: {  	[sflag:s0] =	ssyncadd.tile.s32 @!p0 $0x1;
	_ =	shalt  }
.Lfunc_end2:
_tile_overlayer_lowered:
.L_overlay_start_2:
0xc3: {  	(tag) =	ssettag $0x2  }
0xc4: {  	s0 =	rddreg [dreg:$0x0];
	s2 =	stileid.u32  }
0xc5: {  	s1 =	rddreg [dreg:$0x1];
	p0 =	sne.s32 s2, $0x0  }
0xc6: {  	s3 =	rddreg [dreg:$0x2];
	[bflag:$0x3] =	sbarrier.arrive $0xFFFF;
	s2 =	simm.s32 @!p0 $0x1C02  }
0xc7: {  	[timem:s3], [sflag:s2] =	dma.local @!p0 [hbm:s0], s1  }
0xc8: {  	s0 =	simm.s32 @!p0 $0x2  }
0xc9: {  	_ =	swait.ge @!p0 [sflag:s0], s1  }
0xca: {  	s1 =	ssub.s32 @!p0 $0x0, s1;
	[sflag:s0] =	ssyncset.done @!p0 $0x0  }
0xcb: {  	[sflag:s0] =	ssyncadd.s32 @!p0 s1  }
0xcc: {  	[bflag:$0x3] =	sbarrier.arrive $0xFFFF  }
0xcd: {  	_ =	shalt  }

// kernel: kernel.18.cloned.1.call-start
scs
__scs_entry_jumppad:
0x0: {  	(pc) =	sbr.rel $0x88, $3  }
0x1: {  	(tag) =	ssettag $0x0;
	lr =	simm.s32 $0x1  }
0x2: {  	[smem:$0x3F90] =	sst lr;
	_ =	strace $0xD0000000  }
0x3: {  	_ = 	snop  }
0x4: {  	_ = 	snop  }
0x5: {  	_ = 	snop  }
0x6: {  	_ = 	snop  }
0x7: {  	_ = 	snop  }
__scs_overlays_trampoline_lowered:
0x8: {  	[smem:$0x3F9F] =	sst s0  }
0x9: {  	[smem:$0x3FA0] =	sst s1  }
0xa: {  	[smem:$0x3FA1] =	sst s2  }
0xb: {  	[smem:$0x3FA2] =	sst s3  }
0xc: {  	[smem:$0x3FA3] =	sst s4  }
0xd: {  	[smem:$0x3FA4] =	sst s5  }
0xe: {  	[smem:$0x3FA5] =	sst s6  }
0xf: {  	[smem:$0x3FA6] =	sst s7  }
0x10: {  	[smem:$0x3FA7] =	sst s8  }
0x11: {  	[smem:$0x3FA8] =	sst s9;
	s0 =	simm.s32 @!p0 $0x0  }
0x12: {  	s1 =	sld [smem:$0x3F8E];
	s0 =	simm.s32 @p0 $0x1  }
0x13: {  	[smem:$0x3FA9] =	sst s0;
	s0 =	simm.s32 @!p1 $0x0  }
0x14: {  	s2 =	sld [smem:$0x3F8D];
	s0 =	simm.s32 @p1 $0x1  }
0x15: {  	[smem:$0x3FAA] =	sst s0;
	s0 =	simm.s32 @!p2 $0x0  }
0x16: {  	s3 =	sld [smem:$0x3FDB];
	s0 =	simm.s32 @p2 $0x1  }
0x17: {  	s4 =	simm.s32 $0x1BF5;
	[smem:$0x3FAC] =	sst s0  }
0x18: {  	s0 =	sld [smem:$0x3F8F];
	_ =	swait.ge [sflag:s4], $0x0  }
0x19: {  	s7 =	sld [smem:$0x3F90]  }
0x1a: {  	s8 =	sadd.s32 $0xFFFFE003, lr  }
0x1b: {  	s9 =	sadd.s32 $0xFFFFFEF7, lr;
	s5 =	simm.s32 $0xFFFFFFFF;
	p2 =	slt.u32 s8, $0xFFFFF086  }
0x1c: {  	p1 =	slt.u32 s9, $0xF7A;
	s5 =	simm.s32 @!p2 $0x0  }
0x1d: {  	s5 =	simm.s32 @p1 $0x1;
	p0 =	seq.s32 s7, s2  }
0x1e: {  	s7 =	smul.u32 @!p0 $0xF7A, s2;
	p2 =	seq.s32 @!p0 s5, $0x0  }
0x1f: {  	s9 =	smul.u32 $0xF7A, s1;
	s8 =	simm.s32 @!p0 $0x1BF5;
	p2 =	por !p2, p0  }
0x20: {  	[sflag:s8] =	ssyncset.s32 @!p0 $0xFFFFF086;
	s6 =	sadd.s32 @!p0 s3, s7;
	s7 =	simm.s32 @!p0 $0x108  }
0x21: {  	s3 =	sadd.s32 s3, s9;
	s6 =	sadd.s32 @!p0 $0x88, s6;
	s7 =	simm.s32 @p2 $0x1082  }
0x22: {  	[simem:s7], [sflag:s8] =	dma.local @!p0 [hbm:s6], $0xF7A  }
0x23: {  	s9 =	sor.u32 $0xD0000000, s2;
	s6 =	simm.s32 $0x108;
	_ =	swait.ge @!p0 [sflag:s8], $0x0  }
0x24: {  	s3 =	sadd.s32 $0x88, s3;
	s6 =	simm.s32 @!p1 $0x1082;
	[sflag:s4] =	ssyncset.s32 $0xFFFFF086  }
0x25: {  	[simem:s6], [sflag:s4] =	dma.local [hbm:s3], $0xF7A  }
0x26: {  	[smem:$0x3F90] =	sst s1;
	(tag) =	ssettag s2;
	_ =	strace s9  }
0x27: {  	s1 =	sld [smem:$0x3FA0]  }
0x28: {  	s2 =	sld [smem:$0x3FA1]  }
0x29: {  	s4 =	sld [smem:$0x3FA3]  }
0x2a: {  	p0 =	seq.s32 s5, $0x0;
	s5 =	sld [smem:$0x3FA4]  }
0x2b: {  	s6 =	sld [smem:$0x3FA5]  }
0x2c: {  	s7 =	sld [smem:$0x3FA6]  }
0x2d: {  	s3 =	simm.s32 $0x108;
	s8 =	sld [smem:$0x3FA7]  }
0x2e: {  	s3 =	simm.s32 @!p0 $0x1082;
	s9 =	sld [smem:$0x3FA8]  }
0x2f: {  	lr =	sadd.s32 s0, s3;
	s0 =	sld [smem:$0x3F9F]  }
0x30: {  	s3 =	sld [smem:$0x3FA2]  }
0x31: {  	[smem:$0x3FAB] =	sst s10  }
0x32: {  	s10 =	sld [smem:$0x3FA9];
	_ =	sdelay $0x3  }
0x33: {  	p0 =	seq.s32 s10, $0x1;
	s10 =	sld [smem:$0x3FAB];
	_ =	sdelay $0x3  }
0x34: {  	[smem:$0x3FAB] =	sst s10  }
0x35: {  	s10 =	sld [smem:$0x3FAA];
	_ =	sdelay $0x3  }
0x36: {  	p1 =	seq.s32 s10, $0x1;
	s10 =	sld [smem:$0x3FAB];
	_ =	sdelay $0x3  }
0x37: {  	[smem:$0x3FAB] =	sst s10  }
0x38: {  	s10 =	sld [smem:$0x3FAC]  }
0x39: {  	_ = 	snop;
	(pc) =	sbr.ind lr, $3  }
0x3a: {  	_ = 	snop  }
0x3b: {  	_ = 	snop  }
0x3c: {  	p2 =	seq.s32 s10, $0x1;
	s10 =	sld [smem:$0x3FAB]  }
0x3d: {  	_ =	shalt  }
0x3e: {  	_ =	shalt  }
0x3f: {  	_ =	shalt  }
0x40: {  	_ =	shalt  }
0x41: {  	_ =	shalt  }
0x42: {  	_ =	shalt  }
0x43: {  	_ =	shalt  }
0x44: {  	_ =	shalt  }
0x45: {  	_ =	shalt  }
0x46: {  	_ =	shalt  }
0x47: {  	_ =	shalt  }
0x48: {  	_ =	shalt  }
0x49: {  	_ =	shalt  }
0x4a: {  	_ =	shalt  }
0x4b: {  	_ =	shalt  }
0x4c: {  	_ =	shalt  }
0x4d: {  	_ =	shalt  }
0x4e: {  	_ =	shalt  }
0x4f: {  	_ =	shalt  }
0x50: {  	_ =	shalt  }
0x51: {  	_ =	shalt  }
0x52: {  	_ =	shalt  }
0x53: {  	_ =	shalt  }
0x54: {  	_ =	shalt  }
0x55: {  	_ =	shalt  }
0x56: {  	_ =	shalt  }
0x57: {  	_ =	shalt  }
0x58: {  	_ =	shalt  }
0x59: {  	_ =	shalt  }
0x5a: {  	_ =	shalt  }
0x5b: {  	_ =	shalt  }
0x5c: {  	_ =	shalt  }
0x5d: {  	_ =	shalt  }
0x5e: {  	_ =	shalt  }
0x5f: {  	_ =	shalt  }
0x60: {  	_ =	shalt  }
0x61: {  	_ =	shalt  }
0x62: {  	_ =	shalt  }
0x63: {  	_ =	shalt  }
0x64: {  	_ =	shalt  }
0x65: {  	_ =	shalt  }
0x66: {  	_ =	shalt  }
0x67: {  	_ =	shalt  }
0x68: {  	_ =	shalt  }
0x69: {  	_ =	shalt  }
0x6a: {  	_ =	shalt  }
0x6b: {  	_ =	shalt  }
0x6c: {  	_ =	shalt  }
0x6d: {  	_ =	shalt  }
0x6e: {  	_ =	shalt  }
0x6f: {  	_ =	shalt  }
0x70: {  	_ =	shalt  }
0x71: {  	_ =	shalt  }
0x72: {  	_ =	shalt  }
0x73: {  	_ =	shalt  }
0x74: {  	_ =	shalt  }
0x75: {  	_ =	shalt  }
0x76: {  	_ =	shalt  }
0x77: {  	_ =	shalt  }
0x78: {  	_ =	shalt  }
0x79: {  	_ =	shalt  }
0x7a: {  	_ =	shalt  }
0x7b: {  	_ =	shalt  }
0x7c: {  	_ =	shalt  }
0x7d: {  	_ =	shalt  }
0x7e: {  	_ =	shalt  }
0x7f: {  	_ =	shalt  }
0x80: {  	_ =	shalt  }
0x81: {  	_ =	shalt  }
0x82: {  	_ =	shalt  }
0x83: {  	_ =	shalt  }
0x84: {  	_ =	shalt  }
0x85: {  	_ =	shalt  }
0x86: {  	_ =	shalt  }
0x87: {  	_ =	shalt  }
.Lfunc_end0:
.L_simem_size_0:
called_computation.2_lowered:
.L_overlay_start_0:
0x88: {  	s2 =	sld [smem:$0x3FD9]  }
0x89: {  	s3 =	sld [smem:$0x3FFE];
	_ =	sdelay $0x1  }
0x8a: {  	s1 =	srdreg.scid  }
0x8b: {  	s0 =	sand.u32 $0x1, s1  }
0x8c: {  	s16 =	sshll.u32 s0, $0xA;
	s2 =	sadd.s32 s3, s2  }
0x8d: {  	s2 =	sadd.s32 s2, s16  }
0x8e: {  	[smem:$0x3FB7] =	sst s2  }
0x8f: {  	_ = 	snop  }
0x90: {  	(tm) =	ssettm $0x1  }
0x91: {  	s17 =	sld [smem:$0x3FFB];
	_ =	sdelay $0x3  }
0x92: {  	_ =	strace s17  }
0x93: {  	s2 =	sld [smem:$0x3FFC];
	_ =	sdelay $0x3  }
0x94: {  	_ =	strace s2  }
0x95: {  	s2 =	sld [smem:$0x3FFD];
	_ =	sdelay $0x3  }
0x96: {  	_ =	strace s2  }
0x97: {  	_ =	strace $0x8FFFFFFF  }
0x98: {  	s18 =	sld [smem:$0x3FDB];
	_ =	sdelay $0x1  }
0x99: {  	s19 =	simm.s32 $_scs_section_size  }
0x9a: {  	s4 =	simm.s32 $_size__tile_overlayer_lowered;
	s5 =	simm.s32 $_tile_overlayer_lowered  }
0x9b: {  	s22 =	simm.s32 $0x1BFF;
	s21 =	sshll.u32 s5, $0x1;
	s2 =	sadd.s32 s19, s18  }
0x9c: {  	s6 =	simm.s32 $0x0;
	s20 =	sshll.u32 s4, $0x1;
	s4 =	sadd.s32 s21, s2  }
0x9d: {  	[timem:s6], [sflag:s22] =	dma.local [hbm:s4], s20  }
0x9e: {  	_ =	swait.ge [sflag:s22], s20  }
0x9f: {  	s3 =	ssub.s32 $0x0, s20;
	[sflag:s22] =	ssyncset.done $0x0  }
0xa0: {  	[sflag:s22] =	ssyncadd.s32 s3;
	_ =	sdelay $0x1  }
0xa1: {  	s23 =	simm.s32 $0x1B8B  }
0xa2: {  	_ =	swait.ge [sflag:s23], $0x1  }
0xa3: {  	[sflag:s23] =	ssyncset.done $0x0  }
0xa4: {  	s25 =	simm.s32 $0x1B8E;
	s24 =	sld [smem:$0x3FFE];
	[sflag:s23] =	ssyncadd.s32 $0xFFFFFFFF  }
0xa5: {  	s26 =	simm.s32 $execute0_lowered;
	[smem:$0x3FD2] =	sst s25  }
0xa6: {  	s4 =	sshll.u32 s26, $0x1;
	_ =	strace $0x8000004C;
	[dreg:$0x1] =	wrdreg $0xFFFFFFFF  }
0xa7: {  	s28 =	simm.s32 $_size_execute0_lowered;
	s2 =	sadd.s32 s2, s4;
	[dreg:$0x0] =	wrdreg $0x0  }
0xa8: {  	s4 =	sshll.u32 s28, $0x1;
	[dreg:$0x2] =	wrdreg s2  }
0xa9: {  	[dreg:$0x3] =	wrdreg s4  }
0xaa: {  	[dreg:$0x4] =	wrdreg $0xC0  }
0xab: {  	_ =	task [dreg:s6], $0x5FFFF  }
0xac: {  	[dreg:$0x1] =	wrdreg $0xFFFFFFFF  }
0xad: {  	[dreg:$0x0] =	wrdreg $0x60  }
0xae: {  	[dreg:$0x2] =	wrdreg s24  }
0xaf: {  	[dreg:$0x3] =	wrdreg $0x54000  }
0xb0: {  	[dreg:$0x4] =	wrdreg $0x9  }
0xb1: {  	_ =	task.clear_ibuf [dreg:s6], $0x5FFFF;
	_ =	strace $0x9000004C  }
0xb2: {  	s29 =	simm.s32 $0x9;
	_ =	strace $0x8000004E  }
0xb3: {  	_ =	swait.ge [sflag:s29], $0x1  }
0xb4: {  	[sflag:s29] =	ssyncadd.s32 $0xFFFFFFFF  }
0xb5: {  	_ =	strace $0x9000004E  }
0xb6: {  	_ =	sfence  }
0xb7: {  	s30 =	sld [smem:$0x0];
	_ =	sdelay $0x2  }
0xb8: {  	s31 =	sshll.u32 s1, $0xD;
	s1 =	sshrl.u32 s1, $0x2  }
0xb9: {  	s3 =	sand.u32 $0x4000, s31;
	s1 =	sadd.s32 s1, s30  }
0xba: {  	s0 =	sor.u32 s3, s0;
	s1 =	sshll.u32 s1, $0x11  }
0xbb: {  	s0 =	sor.u32 s1, s0  }
0xbc: {  	s0 =	sadd.s32 $0x8F2B, s0  }
0xbd: {  	[sflag:s0] =	ssyncadd.remote.s32 $0x1  }
0xbe: {  	_ =	sfence.sel $0xFFFF  }
0xbf: {  	[dreg:$0x0] =	wrdreg $0xFFFFFFFF;
	(pc) =	sbr.abs _section_cstart, $3  }
0xc0: {  	[dreg:$0x1] =	wrdreg $0xFFFFFFFF  }
0xc1: {  	_ =	task.clear_ibuf [dreg:s6], $0x2FFFF;
	_ =	strace $0x9FFFFFFF  }
0xc2: {  	(tm) =	ssettm $0x7FFFFFFF  }
0xc3: {  	_ =	shalt  }
tec
execute0_lowered:
.L_overlay_start_1:
0x0: {  	(tag) =	ssettag $0x1  }
0x1: {  	s0 =	rddreg [dreg:$0x0]  }
0x2: {  	s1 =	rddreg [dreg:$0x1]  }
0x3: {  	s18 =	simm.s32 $0x0;
	s2 =	srdreg.scid;
	s9 =	stileid.u32  }
0x4: {  	s28 =	simm.s32 $0x1;
	s30 =	simm.s32 $0xC80;
	s31 =	simm.s32 $0x1080  }
0x5: {  	s13 =	simm.s32 $0x1100;
	s11 =	simm.s32 $0xE80;
	s12 =	simm.s32 $0x1280  }
0x6: {  	s14 =	simm.s32 $0xF00;
	s15 =	simm.s32 $0x1300;
	[smem:$0x7FF] =	sst s18  }
0x7: {  	s4 =	sadd.s32 $0x529200, s0;
	s2 =	sand.u32 $0x1, s2;
	s6 =	sadd.s32 $0x2A00, s0  }
0x8: {  	s7 =	sadd.s32 $0x33800, s0;
	s5 =	smul.u32 $0x62000, s9;
	s8 =	sadd.s32 $0x64600, s0  }
0x9: {  	s0 =	sadd.s32 $0xFD7800, s0;
	s10 =	smul.u32 $0x186A0, s9;
	s19 =	sshll.u32 s9, $0xE  }
0xa: {  	s20 =	smul.u32 $0x310, s9;
	s23 =	sor.u32 $0x60, s9;
	s9 =	simm.s32 $0x1200  }
0xb: {  	_ =	strace $0x8000004D;
	[dreg:$0x4] =	wrdreg s2;
	s2 =	ssub.s32 $0x2, s2  }
0xc: {  	[dreg:$0x5] =	wrdreg s0;
	s21 =	sadd.s32 s19, s1;
	s25 =	sshll.u32 s23, $0xE  }
0xd: {  	p0 =	sgt.u32 s23, $0x62;
	s3 =	sshrl.u32 s2, $0x1;
	[dreg:$0x6] =	wrdreg s20  }
0xe: {  	s17 =	sshrl.u32 s5, $0x2;
	s22 =	sadd.s32 $0x40000, s21;
	[dreg:$0x7] =	wrdreg s21  }
0xf: {  	s24 =	sadd.s32 $0xC0000, s21;
	s26 =	sadd.s32 $0x100000, s21;
	[dreg:$0x9] =	wrdreg s22  }
0x10: {  	s5 =	sadd.s32 $0x140000, s21;
	s20 =	simm.s32 $0x1400;
	[dreg:$0xb] =	wrdreg s24  }
0x11: {  	s16 =	ssub.s32 s2, s3;
	s2 =	sadd.s32 s17, s1;
	[dreg:$0xc] =	wrdreg s26  }
0x12: {  	s3 =	sadd.s32 $0x80000, s21;
	[dreg:$0xd] =	wrdreg s5;
	s21 =	simm.s32 $0x2  }
0x13: {  	s24 =	simm.s32 $0x80;
	s5 =	simm.s32 $0xE00;
	s17 =	simm.s32 $0x1380  }
0x14: {  	s0 =	smax.u32 s16, $0x1;
	[dreg:$0xa] =	wrdreg s3;
	s3 =	sadd.s32 s25, s1  }
0x15: {  	s29 =	sshrl.u32 s2, $0x3;
	s2 =	simm.s32 $0xD80;
	[dreg:$0x8] =	wrdreg s0  }
0x16: {  	s16 =	simm.s32 $0xF80;
	s25 =	simm.s32 $0x0;
	[dreg:$0xe] =	wrdreg s3  }
0x17: {  	v0 =	vimm.f32 $0.0e+00;
	[dreg:$0xf] =	wrdreg s29;
	s0 =	simm.s32 $0xD00;
	s3 =	simm.s32 $0x1180  }
.LBB2_1:
0x18: {  	[dreg:$0x3] =	wrdreg s18;
	s22 =	simm.s32 $0x0  }
.LBB2_2:
0x19: {  	s18 =	simm.s32 $0x0;
	s19 =	simm.s32 $0x200  }
.LBB2_3:
0x1a: {  	p1 =	sne.s32 s19, $0xFE00;
	[tilespmem:s18+$0x1470] =	vst v0  }
0x1b: {  	[tilespmem:s18+$0x1400] =	vst v0  }
0x1c: {  	[tilespmem:s18+$0x1410] =	vst v0  }
.Ltmp0:
0x1d: {  	[tilespmem:s18+$0x1420] =	vst v0;
	(pc) =	sbr.rel @p1 .LBB2_3-.Ltmp0, $4  }
0x1e: {  	[tilespmem:s18+$0x1430] =	vst v0  }
0x1f: {  	[tilespmem:s18+$0x1440] =	vst v0  }
0x20: {  	[tilespmem:s18+$0x1450] =	vst v0  }
0x21: {  	[tilespmem:s18+$0x1460] =	vst v0;
	s18 =	sshra.s32 s19, $0x2;
	s19 =	sadd.s32 $0x200, s19  }
0x22: {  	[tilespmem:s18+$0x1470] =	vst v0  }
0x23: {  	[tilespmem:s18+$0x1400] =	vst v0  }
0x24: {  	[tilespmem:s18+$0x1410] =	vst v0  }
0x25: {  	[tilespmem:s18+$0x1420] =	vst v0  }
0x26: {  	[tilespmem:s18+$0x1430] =	vst v0  }
0x27: {  	[tilespmem:s18+$0x1440] =	vst v0  }
0x28: {  	[tilespmem:s18+$0x1450] =	vst v0  }
0x29: {  	[tilespmem:s18+$0x1460] =	vst v0;
	s29 =	rddreg [dreg:$0x7]  }
0x2a: {  	[spmem:s29] =	stream.linear.scatter [tilespmem:s20], [sflag:$0x2], $0x4000, $0x38;
	[tilespmem:$0x1E000] =	vst v63  }
0x2b: {  	_ =	swait.ge [sflag:s21], $0x4000  }
0x2c: {  	[sflag:s21] =	ssyncset.done $0x0  }
0x2d: {  	s19 =	rddreg [dreg:$0x9];
	[sflag:s21] =	ssyncadd.s32 $0xFFFFC000  }
0x2e: {  	[spmem:s19] =	stream.linear.scatter [tilespmem:s20], [sflag:$0x2], $0x4000, $0x38;
	[tilespmem:$0x1E000] =	vst v63  }
0x2f: {  	_ =	swait.ge [sflag:s21], $0x4000  }
0x30: {  	[sflag:s21] =	ssyncset.done $0x0  }
0x31: {  	s23 =	rddreg [dreg:$0xa];
	[sflag:s21] =	ssyncadd.s32 $0xFFFFC000  }
0x32: {  	[spmem:s23] =	stream.linear.scatter [tilespmem:s20], [sflag:$0x2], $0x4000, $0x38;
	[tilespmem:$0x1E000] =	vst v63  }
0x33: {  	_ =	swait.ge [sflag:s21], $0x4000  }
0x34: {  	[sflag:s21] =	ssyncset.done $0x0  }
0x35: {  	s26 =	rddreg [dreg:$0xb];
	[sflag:s21] =	ssyncadd.s32 $0xFFFFC000  }
0x36: {  	[spmem:s26] =	stream.linear.scatter [tilespmem:s20], [sflag:$0x2], $0x4000, $0x38;
	[tilespmem:$0x1E000] =	vst v63  }
0x37: {  	_ =	swait.ge [sflag:s21], $0x4000  }
0x38: {  	[sflag:s21] =	ssyncset.done $0x0  }
0x39: {  	s29 =	rddreg [dreg:$0xc];
	[sflag:s21] =	ssyncadd.s32 $0xFFFFC000  }
0x3a: {  	[spmem:s29] =	stream.linear.scatter [tilespmem:s20], [sflag:$0x2], $0x4000, $0x38;
	[tilespmem:$0x1E000] =	vst v63  }
0x3b: {  	_ =	swait.ge [sflag:s21], $0x4000  }
0x3c: {  	[sflag:s21] =	ssyncset.done $0x0  }
0x3d: {  	s19 =	rddreg [dreg:$0xd];
	[sflag:s21] =	ssyncadd.s32 $0xFFFFC000  }
0x3e: {  	[spmem:s19] =	stream.linear.scatter [tilespmem:s20], [sflag:$0x2], $0x4000, $0x38;
	[tilespmem:$0x1E000] =	vst v63  }
0x3f: {  	_ =	swait.ge [sflag:s21], $0x4000  }
0x40: {  	[sflag:s21] =	ssyncset.done $0x0  }
0x41: {  	s18 =	simm.s32 @!p0 $0x1400;
	s19 =	rddreg [dreg:$0xe];
	[sflag:s21] =	ssyncadd.s32 $0xFFFFC000  }
0x42: {  	[spmem:s19] =	stream.linear.scatter @!p0 [tilespmem:s18], [sflag:$0x2], $0x4000, $0x38;
	[tilespmem:$0x1E000] =	vst v63  }
0x43: {  	s18 =	simm.s32 @!p0 $0x2  }
0x44: {  	_ =	swait.ge @!p0 [sflag:s18], $0x4000  }
0x45: {  	s23 =	sshll.u32 s22, $0x1;
	s26 =	rddreg [dreg:$0x4]  }
0x46: {  	[sflag:s18] =	ssyncset.done @!p0 $0x0;
	s19 =	sor.u32 s26, s23  }
0x47: {  	[dreg:$0x10] =	wrdreg s22;
	[sflag:s18] =	ssyncadd.s32 @!p0 $0xFFFFC000;
	s29 =	smul.u32 $0x3100, s19  }
0x48: {  	[bflag:$0x0] =	sbarrier.arrive $0xFFFF  }
0x49: {  	s23 =	simm.s32 $0x0;
	s18 =	simm.s32 $0x0;
	[dreg:$0x11] =	wrdreg s29;
	v1 =	vmov s29  }
.LBB2_5:
0x4a: {  	s19 =	sshll.u32 s18, $0xA  }
0x4b: {  	s19 =	sadd.s32 s10, s19  }
0x4c: {  	s19 =	sshrl.u32 s19, $0x3  }
0x4d: {  	s22 =	sadd.s32 s6, s19  }
0x4e: {  	[tilespmem:s25], [sflag:$0x2] =	stream.linear.gather [hbm4b:s22+s25], $0x400, $0x38;
	[tilespmem:$0x1E000] =	vst v63  }
0x4f: {  	_ =	swait.ge [sflag:s21], $0x400  }
0x50: {  	[sflag:s21] =	ssyncset.done $0x0  }
0x51: {  	s26 =	simm.s32 $0x400;
	s29 =	sadd.s32 s7, s19;
	[sflag:s21] =	ssyncadd.s32 $0xFFFFFC00  }
0x52: {  	[tilespmem:s26], [sflag:$0x2] =	stream.linear.gather [hbm4b:s29+s25], $0x400, $0x38;
	[tilespmem:$0x1E000] =	vst v63  }
0x53: {  	_ =	swait.ge [sflag:s21], $0x400  }
0x54: {  	[sflag:s21] =	ssyncset.done $0x0  }
0x55: {  	s19 =	sadd.s32 s8, s19;
	s29 =	simm.s32 $0x800;
	[sflag:s21] =	ssyncadd.s32 $0xFFFFFC00  }
0x56: {  	[tilespmem:s29], [sflag:$0x2] =	stream.linear.gather [hbm4b:s19+s25], $0x400, $0x38;
	[tilespmem:$0x1E000] =	vst v63  }
0x57: {  	_ =	swait.ge [sflag:s21], $0x400  }
0x58: {  	[sflag:s21] =	ssyncset.done $0x0  }
0x59: {  	s22 =	simm.s32 $0x0;
	[sflag:s21] =	ssyncadd.s32 $0xFFFFFC00  }
0x5a: {  	v3 =	vld [tilespmem:s22+$0x400]  }
0x5b: {  	v4 =	vld [tilespmem:s22+$0x800];
	_ =	sdelay $0x1  }
0x5c: {  	v2 =	vld [tilespmem:s22+$0x0]  }
0x5d: {  	s26 =	simm.s32 $0x40;
	s19 =	smov.u32 s23  }
.LBB2_6:
0x5e: {  	s29 =	sshra.s32 s26, $0x2;
	p1 =	sne.s32 s26, $0xFC0;
	s26 =	sadd.s32 $0x40, s26;
	v5 =	vsub.s32 v3, v1  }
.Ltmp1:
0x5f: {  	p2 =	slt.u32 s19, $0x186A0;
	v3 =	vld [tilespmem:s29+$0x400];
	v6 =	vmul.u32 $0x186A0, v4;
	v5 =	vmin.u32 v5, $0x3100;
	(pc) =	sbr.rel @p1 .LBB2_6-.Ltmp1, $4  }
0x60: {  	v4 =	vld [tilespmem:s29+$0x800];
	v5 =	vpsel !p2, $0x3100, v5  }
0x61: {  	v6 =	vadd.s32 v2, v6;
	v2 =	vld [tilespmem:s29+$0x0];
	[tilespmem:s22+$0x1000] =	vst v5  }
0x62: {  	[tilespmem:s22+$0xC00] =	vst v6;
	s22 =	smov.u32 s29  }
0x63: {  	s19 =	sadd.s32 $0x10, s19  }
0x64: {  	v3 =	vsub.s32 v3, v1  }
0x65: {  	p1 =	slt.u32 s19, $0x186A0;
	v4 =	vmul.u32 $0x186A0, v4;
	v3 =	vmin.u32 v3, $0x3100  }
0x66: {  	v3 =	vpsel !p1, $0x3100, v3  }
0x67: {  	v2 =	vadd.s32 v2, v4;
	[tilespmem:s22+$0x1000] =	vst v3  }
0x68: {  	s26 =	simm.s32 $0xC00;
	[tilespmem:s22+$0xC00] =	vst v2  }
0x69: {  	[tilespmem:s20], [sflag:$0x1] =	stream.indirect.gather [hbm4b:s4+s24], $0x80, s26, s24, $0xb8;
	[tilespmem:$0x1E000] =	vst v63  }
0x6a: {  	_ =	swait.ge [sflag:s28], $0x4000  }
0x6b: {  	[sflag:s28] =	ssyncset.done $0x0  }
0x6c: {  	s29 =	simm.s32 $0x1000;
	[sflag:s28] =	ssyncadd.s32 $0xFFFFC000  }
0x6d: {  	[spmem:s1] =	stream.indirect.scatter.add.f32 [tilespmem:s20], [sflag:$0x2], $0x80, s29, s24, $0xb8;
	[tilespmem:$0x1E000] =	vst v63  }
0x6e: {  	_ =	swait.ge [sflag:s21], $0x4000  }
0x6f: {  	[sflag:s21] =	ssyncset.done $0x0  }
0x70: {  	[sflag:s21] =	ssyncadd.s32 $0xFFFFC000  }
0x71: {  	[tilespmem:s20], [sflag:$0x1] =	stream.indirect.gather [hbm4b:s4+s24], $0x80, s30, s24, $0xb8;
	[tilespmem:$0x1E000] =	vst v63  }
0x72: {  	_ =	swait.ge [sflag:s28], $0x4000  }
0x73: {  	[sflag:s28] =	ssyncset.done $0x0  }
0x74: {  	[sflag:s28] =	ssyncadd.s32 $0xFFFFC000  }
0x75: {  	[spmem:s1] =	stream.indirect.scatter.add.f32 [tilespmem:s20], [sflag:$0x2], $0x80, s31, s24, $0xb8;
	[tilespmem:$0x1E000] =	vst v63  }
0x76: {  	_ =	swait.ge [sflag:s21], $0x4000  }
0x77: {  	[sflag:s21] =	ssyncset.done $0x0  }
0x78: {  	[sflag:s21] =	ssyncadd.s32 $0xFFFFC000  }
0x79: {  	[tilespmem:s20], [sflag:$0x1] =	stream.indirect.gather [hbm4b:s4+s24], $0x80, s0, s24, $0xb8;
	[tilespmem:$0x1E000] =	vst v63  }
0x7a: {  	_ =	swait.ge [sflag:s28], $0x4000  }
0x7b: {  	[sflag:s28] =	ssyncset.done $0x0  }
0x7c: {  	[sflag:s28] =	ssyncadd.s32 $0xFFFFC000  }
0x7d: {  	[spmem:s1] =	stream.indirect.scatter.add.f32 [tilespmem:s20], [sflag:$0x2], $0x80, s13, s24, $0xb8;
	[tilespmem:$0x1E000] =	vst v63  }
0x7e: {  	_ =	swait.ge [sflag:s21], $0x4000  }
0x7f: {  	[sflag:s21] =	ssyncset.done $0x0  }
0x80: {  	[sflag:s21] =	ssyncadd.s32 $0xFFFFC000  }
0x81: {  	[tilespmem:s20], [sflag:$0x1] =	stream.indirect.gather [hbm4b:s4+s24], $0x80, s2, s24, $0xb8;
	[tilespmem:$0x1E000] =	vst v63  }
0x82: {  	_ =	swait.ge [sflag:s28], $0x4000  }
0x83: {  	[sflag:s28] =	ssyncset.done $0x0  }
0x84: {  	[sflag:s28] =	ssyncadd.s32 $0xFFFFC000  }
0x85: {  	[spmem:s1] =	stream.indirect.scatter.add.f32 [tilespmem:s20], [sflag:$0x2], $0x80, s3, s24, $0xb8;
	[tilespmem:$0x1E000] =	vst v63  }
0x86: {  	_ =	swait.ge [sflag:s21], $0x4000  }
0x87: {  	[sflag:s21] =	ssyncset.done $0x0  }
0x88: {  	[sflag:s21] =	ssyncadd.s32 $0xFFFFC000  }
0x89: {  	[tilespmem:s20], [sflag:$0x1] =	stream.indirect.gather [hbm4b:s4+s24], $0x80, s5, s24, $0xb8;
	[tilespmem:$0x1E000] =	vst v63  }
0x8a: {  	_ =	swait.ge [sflag:s28], $0x4000  }
0x8b: {  	[sflag:s28] =	ssyncset.done $0x0  }
0x8c: {  	[sflag:s28] =	ssyncadd.s32 $0xFFFFC000  }
0x8d: {  	[spmem:s1] =	stream.indirect.scatter.add.f32 [tilespmem:s20], [sflag:$0x2], $0x80, s9, s24, $0xb8;
	[tilespmem:$0x1E000] =	vst v63  }
0x8e: {  	_ =	swait.ge [sflag:s21], $0x4000  }
0x8f: {  	[sflag:s21] =	ssyncset.done $0x0  }
0x90: {  	[sflag:s21] =	ssyncadd.s32 $0xFFFFC000  }
0x91: {  	[tilespmem:s20], [sflag:$0x1] =	stream.indirect.gather [hbm4b:s4+s24], $0x80, s11, s24, $0xb8;
	[tilespmem:$0x1E000] =	vst v63  }
0x92: {  	_ =	swait.ge [sflag:s28], $0x4000  }
0x93: {  	[sflag:s28] =	ssyncset.done $0x0  }
0x94: {  	[sflag:s28] =	ssyncadd.s32 $0xFFFFC000  }
0x95: {  	[spmem:s1] =	stream.indirect.scatter.add.f32 [tilespmem:s20], [sflag:$0x2], $0x80, s12, s24, $0xb8;
	[tilespmem:$0x1E000] =	vst v63  }
0x96: {  	_ =	swait.ge [sflag:s21], $0x4000  }
0x97: {  	[sflag:s21] =	ssyncset.done $0x0  }
0x98: {  	[sflag:s21] =	ssyncadd.s32 $0xFFFFC000  }
0x99: {  	[tilespmem:s20], [sflag:$0x1] =	stream.indirect.gather [hbm4b:s4+s24], $0x80, s14, s24, $0xb8;
	[tilespmem:$0x1E000] =	vst v63  }
0x9a: {  	_ =	swait.ge [sflag:s28], $0x4000  }
0x9b: {  	[sflag:s28] =	ssyncset.done $0x0  }
0x9c: {  	[sflag:s28] =	ssyncadd.s32 $0xFFFFC000  }
0x9d: {  	[spmem:s1] =	stream.indirect.scatter.add.f32 [tilespmem:s20], [sflag:$0x2], $0x80, s15, s24, $0xb8;
	[tilespmem:$0x1E000] =	vst v63  }
0x9e: {  	_ =	swait.ge [sflag:s21], $0x4000  }
0x9f: {  	[sflag:s21] =	ssyncset.done $0x0  }
0xa0: {  	[sflag:s21] =	ssyncadd.s32 $0xFFFFC000  }
0xa1: {  	[tilespmem:s20], [sflag:$0x1] =	stream.indirect.gather [hbm4b:s4+s24], $0x80, s16, s24, $0xb8;
	[tilespmem:$0x1E000] =	vst v63  }
0xa2: {  	s18 =	sadd.s32 $0x1, s18;
	_ =	swait.ge [sflag:s28], $0x4000  }
0xa3: {  	p1 =	sne.s32 s18, $0x62;
	[sflag:s28] =	ssyncset.done $0x0  }
.Ltmp2:
0xa4: {  	[sflag:s28] =	ssyncadd.s32 $0xFFFFC000;
	(pc) =	sbr.rel @p1 .LBB2_5-.Ltmp2, $4  }
0xa5: {  	[spmem:s1] =	stream.indirect.scatter.add.f32 [tilespmem:s20], [sflag:$0x2], $0x80, s17, s24, $0xb8;
	[tilespmem:$0x1E000] =	vst v63  }
0xa6: {  	_ =	swait.ge [sflag:s21], $0x4000  }
0xa7: {  	[sflag:s21] =	ssyncset.done $0x0  }
0xa8: {  	s23 =	sadd.s32 $0x400, s23;
	[sflag:s21] =	ssyncadd.s32 $0xFFFFC000  }
0xa9: {  	s18 =	rddreg [dreg:$0x6]  }
0xaa: {  	s19 =	rddreg [dreg:$0x11]  }
0xab: {  	s23 =	stileid.u32;
	[bflag:$0x0] =	sbarrier.arrive $0xFFFF;
	s18 =	sadd.s32 s18, s19  }
0xac: {  	s19 =	sshll.u32 s23, $0x6;
	s22 =	rddreg [dreg:$0x5];
	s18 =	sshll.u32 s18, $0x4  }
0xad: {  	s26 =	rddreg [dreg:$0xf];
	s19 =	sor.u32 $0x1C02, s19;
	s18 =	sadd.s32 s22, s18  }
0xae: {  	[hbm:s18], [sflag:s19] =	dma.local [spmem:s26], $0x3100  }
0xaf: {  	_ =	swait.ge [sflag:s21], $0x3100  }
0xb0: {  	s29 =	rddreg [dreg:$0x10]  }
0xb1: {  	s22 =	sadd.s32 $0x1, s29  }
0xb2: {  	p1 =	sne.s32 s22, $0x4  }
.Ltmp3:
0xb3: {  	_ = 	snop;
	(pc) =	sbr.rel @p1 .LBB2_2-.Ltmp3, $3  }
0xb4: {  	[sflag:s21] =	ssyncset.done $0x0  }
0xb5: {  	[sflag:s21] =	ssyncadd.s32 $0xFFFFCF00  }
0xb6: {  	[bflag:$0x0] =	sbarrier.arrive $0xFFFF;
	_ =	sdelay $0x1  }
0xb7: {  	s18 =	rddreg [dreg:$0x3]  }
0xb8: {  	s19 =	rddreg [dreg:$0x8];
	s18 =	sadd.s32 $0x1, s18  }
0xb9: {  	p1 =	sne.s32 s18, s19  }
.Ltmp4:
0xba: {  	_ = 	snop;
	(pc) =	sbr.rel @p1 .LBB2_1-.Ltmp4, $1  }
0xbb: {  	_ =	sdelay $0x3  }
0xbc: {  	_ =	sfence.sel $0x180000  }
0xbd: {  	[bflag:$0x0] =	sbarrier.arrive $0xFFFF  }
0xbe: {  	_ =	strace $0x9000004D  }
0xbf: {  	s0 =	stileid.u32;
	[bflag:$0x2] =	sbarrier.arrive $0xFFFF  }
0xc0: {  	p0 =	sne.s32 s0, $0x0;
	s0 =	rddreg [dreg:$0x2]  }
0xc1: {  	s0 =	sadd.s32 @!p0 $0x100000, s0  }
0xc2: {  	[sflag:s0] =	ssyncadd.tile.s32 @!p0 $0x1;
	_ =	shalt  }
.Lfunc_end2:
_tile_overlayer_lowered:
.L_overlay_start_2:
0xc3: {  	(tag) =	ssettag $0x2  }
0xc4: {  	s0 =	rddreg [dreg:$0x0];
	s2 =	stileid.u32  }
0xc5: {  	s1 =	rddreg [dreg:$0x1];
	p0 =	sne.s32 s2, $0x0  }
0xc6: {  	s3 =	rddreg [dreg:$0x2];
	[bflag:$0x3] =	sbarrier.arrive $0xFFFF;
	s2 =	simm.s32 @!p0 $0x1C02  }
0xc7: {  	[timem:s3], [sflag:s2] =	dma.local @!p0 [hbm:s0], s1  }
0xc8: {  	s0 =	simm.s32 @!p0 $0x2  }
0xc9: {  	_ =	swait.ge @!p0 [sflag:s0], s1  }
0xca: {  	s1 =	ssub.s32 @!p0 $0x0, s1;
	[sflag:s0] =	ssyncset.done @!p0 $0x0  }
0xcb: {  	[sflag:s0] =	ssyncadd.s32 @!p0 s1  }
0xcc: {  	[bflag:$0x3] =	sbarrier.arrive $0xFFFF  }
0xcd: {  	_ =	shalt  }

</sc_bundles>
